<compile_context>
chip_gen: v7x
topology: tpu7x:2x2x1
jax: 0.10.2.dev20260603
libtpu: 0.0.44.dev20260713+nightly
codegen_flags: <defaults>
</compile_context>

<pallas_src>
import jax
import jax.numpy as jnp
from jax import lax
from jax.experimental import pallas as pl
from jax.experimental.pallas import tpu as pltpu
from jax.experimental.pallas import tpu_sc as plsc

IN_DIM = 64
WIDTH = 64
K = 8
RADIUS = 0.1

QB = 128
PD = 16
GW = 128
NG = 128
TD = 128

NC = 2
NS = 16
NW = NC * NS
CH = 128


def _knn_a1_body(x_ref, p_ref, d2_ref, grp_ref):
    x = x_ref[...]
    p = p_ref[...]
    xn = jnp.sum(x * x, axis=1, keepdims=True)
    pn = jnp.sum(p * p, axis=0, keepdims=True)
    dot = lax.dot_general(x, p, (((1,), (0,)), ((), ())),
                          preferred_element_type=jnp.float32)
    d2 = xn + pn - 2.0 * dot
    cols = []
    for g in range(NG):
        s = lax.slice_in_dim(d2, g * GW, (g + 1) * GW, axis=1)
        d2_ref[g] = s
        cols.append(jnp.min(s, axis=1, keepdims=True))
    c = jnp.concatenate(cols, axis=1)
    piota = lax.broadcasted_iota(jnp.int32, c.shape, 1).astype(jnp.float32)
    grps = []
    for k in range(K):
        mv = jnp.min(c, axis=1, keepdims=True)
        im = jnp.min(jnp.where(c <= mv, piota, 3e7), axis=1, keepdims=True)
        grps.append(im)
        if k < K - 1:
            c = jnp.where(piota == im, 1e30, c)
    grp_ref[...] = jnp.concatenate(grps, axis=1).astype(jnp.int32)


def _knn_a2_body(cand_ref, grp_ref, idx_ref, w_ref):
    cand = cand_ref[...].reshape(QB, K * GW)
    grp = grp_ref[...].astype(jnp.float32)
    gb = jnp.broadcast_to(grp[:, :, None], (QB, K, GW)).reshape(QB, K * GW)
    l = lax.broadcasted_iota(jnp.int32, (QB, K * GW), 1)
    lmod = (l & (GW - 1)).astype(jnp.float32)
    gi = gb * float(GW) + lmod
    dists = []
    idxs = []
    for k in range(K):
        mv = jnp.min(cand, axis=1, keepdims=True)
        im = jnp.min(jnp.where(cand <= mv, gi, 3e7), axis=1, keepdims=True)
        dists.append(mv)
        idxs.append(im)
        if k < K - 1:
            cand = jnp.where(gi == im, 1e30, cand)
    d2k = jnp.concatenate(dists, axis=1)
    idx = jnp.concatenate(idxs, axis=1).astype(jnp.int32)
    dist = jnp.sqrt(jnp.maximum(d2k, 1e-12))
    valid = (dist < RADIUS).astype(jnp.float32)
    w = valid / (dist + 1e-8)
    wts = w / (jnp.sum(w, axis=1, keepdims=True) + 1e-8)
    idx_ref[...] = idx
    w_ref[...] = wts


def _sc_gather_body(idx_hbm, tab_hbm, out_hbm, idx_v, rows_v, sem):
    nch = idx_hbm.shape[0] // NW
    half = nch // 2
    b_per_w = nch * CH
    wid = lax.axis_index("s") * NC + lax.axis_index("c")
    base = wid * nch
    pltpu.sync_copy(idx_hbm.at[pl.ds(base, nch)], idx_v)
    for h in range(2):
        copies = []
        for j in range(half):
            copies.append(pltpu.async_copy(
                tab_hbm.at[idx_v.at[h * half + j]],
                rows_v.at[pl.ds(j * CH, CH)], sem))
        for c in copies:
            c.wait()
        pltpu.sync_copy(
            rows_v,
            out_hbm.at[pl.ds(wid * b_per_w + h * half * CH, half * CH)])


def _mlp_body(g_ref, x_ref, w_ref, w0f_ref, w0p_ref, b0_ref,
              w1_ref, b1_ref, wc_ref, bc_ref, wf_ref, bf_ref, out_ref):
    n = QB * K
    g = g_ref[...].reshape(n, TD)
    gf = g[:, :IN_DIM]
    gp = g[:, IN_DIM:IN_DIM + PD]
    x = x_ref[...]
    xr = jnp.broadcast_to(x[:, None, :], (QB, K, PD)).reshape(n, PD)
    rel = xr - gp
    h = gf @ w0f_ref[...] + rel @ w0p_ref[...] + b0_ref[...]
    h = jnp.maximum(h, 0.0)
    h = jnp.maximum(h @ w1_ref[...] + b1_ref[...], 0.0)
    s = jnp.sum(h * wc_ref[...], axis=1, keepdims=True) + bc_ref[...]
    conf = jax.nn.sigmoid(s)
    o = h @ wf_ref[...] + bf_ref[...]
    scale = conf.reshape(QB, K, 1) * w_ref[...][:, :, None]
    out_ref[...] = jnp.sum(o.reshape(QB, K, IN_DIM) * scale, axis=1)


def kernel(xyz, pcd, feat, W0, b0, W1, b1, Wd, bd, Wc, bc, Wf, bf):
    q = xyz.shape[0]
    m = pcd.shape[0]
    f32 = jnp.float32
    b = q * K
    b_per_w = b // NW
    nch = b_per_w // CH
    sc_mesh = plsc.VectorSubcoreMesh(
        core_axis_name="c", subcore_axis_name="s",
        num_cores=NC, num_subcores=NS)

    def sc_gather(idx2d, table):
        return pl.kernel(
            _sc_gather_body,
            out_type=jax.ShapeDtypeStruct((b, TD), f32),
            mesh=sc_mesh,
            scratch_types=[
                pltpu.VMEM((nch, CH), jnp.int32),
                pltpu.VMEM((b_per_w // 2, TD), f32),
                pltpu.SemaphoreType.DMA,
            ],
        )(idx2d, table)

    x8 = jnp.pad(xyz, ((0, 0), (0, 5)))
    pt = jnp.pad(pcd, ((0, 0), (0, 5))).T
    d2g, grp = pl.pallas_call(
        _knn_a1_body,
        grid=(q // QB,),
        in_specs=[
            pl.BlockSpec((QB, 8), lambda i: (i, 0)),
            pl.BlockSpec((8, m), lambda i: (0, 0)),
        ],
        out_specs=[
            pl.BlockSpec((NG, QB, GW), lambda i: (0, i, 0)),
            pl.BlockSpec((QB, K), lambda i: (i, 0)),
        ],
        out_shape=[
            jax.ShapeDtypeStruct((NG, q, GW), f32),
            jax.ShapeDtypeStruct((q, K), jnp.int32),
        ],
    )(x8, pt)

    rowidx = grp * q + jnp.arange(q, dtype=jnp.int32)[:, None]
    cand = sc_gather(rowidx.reshape(b // CH, CH), d2g.reshape(NG * q, GW))

    idx, wts = pl.pallas_call(
        _knn_a2_body,
        grid=(q // QB,),
        in_specs=[
            pl.BlockSpec((QB, K, GW), lambda i: (i, 0, 0)),
            pl.BlockSpec((QB, K), lambda i: (i, 0)),
        ],
        out_specs=[
            pl.BlockSpec((QB, K), lambda i: (i, 0)),
            pl.BlockSpec((QB, K), lambda i: (i, 0)),
        ],
        out_shape=[
            jax.ShapeDtypeStruct((q, K), jnp.int32),
            jax.ShapeDtypeStruct((q, K), f32),
        ],
    )(cand.reshape(q, K, GW), grp)

    table = jnp.pad(jnp.concatenate([feat, pcd], axis=1),
                    ((0, 0), (0, TD - IN_DIM - 3)))
    g = sc_gather(idx.reshape(b // CH, CH), table)

    x16 = jnp.pad(xyz, ((0, 0), (0, PD - 3)))
    w0f = W0[:IN_DIM]
    w0p = jnp.pad(W0[IN_DIM:], ((0, PD - 3), (0, 0)))
    full = lambda shape: pl.BlockSpec(shape, lambda i: tuple(0 for _ in shape))
    out = pl.pallas_call(
        _mlp_body,
        grid=(q // QB,),
        in_specs=[
            pl.BlockSpec((QB, K, TD), lambda i: (i, 0, 0)),
            pl.BlockSpec((QB, PD), lambda i: (i, 0)),
            pl.BlockSpec((QB, K), lambda i: (i, 0)),
            full((IN_DIM, WIDTH)),
            full((PD, WIDTH)),
            full((1, WIDTH)),
            full((WIDTH, WIDTH)),
            full((1, WIDTH)),
            full((1, WIDTH)),
            full((1, 1)),
            full((WIDTH, IN_DIM)),
            full((1, IN_DIM)),
        ],
        out_specs=pl.BlockSpec((QB, IN_DIM), lambda i: (i, 0)),
        out_shape=jax.ShapeDtypeStruct((q, IN_DIM), f32),
    )(g.reshape(q, K, TD), x16, wts,
      w0f, w0p, b0.reshape(1, WIDTH), W1, b1.reshape(1, WIDTH),
      Wc.reshape(1, WIDTH), bc.reshape(1, 1), Wf, bf.reshape(1, IN_DIM))
    return out

# --- scband reference (transcript-rebuilt; emitter-appended) ---
"""Pipeline reference for scband-point-ne-rfembedder-35373350650666 (READ-ONLY COPY).

The authoritative reference and input builder live on the scoring server;
editing this copy changes nothing except your own understanding.
"""

import jax, jax.numpy as jnp
import numpy as np

IN_DIM = 64
WIDTH = 64
K = 8
RADIUS = 0.1
Q = 4096
M = 16384


def _linear_params(key, fan_in, fan_out):
    s = 1.0 / np.sqrt(fan_in)
    kw, kb = jax.random.split(key)
    W = jax.random.uniform(kw, (fan_in, fan_out), minval=-s, maxval=s, dtype=jnp.float32)
    b = jax.random.uniform(kb, (fan_out,), minval=-s, maxval=s, dtype=jnp.float32)
    return W, b


def setup_inputs(seed: int = 0) -> dict:
    key = jax.random.key(seed)
    ks = jax.random.split(key, 8)
    xyz = jax.random.uniform(ks[0], (Q, 3), dtype=jnp.float32)
    pcd = jax.random.uniform(ks[1], (M, 3), dtype=jnp.float32)
    feat = jax.random.normal(ks[2], (M, IN_DIM), dtype=jnp.float32)
    W0, b0 = _linear_params(ks[3], IN_DIM + 3, WIDTH)
    W1, b1 = _linear_params(ks[4], WIDTH, WIDTH)
    Wd, bd = _linear_params(ks[5], WIDTH, 1)
    Wc, bc = _linear_params(ks[6], WIDTH, 1)
    Wf, bf = _linear_params(ks[7], WIDTH, IN_DIM)
    return {"xyz": xyz, "pcd": pcd, "feat": feat,
            "W0": W0, "b0": b0, "W1": W1, "b1": b1,
            "Wd": Wd, "bd": bd, "Wc": Wc, "bc": bc, "Wf": Wf, "bf": bf}


def reference(xyz, pcd, feat, W0, b0, W1, b1, Wd, bd, Wc, bc, Wf, bf):
    # brute-force KNN: squared distances via |x|^2 + |p|^2 - 2 x.p (avoids [Q,M,3] tensor)
    xn = jnp.sum(xyz * xyz, axis=-1, keepdims=True)            # [Q,1]
    pn = jnp.sum(pcd * pcd, axis=-1, keepdims=True).T           # [1,M]
    d2 = xn + pn - 2.0 * (xyz @ pcd.T)                          # [Q,M]
    neg, idx = jax.lax.top_k(-d2, K)                            # [Q,K]
    dist = jnp.sqrt(jnp.maximum(-neg, 1e-12))                   # [Q,K]
    nbr_pos = jnp.take(pcd, idx, axis=0)                        # [Q,K,3]
    nbr_feat = jnp.take(feat, idx, axis=0)                      # [Q,K,IN_DIM]
    rel = xyz[:, None, :] - nbr_pos                             # [Q,K,3]
    h = jnp.concatenate([nbr_feat, rel], axis=-1)               # [Q,K,IN_DIM+3]
    h = jax.nn.relu(h @ W0 + b0)
    h = jax.nn.relu(h @ W1 + b1)
    density = jax.nn.softplus(h @ Wd + bd)                      # [Q,K,1]
    confidence = jax.nn.sigmoid(h @ Wc + bc)                    # [Q,K,1]
    out_feat = h @ Wf + bf                                      # [Q,K,IN_DIM]
    valid = (dist < RADIUS).astype(jnp.float32)[..., None]      # [Q,K,1]
    w = valid / (dist[..., None] + 1e-8)
    weights = w / (jnp.sum(w, axis=-2, keepdims=True) + 1e-8)   # inverse-distance normalized
    density_o = jnp.sum(density * confidence * weights, axis=-2)  # [Q,1] (batch.output.density)
    feat_o = jnp.sum(out_feat * confidence * weights, axis=-2)    # [Q,IN_DIM]
    return feat_o

if __name__ == "__main__":
    import jax
    _d = setup_inputs()
    print(jax.jit(kernel)(*tuple(_d.values())))

</pallas_src>

<mosaic_0001>
#map = affine_map<(d0, d1) -> (0, 0)>
module attributes {stable_mosaic.version = 14 : i64} {
  func.func @_sc_gather_body(%arg0: i32, %arg1: i32, %arg2: memref<256x128xi32, #tpu.memory_space<hbm>>, %arg3: memref<16384x128xf32, #tpu.memory_space<hbm>>, %arg4: memref<32768x128xf32, #tpu.memory_space<hbm>>, %arg5: memref<8x128xi32, #tpu.memory_space<vmem>>, %arg6: memref<512x128xf32, #tpu.memory_space<vmem>>, %arg7: memref<!tpu.dma_semaphore, #tpu.memory_space<semaphore_mem>>) attributes {dimension_semantics = [#tpu.dimension_semantics<core_parallel>, #tpu.dimension_semantics<subcore_parallel>], iteration_bounds = array<i64: 2, 16>, scalar_prefetch = 0 : i64, scratch_operands = 3 : i64, tpu.core_type = #tpu.core_type<sc_vector_subcore>, window_params = [{transform_indices = #map}, {transform_indices = #map}, {transform_indices = #map}]} {
    %mul3A = arith.constant 2 : i32
    %mul3A_0 = arith.muli %arg1, %mul3A : i32
    %add3A = arith.addi %mul3A_0, %arg0 : i32
    %mul3A_1 = arith.constant 8 : i32
    %mul3A_2 = arith.muli %add3A, %mul3A_1 : i32
    "tpu.region"() ({
      %run_scoped3A = tpu.sem_alloc : memref<!tpu.dma_semaphore, #tpu.memory_space<semaphore_mem>>
      %dma_start3A_169 = arith.constant 0 : i32
      %dma_start3A_170 = tpu.memref_slice %arg2[%mul3A_2, %dma_start3A_169] : memref<256x128xi32, #tpu.memory_space<hbm>> -> memref<8x128xi32, #tpu.memory_space<hbm>>
      %dma_start3A_171 = arith.constant 0 : i32
      %dma_start3A_172 = tpu.memref_slice %arg2[%mul3A_2, %dma_start3A_171] : memref<256x128xi32, #tpu.memory_space<hbm>> -> memref<8x128xi32, #tpu.memory_space<hbm>>
      tpu.enqueue_dma source(%dma_start3A_172 : memref<8x128xi32, #tpu.memory_space<hbm>>) target(%arg5 : memref<8x128xi32, #tpu.memory_space<vmem>>) target_semaphore(%run_scoped3A : memref<!tpu.dma_semaphore, #tpu.memory_space<semaphore_mem>>)
      %dma_wait3A_173 = arith.constant 0 : i32
      %dma_wait3A_174 = tpu.memref_slice %arg2[%mul3A_2, %dma_wait3A_173] : memref<256x128xi32, #tpu.memory_space<hbm>> -> memref<8x128xi32, #tpu.memory_space<hbm>>
      %dma_wait3A_175 = arith.constant 0 : i32
      %dma_wait3A_176 = tpu.memref_slice %arg2[%mul3A_2, %dma_wait3A_175] : memref<256x128xi32, #tpu.memory_space<hbm>> -> memref<8x128xi32, #tpu.memory_space<hbm>>
      tpu.wait_dma2 semaphore(%run_scoped3A : memref<!tpu.dma_semaphore, #tpu.memory_space<semaphore_mem>>) src(%dma_wait3A_176 : memref<8x128xi32, #tpu.memory_space<hbm>>) dst(%arg5 : memref<8x128xi32, #tpu.memory_space<vmem>>)
      tpu.yield
    }) : () -> ()
    %dma_start3A = arith.constant 0 : i32
    %dma_start3A_3 = arith.constant 0 : i32
    %dma_start3A_4 = arith.constant 0 : i32
    %dma_start3A_5 = tpu.memref_slice %arg6[%dma_start3A_3, %dma_start3A_4] : memref<512x128xf32, #tpu.memory_space<vmem>> -> memref<128x128xf32, #tpu.memory_space<vmem>>
    %dma_start3A_6 = arith.constant 0 : i32
    %dma_start3A_7 = tpu.memref_slice %arg5[%dma_start3A, %dma_start3A_6] : memref<8x128xi32, #tpu.memory_space<vmem>> -> memref<1x128xi32, #tpu.memory_space<vmem>>
    %dma_start3A_8 = tpu.memref_squeeze %dma_start3A_7 : memref<1x128xi32, #tpu.memory_space<vmem>> -> memref<128xi32, #tpu.memory_space<vmem>>
    %dma_start3A_9 = arith.constant 0 : i32
    %dma_start3A_10 = arith.constant 0 : i32
    %dma_start3A_11 = tpu.memref_slice %arg3[%dma_start3A_9, %dma_start3A_10] : memref<16384x128xf32, #tpu.memory_space<hbm>> -> memref<16384x128xf32, #tpu.memory_space<hbm>>
    tpu.enqueue_indirect_dma source(%dma_start3A_11 : memref<16384x128xf32, #tpu.memory_space<hbm>>) target(%dma_start3A_5 : memref<128x128xf32, #tpu.memory_space<vmem>>) offsets(%dma_start3A_8 : memref<128xi32, #tpu.memory_space<vmem>>) semaphore(%arg7 : memref<!tpu.dma_semaphore, #tpu.memory_space<semaphore_mem>>)
    %dma_start3A_12 = arith.constant 1 : i32
    %dma_start3A_13 = arith.constant 128 : i32
    %dma_start3A_14 = arith.constant 0 : i32
    %dma_start3A_15 = tpu.memref_slice %arg6[%dma_start3A_13, %dma_start3A_14] : memref<512x128xf32, #tpu.memory_space<vmem>> -> memref<128x128xf32, #tpu.memory_space<vmem>>
    %dma_start3A_16 = arith.constant 0 : i32
    %dma_start3A_17 = tpu.memref_slice %arg5[%dma_start3A_12, %dma_start3A_16] : memref<8x128xi32, #tpu.memory_space<vmem>> -> memref<1x128xi32, #tpu.memory_space<vmem>>
    %dma_start3A_18 = tpu.memref_squeeze %dma_start3A_17 : memref<1x128xi32, #tpu.memory_space<vmem>> -> memref<128xi32, #tpu.memory_space<vmem>>
    %dma_start3A_19 = arith.constant 0 : i32
    %dma_start3A_20 = arith.constant 0 : i32
    %dma_start3A_21 = tpu.memref_slice %arg3[%dma_start3A_19, %dma_start3A_20] : memref<16384x128xf32, #tpu.memory_space<hbm>> -> memref<16384x128xf32, #tpu.memory_space<hbm>>
    tpu.enqueue_indirect_dma source(%dma_start3A_21 : memref<16384x128xf32, #tpu.memory_space<hbm>>) target(%dma_start3A_15 : memref<128x128xf32, #tpu.memory_space<vmem>>) offsets(%dma_start3A_18 : memref<128xi32, #tpu.memory_space<vmem>>) semaphore(%arg7 : memref<!tpu.dma_semaphore, #tpu.memory_space<semaphore_mem>>)
    %dma_start3A_22 = arith.constant 2 : i32
    %dma_start3A_23 = arith.constant 256 : i32
    %dma_start3A_24 = arith.constant 0 : i32
    %dma_start3A_25 = tpu.memref_slice %arg6[%dma_start3A_23, %dma_start3A_24] : memref<512x128xf32, #tpu.memory_space<vmem>> -> memref<128x128xf32, #tpu.memory_space<vmem>>
    %dma_start3A_26 = arith.constant 0 : i32
    %dma_start3A_27 = tpu.memref_slice %arg5[%dma_start3A_22, %dma_start3A_26] : memref<8x128xi32, #tpu.memory_space<vmem>> -> memref<1x128xi32, #tpu.memory_space<vmem>>
    %dma_start3A_28 = tpu.memref_squeeze %dma_start3A_27 : memref<1x128xi32, #tpu.memory_space<vmem>> -> memref<128xi32, #tpu.memory_space<vmem>>
    %dma_start3A_29 = arith.constant 0 : i32
    %dma_start3A_30 = arith.constant 0 : i32
    %dma_start3A_31 = tpu.memref_slice %arg3[%dma_start3A_29, %dma_start3A_30] : memref<16384x128xf32, #tpu.memory_space<hbm>> -> memref<16384x128xf32, #tpu.memory_space<hbm>>
    tpu.enqueue_indirect_dma source(%dma_start3A_31 : memref<16384x128xf32, #tpu.memory_space<hbm>>) target(%dma_start3A_25 : memref<128x128xf32, #tpu.memory_space<vmem>>) offsets(%dma_start3A_28 : memref<128xi32, #tpu.memory_space<vmem>>) semaphore(%arg7 : memref<!tpu.dma_semaphore, #tpu.memory_space<semaphore_mem>>)
    %dma_start3A_32 = arith.constant 3 : i32
    %dma_start3A_33 = arith.constant 384 : i32
    %dma_start3A_34 = arith.constant 0 : i32
    %dma_start3A_35 = tpu.memref_slice %arg6[%dma_start3A_33, %dma_start3A_34] : memref<512x128xf32, #tpu.memory_space<vmem>> -> memref<128x128xf32, #tpu.memory_space<vmem>>
    %dma_start3A_36 = arith.constant 0 : i32
    %dma_start3A_37 = tpu.memref_slice %arg5[%dma_start3A_32, %dma_start3A_36] : memref<8x128xi32, #tpu.memory_space<vmem>> -> memref<1x128xi32, #tpu.memory_space<vmem>>
    %dma_start3A_38 = tpu.memref_squeeze %dma_start3A_37 : memref<1x128xi32, #tpu.memory_space<vmem>> -> memref<128xi32, #tpu.memory_space<vmem>>
    %dma_start3A_39 = arith.constant 0 : i32
    %dma_start3A_40 = arith.constant 0 : i32
    %dma_start3A_41 = tpu.memref_slice %arg3[%dma_start3A_39, %dma_start3A_40] : memref<16384x128xf32, #tpu.memory_space<hbm>> -> memref<16384x128xf32, #tpu.memory_space<hbm>>
    tpu.enqueue_indirect_dma source(%dma_start3A_41 : memref<16384x128xf32, #tpu.memory_space<hbm>>) target(%dma_start3A_35 : memref<128x128xf32, #tpu.memory_space<vmem>>) offsets(%dma_start3A_38 : memref<128xi32, #tpu.memory_space<vmem>>) semaphore(%arg7 : memref<!tpu.dma_semaphore, #tpu.memory_space<semaphore_mem>>)
    %dma_wait3A = arith.constant 0 : i32
    %dma_wait3A_42 = arith.constant 0 : i32
    %dma_wait3A_43 = arith.constant 0 : i32
    %dma_wait3A_44 = tpu.memref_slice %arg6[%dma_wait3A_42, %dma_wait3A_43] : memref<512x128xf32, #tpu.memory_space<vmem>> -> memref<128x128xf32, #tpu.memory_space<vmem>>
    %dma_wait3A_45 = arith.constant 0 : i32
    %dma_wait3A_46 = tpu.memref_slice %arg5[%dma_wait3A, %dma_wait3A_45] : memref<8x128xi32, #tpu.memory_space<vmem>> -> memref<1x128xi32, #tpu.memory_space<vmem>>
    %dma_wait3A_47 = tpu.memref_squeeze %dma_wait3A_46 : memref<1x128xi32, #tpu.memory_space<vmem>> -> memref<128xi32, #tpu.memory_space<vmem>>
    %dma_wait3A_48 = arith.constant 0 : i32
    %dma_wait3A_49 = arith.constant 0 : i32
    %dma_wait3A_50 = tpu.memref_slice %arg3[%dma_wait3A_48, %dma_wait3A_49] : memref<16384x128xf32, #tpu.memory_space<hbm>> -> memref<16384x128xf32, #tpu.memory_space<hbm>>
    tpu.wait_indirect_dma semaphore(%arg7 : memref<!tpu.dma_semaphore, #tpu.memory_space<semaphore_mem>>) src(%dma_wait3A_50 : memref<16384x128xf32, #tpu.memory_space<hbm>>) dst(%dma_wait3A_44 : memref<128x128xf32, #tpu.memory_space<vmem>>)
    %dma_wait3A_51 = arith.constant 1 : i32
    %dma_wait3A_52 = arith.constant 128 : i32
    %dma_wait3A_53 = arith.constant 0 : i32
    %dma_wait3A_54 = tpu.memref_slice %arg6[%dma_wait3A_52, %dma_wait3A_53] : memref<512x128xf32, #tpu.memory_space<vmem>> -> memref<128x128xf32, #tpu.memory_space<vmem>>
    %dma_wait3A_55 = arith.constant 0 : i32
    %dma_wait3A_56 = tpu.memref_slice %arg5[%dma_wait3A_51, %dma_wait3A_55] : memref<8x128xi32, #tpu.memory_space<vmem>> -> memref<1x128xi32, #tpu.memory_space<vmem>>
    %dma_wait3A_57 = tpu.memref_squeeze %dma_wait3A_56 : memref<1x128xi32, #tpu.memory_space<vmem>> -> memref<128xi32, #tpu.memory_space<vmem>>
    %dma_wait3A_58 = arith.constant 0 : i32
    %dma_wait3A_59 = arith.constant 0 : i32
    %dma_wait3A_60 = tpu.memref_slice %arg3[%dma_wait3A_58, %dma_wait3A_59] : memref<16384x128xf32, #tpu.memory_space<hbm>> -> memref<16384x128xf32, #tpu.memory_space<hbm>>
    tpu.wait_indirect_dma semaphore(%arg7 : memref<!tpu.dma_semaphore, #tpu.memory_space<semaphore_mem>>) src(%dma_wait3A_60 : memref<16384x128xf32, #tpu.memory_space<hbm>>) dst(%dma_wait3A_54 : memref<128x128xf32, #tpu.memory_space<vmem>>)
    %dma_wait3A_61 = arith.constant 2 : i32
    %dma_wait3A_62 = arith.constant 256 : i32
    %dma_wait3A_63 = arith.constant 0 : i32
    %dma_wait3A_64 = tpu.memref_slice %arg6[%dma_wait3A_62, %dma_wait3A_63] : memref<512x128xf32, #tpu.memory_space<vmem>> -> memref<128x128xf32, #tpu.memory_space<vmem>>
    %dma_wait3A_65 = arith.constant 0 : i32
    %dma_wait3A_66 = tpu.memref_slice %arg5[%dma_wait3A_61, %dma_wait3A_65] : memref<8x128xi32, #tpu.memory_space<vmem>> -> memref<1x128xi32, #tpu.memory_space<vmem>>
    %dma_wait3A_67 = tpu.memref_squeeze %dma_wait3A_66 : memref<1x128xi32, #tpu.memory_space<vmem>> -> memref<128xi32, #tpu.memory_space<vmem>>
    %dma_wait3A_68 = arith.constant 0 : i32
    %dma_wait3A_69 = arith.constant 0 : i32
    %dma_wait3A_70 = tpu.memref_slice %arg3[%dma_wait3A_68, %dma_wait3A_69] : memref<16384x128xf32, #tpu.memory_space<hbm>> -> memref<16384x128xf32, #tpu.memory_space<hbm>>
    tpu.wait_indirect_dma semaphore(%arg7 : memref<!tpu.dma_semaphore, #tpu.memory_space<semaphore_mem>>) src(%dma_wait3A_70 : memref<16384x128xf32, #tpu.memory_space<hbm>>) dst(%dma_wait3A_64 : memref<128x128xf32, #tpu.memory_space<vmem>>)
    %dma_wait3A_71 = arith.constant 3 : i32
    %dma_wait3A_72 = arith.constant 384 : i32
    %dma_wait3A_73 = arith.constant 0 : i32
    %dma_wait3A_74 = tpu.memref_slice %arg6[%dma_wait3A_72, %dma_wait3A_73] : memref<512x128xf32, #tpu.memory_space<vmem>> -> memref<128x128xf32, #tpu.memory_space<vmem>>
    %dma_wait3A_75 = arith.constant 0 : i32
    %dma_wait3A_76 = tpu.memref_slice %arg5[%dma_wait3A_71, %dma_wait3A_75] : memref<8x128xi32, #tpu.memory_space<vmem>> -> memref<1x128xi32, #tpu.memory_space<vmem>>
    %dma_wait3A_77 = tpu.memref_squeeze %dma_wait3A_76 : memref<1x128xi32, #tpu.memory_space<vmem>> -> memref<128xi32, #tpu.memory_space<vmem>>
    %dma_wait3A_78 = arith.constant 0 : i32
    %dma_wait3A_79 = arith.constant 0 : i32
    %dma_wait3A_80 = tpu.memref_slice %arg3[%dma_wait3A_78, %dma_wait3A_79] : memref<16384x128xf32, #tpu.memory_space<hbm>> -> memref<16384x128xf32, #tpu.memory_space<hbm>>
    tpu.wait_indirect_dma semaphore(%arg7 : memref<!tpu.dma_semaphore, #tpu.memory_space<semaphore_mem>>) src(%dma_wait3A_80 : memref<16384x128xf32, #tpu.memory_space<hbm>>) dst(%dma_wait3A_74 : memref<128x128xf32, #tpu.memory_space<vmem>>)
    %mul3A_81 = arith.constant 1024 : i32
    %mul3A_82 = arith.muli %add3A, %mul3A_81 : i32
    %add3A_83 = arith.constant 0 : i32
    %add3A_84 = arith.addi %mul3A_82, %add3A_83 : i32
    "tpu.region"() ({
      %run_scoped3A = tpu.sem_alloc : memref<!tpu.dma_semaphore, #tpu.memory_space<semaphore_mem>>
      %dma_start3A_169 = arith.constant 0 : i32
      %dma_start3A_170 = tpu.memref_slice %arg4[%add3A_84, %dma_start3A_169] : memref<32768x128xf32, #tpu.memory_space<hbm>> -> memref<512x128xf32, #tpu.memory_space<hbm>>
      %dma_start3A_171 = arith.constant 0 : i32
      %dma_start3A_172 = tpu.memref_slice %arg4[%add3A_84, %dma_start3A_171] : memref<32768x128xf32, #tpu.memory_space<hbm>> -> memref<512x128xf32, #tpu.memory_space<hbm>>
      tpu.enqueue_dma source(%arg6 : memref<512x128xf32, #tpu.memory_space<vmem>>) target(%dma_start3A_172 : memref<512x128xf32, #tpu.memory_space<hbm>>) target_semaphore(%run_scoped3A : memref<!tpu.dma_semaphore, #tpu.memory_space<semaphore_mem>>)
      %dma_wait3A_173 = arith.constant 0 : i32
      %dma_wait3A_174 = tpu.memref_slice %arg4[%add3A_84, %dma_wait3A_173] : memref<32768x128xf32, #tpu.memory_space<hbm>> -> memref<512x128xf32, #tpu.memory_space<hbm>>
      %dma_wait3A_175 = arith.constant 0 : i32
      %dma_wait3A_176 = tpu.memref_slice %arg4[%add3A_84, %dma_wait3A_175] : memref<32768x128xf32, #tpu.memory_space<hbm>> -> memref<512x128xf32, #tpu.memory_space<hbm>>
      tpu.wait_dma2 semaphore(%run_scoped3A : memref<!tpu.dma_semaphore, #tpu.memory_space<semaphore_mem>>) src(%arg6 : memref<512x128xf32, #tpu.memory_space<vmem>>) dst(%dma_wait3A_176 : memref<512x128xf32, #tpu.memory_space<hbm>>)
      tpu.yield
    }) : () -> ()
    %dma_start3A_85 = arith.constant 4 : i32
    %dma_start3A_86 = arith.constant 0 : i32
    %dma_start3A_87 = arith.constant 0 : i32
    %dma_start3A_88 = tpu.memref_slice %arg6[%dma_start3A_86, %dma_start3A_87] : memref<512x128xf32, #tpu.memory_space<vmem>> -> memref<128x128xf32, #tpu.memory_space<vmem>>
    %dma_start3A_89 = arith.constant 0 : i32
    %dma_start3A_90 = tpu.memref_slice %arg5[%dma_start3A_85, %dma_start3A_89] : memref<8x128xi32, #tpu.memory_space<vmem>> -> memref<1x128xi32, #tpu.memory_space<vmem>>
    %dma_start3A_91 = tpu.memref_squeeze %dma_start3A_90 : memref<1x128xi32, #tpu.memory_space<vmem>> -> memref<128xi32, #tpu.memory_space<vmem>>
    %dma_start3A_92 = arith.constant 0 : i32
    %dma_start3A_93 = arith.constant 0 : i32
    %dma_start3A_94 = tpu.memref_slice %arg3[%dma_start3A_92, %dma_start3A_93] : memref<16384x128xf32, #tpu.memory_space<hbm>> -> memref<16384x128xf32, #tpu.memory_space<hbm>>
    tpu.enqueue_indirect_dma source(%dma_start3A_94 : memref<16384x128xf32, #tpu.memory_space<hbm>>) target(%dma_start3A_88 : memref<128x128xf32, #tpu.memory_space<vmem>>) offsets(%dma_start3A_91 : memref<128xi32, #tpu.memory_space<vmem>>) semaphore(%arg7 : memref<!tpu.dma_semaphore, #tpu.memory_space<semaphore_mem>>)
    %dma_start3A_95 = arith.constant 5 : i32
    %dma_start3A_96 = arith.constant 128 : i32
    %dma_start3A_97 = arith.constant 0 : i32
    %dma_start3A_98 = tpu.memref_slice %arg6[%dma_start3A_96, %dma_start3A_97] : memref<512x128xf32, #tpu.memory_space<vmem>> -> memref<128x128xf32, #tpu.memory_space<vmem>>
    %dma_start3A_99 = arith.constant 0 : i32
    %dma_start3A_100 = tpu.memref_slice %arg5[%dma_start3A_95, %dma_start3A_99] : memref<8x128xi32, #tpu.memory_space<vmem>> -> memref<1x128xi32, #tpu.memory_space<vmem>>
    %dma_start3A_101 = tpu.memref_squeeze %dma_start3A_100 : memref<1x128xi32, #tpu.memory_space<vmem>> -> memref<128xi32, #tpu.memory_space<vmem>>
    %dma_start3A_102 = arith.constant 0 : i32
    %dma_start3A_103 = arith.constant 0 : i32
    %dma_start3A_104 = tpu.memref_slice %arg3[%dma_start3A_102, %dma_start3A_103] : memref<16384x128xf32, #tpu.memory_space<hbm>> -> memref<16384x128xf32, #tpu.memory_space<hbm>>
    tpu.enqueue_indirect_dma source(%dma_start3A_104 : memref<16384x128xf32, #tpu.memory_space<hbm>>) target(%dma_start3A_98 : memref<128x128xf32, #tpu.memory_space<vmem>>) offsets(%dma_start3A_101 : memref<128xi32, #tpu.memory_space<vmem>>) semaphore(%arg7 : memref<!tpu.dma_semaphore, #tpu.memory_space<semaphore_mem>>)
    %dma_start3A_105 = arith.constant 6 : i32
    %dma_start3A_106 = arith.constant 256 : i32
    %dma_start3A_107 = arith.constant 0 : i32
    %dma_start3A_108 = tpu.memref_slice %arg6[%dma_start3A_106, %dma_start3A_107] : memref<512x128xf32, #tpu.memory_space<vmem>> -> memref<128x128xf32, #tpu.memory_space<vmem>>
    %dma_start3A_109 = arith.constant 0 : i32
    %dma_start3A_110 = tpu.memref_slice %arg5[%dma_start3A_105, %dma_start3A_109] : memref<8x128xi32, #tpu.memory_space<vmem>> -> memref<1x128xi32, #tpu.memory_space<vmem>>
    %dma_start3A_111 = tpu.memref_squeeze %dma_start3A_110 : memref<1x128xi32, #tpu.memory_space<vmem>> -> memref<128xi32, #tpu.memory_space<vmem>>
    %dma_start3A_112 = arith.constant 0 : i32
    %dma_start3A_113 = arith.constant 0 : i32
    %dma_start3A_114 = tpu.memref_slice %arg3[%dma_start3A_112, %dma_start3A_113] : memref<16384x128xf32, #tpu.memory_space<hbm>> -> memref<16384x128xf32, #tpu.memory_space<hbm>>
    tpu.enqueue_indirect_dma source(%dma_start3A_114 : memref<16384x128xf32, #tpu.memory_space<hbm>>) target(%dma_start3A_108 : memref<128x128xf32, #tpu.memory_space<vmem>>) offsets(%dma_start3A_111 : memref<128xi32, #tpu.memory_space<vmem>>) semaphore(%arg7 : memref<!tpu.dma_semaphore, #tpu.memory_space<semaphore_mem>>)
    %dma_start3A_115 = arith.constant 7 : i32
    %dma_start3A_116 = arith.constant 384 : i32
    %dma_start3A_117 = arith.constant 0 : i32
    %dma_start3A_118 = tpu.memref_slice %arg6[%dma_start3A_116, %dma_start3A_117] : memref<512x128xf32, #tpu.memory_space<vmem>> -> memref<128x128xf32, #tpu.memory_space<vmem>>
    %dma_start3A_119 = arith.constant 0 : i32
    %dma_start3A_120 = tpu.memref_slice %arg5[%dma_start3A_115, %dma_start3A_119] : memref<8x128xi32, #tpu.memory_space<vmem>> -> memref<1x128xi32, #tpu.memory_space<vmem>>
    %dma_start3A_121 = tpu.memref_squeeze %dma_start3A_120 : memref<1x128xi32, #tpu.memory_space<vmem>> -> memref<128xi32, #tpu.memory_space<vmem>>
    %dma_start3A_122 = arith.constant 0 : i32
    %dma_start3A_123 = arith.constant 0 : i32
    %dma_start3A_124 = tpu.memref_slice %arg3[%dma_start3A_122, %dma_start3A_123] : memref<16384x128xf32, #tpu.memory_space<hbm>> -> memref<16384x128xf32, #tpu.memory_space<hbm>>
    tpu.enqueue_indirect_dma source(%dma_start3A_124 : memref<16384x128xf32, #tpu.memory_space<hbm>>) target(%dma_start3A_118 : memref<128x128xf32, #tpu.memory_space<vmem>>) offsets(%dma_start3A_121 : memref<128xi32, #tpu.memory_space<vmem>>) semaphore(%arg7 : memref<!tpu.dma_semaphore, #tpu.memory_space<semaphore_mem>>)
    %dma_wait3A_125 = arith.constant 4 : i32
    %dma_wait3A_126 = arith.constant 0 : i32
    %dma_wait3A_127 = arith.constant 0 : i32
    %dma_wait3A_128 = tpu.memref_slice %arg6[%dma_wait3A_126, %dma_wait3A_127] : memref<512x128xf32, #tpu.memory_space<vmem>> -> memref<128x128xf32, #tpu.memory_space<vmem>>
    %dma_wait3A_129 = arith.constant 0 : i32
    %dma_wait3A_130 = tpu.memref_slice %arg5[%dma_wait3A_125, %dma_wait3A_129] : memref<8x128xi32, #tpu.memory_space<vmem>> -> memref<1x128xi32, #tpu.memory_space<vmem>>
    %dma_wait3A_131 = tpu.memref_squeeze %dma_wait3A_130 : memref<1x128xi32, #tpu.memory_space<vmem>> -> memref<128xi32, #tpu.memory_space<vmem>>
    %dma_wait3A_132 = arith.constant 0 : i32
    %dma_wait3A_133 = arith.constant 0 : i32
    %dma_wait3A_134 = tpu.memref_slice %arg3[%dma_wait3A_132, %dma_wait3A_133] : memref<16384x128xf32, #tpu.memory_space<hbm>> -> memref<16384x128xf32, #tpu.memory_space<hbm>>
    tpu.wait_indirect_dma semaphore(%arg7 : memref<!tpu.dma_semaphore, #tpu.memory_space<semaphore_mem>>) src(%dma_wait3A_134 : memref<16384x128xf32, #tpu.memory_space<hbm>>) dst(%dma_wait3A_128 : memref<128x128xf32, #tpu.memory_space<vmem>>)
    %dma_wait3A_135 = arith.constant 5 : i32
    %dma_wait3A_136 = arith.constant 128 : i32
    %dma_wait3A_137 = arith.constant 0 : i32
    %dma_wait3A_138 = tpu.memref_slice %arg6[%dma_wait3A_136, %dma_wait3A_137] : memref<512x128xf32, #tpu.memory_space<vmem>> -> memref<128x128xf32, #tpu.memory_space<vmem>>
    %dma_wait3A_139 = arith.constant 0 : i32
    %dma_wait3A_140 = tpu.memref_slice %arg5[%dma_wait3A_135, %dma_wait3A_139] : memref<8x128xi32, #tpu.memory_space<vmem>> -> memref<1x128xi32, #tpu.memory_space<vmem>>
    %dma_wait3A_141 = tpu.memref_squeeze %dma_wait3A_140 : memref<1x128xi32, #tpu.memory_space<vmem>> -> memref<128xi32, #tpu.memory_space<vmem>>
    %dma_wait3A_142 = arith.constant 0 : i32
    %dma_wait3A_143 = arith.constant 0 : i32
    %dma_wait3A_144 = tpu.memref_slice %arg3[%dma_wait3A_142, %dma_wait3A_143] : memref<16384x128xf32, #tpu.memory_space<hbm>> -> memref<16384x128xf32, #tpu.memory_space<hbm>>
    tpu.wait_indirect_dma semaphore(%arg7 : memref<!tpu.dma_semaphore, #tpu.memory_space<semaphore_mem>>) src(%dma_wait3A_144 : memref<16384x128xf32, #tpu.memory_space<hbm>>) dst(%dma_wait3A_138 : memref<128x128xf32, #tpu.memory_space<vmem>>)
    %dma_wait3A_145 = arith.constant 6 : i32
    %dma_wait3A_146 = arith.constant 256 : i32
    %dma_wait3A_147 = arith.constant 0 : i32
    %dma_wait3A_148 = tpu.memref_slice %arg6[%dma_wait3A_146, %dma_wait3A_147] : memref<512x128xf32, #tpu.memory_space<vmem>> -> memref<128x128xf32, #tpu.memory_space<vmem>>
    %dma_wait3A_149 = arith.constant 0 : i32
    %dma_wait3A_150 = tpu.memref_slice %arg5[%dma_wait3A_145, %dma_wait3A_149] : memref<8x128xi32, #tpu.memory_space<vmem>> -> memref<1x128xi32, #tpu.memory_space<vmem>>
    %dma_wait3A_151 = tpu.memref_squeeze %dma_wait3A_150 : memref<1x128xi32, #tpu.memory_space<vmem>> -> memref<128xi32, #tpu.memory_space<vmem>>
    %dma_wait3A_152 = arith.constant 0 : i32
    %dma_wait3A_153 = arith.constant 0 : i32
    %dma_wait3A_154 = tpu.memref_slice %arg3[%dma_wait3A_152, %dma_wait3A_153] : memref<16384x128xf32, #tpu.memory_space<hbm>> -> memref<16384x128xf32, #tpu.memory_space<hbm>>
    tpu.wait_indirect_dma semaphore(%arg7 : memref<!tpu.dma_semaphore, #tpu.memory_space<semaphore_mem>>) src(%dma_wait3A_154 : memref<16384x128xf32, #tpu.memory_space<hbm>>) dst(%dma_wait3A_148 : memref<128x128xf32, #tpu.memory_space<vmem>>)
    %dma_wait3A_155 = arith.constant 7 : i32
    %dma_wait3A_156 = arith.constant 384 : i32
    %dma_wait3A_157 = arith.constant 0 : i32
    %dma_wait3A_158 = tpu.memref_slice %arg6[%dma_wait3A_156, %dma_wait3A_157] : memref<512x128xf32, #tpu.memory_space<vmem>> -> memref<128x128xf32, #tpu.memory_space<vmem>>
    %dma_wait3A_159 = arith.constant 0 : i32
    %dma_wait3A_160 = tpu.memref_slice %arg5[%dma_wait3A_155, %dma_wait3A_159] : memref<8x128xi32, #tpu.memory_space<vmem>> -> memref<1x128xi32, #tpu.memory_space<vmem>>
    %dma_wait3A_161 = tpu.memref_squeeze %dma_wait3A_160 : memref<1x128xi32, #tpu.memory_space<vmem>> -> memref<128xi32, #tpu.memory_space<vmem>>
    %dma_wait3A_162 = arith.constant 0 : i32
    %dma_wait3A_163 = arith.constant 0 : i32
    %dma_wait3A_164 = tpu.memref_slice %arg3[%dma_wait3A_162, %dma_wait3A_163] : memref<16384x128xf32, #tpu.memory_space<hbm>> -> memref<16384x128xf32, #tpu.memory_space<hbm>>
    tpu.wait_indirect_dma semaphore(%arg7 : memref<!tpu.dma_semaphore, #tpu.memory_space<semaphore_mem>>) src(%dma_wait3A_164 : memref<16384x128xf32, #tpu.memory_space<hbm>>) dst(%dma_wait3A_158 : memref<128x128xf32, #tpu.memory_space<vmem>>)
    %mul3A_165 = arith.constant 1024 : i32
    %mul3A_166 = arith.muli %add3A, %mul3A_165 : i32
    %add3A_167 = arith.constant 512 : i32
    %add3A_168 = arith.addi %mul3A_166, %add3A_167 : i32
    "tpu.region"() ({
      %run_scoped3A = tpu.sem_alloc : memref<!tpu.dma_semaphore, #tpu.memory_space<semaphore_mem>>
      %dma_start3A_169 = arith.constant 0 : i32
      %dma_start3A_170 = tpu.memref_slice %arg4[%add3A_168, %dma_start3A_169] : memref<32768x128xf32, #tpu.memory_space<hbm>> -> memref<512x128xf32, #tpu.memory_space<hbm>>
      %dma_start3A_171 = arith.constant 0 : i32
      %dma_start3A_172 = tpu.memref_slice %arg4[%add3A_168, %dma_start3A_171] : memref<32768x128xf32, #tpu.memory_space<hbm>> -> memref<512x128xf32, #tpu.memory_space<hbm>>
      tpu.enqueue_dma source(%arg6 : memref<512x128xf32, #tpu.memory_space<vmem>>) target(%dma_start3A_172 : memref<512x128xf32, #tpu.memory_space<hbm>>) target_semaphore(%run_scoped3A : memref<!tpu.dma_semaphore, #tpu.memory_space<semaphore_mem>>)
      %dma_wait3A_173 = arith.constant 0 : i32
      %dma_wait3A_174 = tpu.memref_slice %arg4[%add3A_168, %dma_wait3A_173] : memref<32768x128xf32, #tpu.memory_space<hbm>> -> memref<512x128xf32, #tpu.memory_space<hbm>>
      %dma_wait3A_175 = arith.constant 0 : i32
      %dma_wait3A_176 = tpu.memref_slice %arg4[%add3A_168, %dma_wait3A_175] : memref<32768x128xf32, #tpu.memory_space<hbm>> -> memref<512x128xf32, #tpu.memory_space<hbm>>
      tpu.wait_dma2 semaphore(%run_scoped3A : memref<!tpu.dma_semaphore, #tpu.memory_space<semaphore_mem>>) src(%arg6 : memref<512x128xf32, #tpu.memory_space<vmem>>) dst(%dma_wait3A_176 : memref<512x128xf32, #tpu.memory_space<hbm>>)
      tpu.yield
    }) : () -> ()
    return
  }
}

#map = affine_map<(d0, d1) -> (0, 0)>
module attributes {stable_mosaic.version = 14 : i64} {
  func.func @_sc_gather_body(%arg0: i32, %arg1: i32, %arg2: memref<256x128xi32, #tpu.memory_space<hbm>>, %arg3: memref<524288x128xf32, #tpu.memory_space<hbm>>, %arg4: memref<32768x128xf32, #tpu.memory_space<hbm>>, %arg5: memref<8x128xi32, #tpu.memory_space<vmem>>, %arg6: memref<512x128xf32, #tpu.memory_space<vmem>>, %arg7: memref<!tpu.dma_semaphore, #tpu.memory_space<semaphore_mem>>) attributes {dimension_semantics = [#tpu.dimension_semantics<core_parallel>, #tpu.dimension_semantics<subcore_parallel>], iteration_bounds = array<i64: 2, 16>, scalar_prefetch = 0 : i64, scratch_operands = 3 : i64, tpu.core_type = #tpu.core_type<sc_vector_subcore>, window_params = [{transform_indices = #map}, {transform_indices = #map}, {transform_indices = #map}]} {
    %mul3A = arith.constant 2 : i32
    %mul3A_0 = arith.muli %arg1, %mul3A : i32
    %add3A = arith.addi %mul3A_0, %arg0 : i32
    %mul3A_1 = arith.constant 8 : i32
    %mul3A_2 = arith.muli %add3A, %mul3A_1 : i32
    "tpu.region"() ({
      %run_scoped3A = tpu.sem_alloc : memref<!tpu.dma_semaphore, #tpu.memory_space<semaphore_mem>>
      %dma_start3A_169 = arith.constant 0 : i32
      %dma_start3A_170 = tpu.memref_slice %arg2[%mul3A_2, %dma_start3A_169] : memref<256x128xi32, #tpu.memory_space<hbm>> -> memref<8x128xi32, #tpu.memory_space<hbm>>
      %dma_start3A_171 = arith.constant 0 : i32
      %dma_start3A_172 = tpu.memref_slice %arg2[%mul3A_2, %dma_start3A_171] : memref<256x128xi32, #tpu.memory_space<hbm>> -> memref<8x128xi32, #tpu.memory_space<hbm>>
      tpu.enqueue_dma source(%dma_start3A_172 : memref<8x128xi32, #tpu.memory_space<hbm>>) target(%arg5 : memref<8x128xi32, #tpu.memory_space<vmem>>) target_semaphore(%run_scoped3A : memref<!tpu.dma_semaphore, #tpu.memory_space<semaphore_mem>>)
      %dma_wait3A_173 = arith.constant 0 : i32
      %dma_wait3A_174 = tpu.memref_slice %arg2[%mul3A_2, %dma_wait3A_173] : memref<256x128xi32, #tpu.memory_space<hbm>> -> memref<8x128xi32, #tpu.memory_space<hbm>>
      %dma_wait3A_175 = arith.constant 0 : i32
      %dma_wait3A_176 = tpu.memref_slice %arg2[%mul3A_2, %dma_wait3A_175] : memref<256x128xi32, #tpu.memory_space<hbm>> -> memref<8x128xi32, #tpu.memory_space<hbm>>
      tpu.wait_dma2 semaphore(%run_scoped3A : memref<!tpu.dma_semaphore, #tpu.memory_space<semaphore_mem>>) src(%dma_wait3A_176 : memref<8x128xi32, #tpu.memory_space<hbm>>) dst(%arg5 : memref<8x128xi32, #tpu.memory_space<vmem>>)
      tpu.yield
    }) : () -> ()
    %dma_start3A = arith.constant 0 : i32
    %dma_start3A_3 = arith.constant 0 : i32
    %dma_start3A_4 = arith.constant 0 : i32
    %dma_start3A_5 = tpu.memref_slice %arg6[%dma_start3A_3, %dma_start3A_4] : memref<512x128xf32, #tpu.memory_space<vmem>> -> memref<128x128xf32, #tpu.memory_space<vmem>>
    %dma_start3A_6 = arith.constant 0 : i32
    %dma_start3A_7 = tpu.memref_slice %arg5[%dma_start3A, %dma_start3A_6] : memref<8x128xi32, #tpu.memory_space<vmem>> -> memref<1x128xi32, #tpu.memory_space<vmem>>
    %dma_start3A_8 = tpu.memref_squeeze %dma_start3A_7 : memref<1x128xi32, #tpu.memory_space<vmem>> -> memref<128xi32, #tpu.memory_space<vmem>>
    %dma_start3A_9 = arith.constant 0 : i32
    %dma_start3A_10 = arith.constant 0 : i32
    %dma_start3A_11 = tpu.memref_slice %arg3[%dma_start3A_9, %dma_start3A_10] : memref<524288x128xf32, #tpu.memory_space<hbm>> -> memref<524288x128xf32, #tpu.memory_space<hbm>>
    tpu.enqueue_indirect_dma source(%dma_start3A_11 : memref<524288x128xf32, #tpu.memory_space<hbm>>) target(%dma_start3A_5 : memref<128x128xf32, #tpu.memory_space<vmem>>) offsets(%dma_start3A_8 : memref<128xi32, #tpu.memory_space<vmem>>) semaphore(%arg7 : memref<!tpu.dma_semaphore, #tpu.memory_space<semaphore_mem>>)
    %dma_start3A_12 = arith.constant 1 : i32
    %dma_start3A_13 = arith.constant 128 : i32
    %dma_start3A_14 = arith.constant 0 : i32
    %dma_start3A_15 = tpu.memref_slice %arg6[%dma_start3A_13, %dma_start3A_14] : memref<512x128xf32, #tpu.memory_space<vmem>> -> memref<128x128xf32, #tpu.memory_space<vmem>>
    %dma_start3A_16 = arith.constant 0 : i32
    %dma_start3A_17 = tpu.memref_slice %arg5[%dma_start3A_12, %dma_start3A_16] : memref<8x128xi32, #tpu.memory_space<vmem>> -> memref<1x128xi32, #tpu.memory_space<vmem>>
    %dma_start3A_18 = tpu.memref_squeeze %dma_start3A_17 : memref<1x128xi32, #tpu.memory_space<vmem>> -> memref<128xi32, #tpu.memory_space<vmem>>
    %dma_start3A_19 = arith.constant 0 : i32
    %dma_start3A_20 = arith.constant 0 : i32
    %dma_start3A_21 = tpu.memref_slice %arg3[%dma_start3A_19, %dma_start3A_20] : memref<524288x128xf32, #tpu.memory_space<hbm>> -> memref<524288x128xf32, #tpu.memory_space<hbm>>
    tpu.enqueue_indirect_dma source(%dma_start3A_21 : memref<524288x128xf32, #tpu.memory_space<hbm>>) target(%dma_start3A_15 : memref<128x128xf32, #tpu.memory_space<vmem>>) offsets(%dma_start3A_18 : memref<128xi32, #tpu.memory_space<vmem>>) semaphore(%arg7 : memref<!tpu.dma_semaphore, #tpu.memory_space<semaphore_mem>>)
    %dma_start3A_22 = arith.constant 2 : i32
    %dma_start3A_23 = arith.constant 256 : i32
    %dma_start3A_24 = arith.constant 0 : i32
    %dma_start3A_25 = tpu.memref_slice %arg6[%dma_start3A_23, %dma_start3A_24] : memref<512x128xf32, #tpu.memory_space<vmem>> -> memref<128x128xf32, #tpu.memory_space<vmem>>
    %dma_start3A_26 = arith.constant 0 : i32
    %dma_start3A_27 = tpu.memref_slice %arg5[%dma_start3A_22, %dma_start3A_26] : memref<8x128xi32, #tpu.memory_space<vmem>> -> memref<1x128xi32, #tpu.memory_space<vmem>>
    %dma_start3A_28 = tpu.memref_squeeze %dma_start3A_27 : memref<1x128xi32, #tpu.memory_space<vmem>> -> memref<128xi32, #tpu.memory_space<vmem>>
    %dma_start3A_29 = arith.constant 0 : i32
    %dma_start3A_30 = arith.constant 0 : i32
    %dma_start3A_31 = tpu.memref_slice %arg3[%dma_start3A_29, %dma_start3A_30] : memref<524288x128xf32, #tpu.memory_space<hbm>> -> memref<524288x128xf32, #tpu.memory_space<hbm>>
    tpu.enqueue_indirect_dma source(%dma_start3A_31 : memref<524288x128xf32, #tpu.memory_space<hbm>>) target(%dma_start3A_25 : memref<128x128xf32, #tpu.memory_space<vmem>>) offsets(%dma_start3A_28 : memref<128xi32, #tpu.memory_space<vmem>>) semaphore(%arg7 : memref<!tpu.dma_semaphore, #tpu.memory_space<semaphore_mem>>)
    %dma_start3A_32 = arith.constant 3 : i32
    %dma_start3A_33 = arith.constant 384 : i32
    %dma_start3A_34 = arith.constant 0 : i32
    %dma_start3A_35 = tpu.memref_slice %arg6[%dma_start3A_33, %dma_start3A_34] : memref<512x128xf32, #tpu.memory_space<vmem>> -> memref<128x128xf32, #tpu.memory_space<vmem>>
    %dma_start3A_36 = arith.constant 0 : i32
    %dma_start3A_37 = tpu.memref_slice %arg5[%dma_start3A_32, %dma_start3A_36] : memref<8x128xi32, #tpu.memory_space<vmem>> -> memref<1x128xi32, #tpu.memory_space<vmem>>
    %dma_start3A_38 = tpu.memref_squeeze %dma_start3A_37 : memref<1x128xi32, #tpu.memory_space<vmem>> -> memref<128xi32, #tpu.memory_space<vmem>>
    %dma_start3A_39 = arith.constant 0 : i32
    %dma_start3A_40 = arith.constant 0 : i32
    %dma_start3A_41 = tpu.memref_slice %arg3[%dma_start3A_39, %dma_start3A_40] : memref<524288x128xf32, #tpu.memory_space<hbm>> -> memref<524288x128xf32, #tpu.memory_space<hbm>>
    tpu.enqueue_indirect_dma source(%dma_start3A_41 : memref<524288x128xf32, #tpu.memory_space<hbm>>) target(%dma_start3A_35 : memref<128x128xf32, #tpu.memory_space<vmem>>) offsets(%dma_start3A_38 : memref<128xi32, #tpu.memory_space<vmem>>) semaphore(%arg7 : memref<!tpu.dma_semaphore, #tpu.memory_space<semaphore_mem>>)
    %dma_wait3A = arith.constant 0 : i32
    %dma_wait3A_42 = arith.constant 0 : i32
    %dma_wait3A_43 = arith.constant 0 : i32
    %dma_wait3A_44 = tpu.memref_slice %arg6[%dma_wait3A_42, %dma_wait3A_43] : memref<512x128xf32, #tpu.memory_space<vmem>> -> memref<128x128xf32, #tpu.memory_space<vmem>>
    %dma_wait3A_45 = arith.constant 0 : i32
    %dma_wait3A_46 = tpu.memref_slice %arg5[%dma_wait3A, %dma_wait3A_45] : memref<8x128xi32, #tpu.memory_space<vmem>> -> memref<1x128xi32, #tpu.memory_space<vmem>>
    %dma_wait3A_47 = tpu.memref_squeeze %dma_wait3A_46 : memref<1x128xi32, #tpu.memory_space<vmem>> -> memref<128xi32, #tpu.memory_space<vmem>>
    %dma_wait3A_48 = arith.constant 0 : i32
    %dma_wait3A_49 = arith.constant 0 : i32
    %dma_wait3A_50 = tpu.memref_slice %arg3[%dma_wait3A_48, %dma_wait3A_49] : memref<524288x128xf32, #tpu.memory_space<hbm>> -> memref<524288x128xf32, #tpu.memory_space<hbm>>
    tpu.wait_indirect_dma semaphore(%arg7 : memref<!tpu.dma_semaphore, #tpu.memory_space<semaphore_mem>>) src(%dma_wait3A_50 : memref<524288x128xf32, #tpu.memory_space<hbm>>) dst(%dma_wait3A_44 : memref<128x128xf32, #tpu.memory_space<vmem>>)
    %dma_wait3A_51 = arith.constant 1 : i32
    %dma_wait3A_52 = arith.constant 128 : i32
    %dma_wait3A_53 = arith.constant 0 : i32
    %dma_wait3A_54 = tpu.memref_slice %arg6[%dma_wait3A_52, %dma_wait3A_53] : memref<512x128xf32, #tpu.memory_space<vmem>> -> memref<128x128xf32, #tpu.memory_space<vmem>>
    %dma_wait3A_55 = arith.constant 0 : i32
    %dma_wait3A_56 = tpu.memref_slice %arg5[%dma_wait3A_51, %dma_wait3A_55] : memref<8x128xi32, #tpu.memory_space<vmem>> -> memref<1x128xi32, #tpu.memory_space<vmem>>
    %dma_wait3A_57 = tpu.memref_squeeze %dma_wait3A_56 : memref<1x128xi32, #tpu.memory_space<vmem>> -> memref<128xi32, #tpu.memory_space<vmem>>
    %dma_wait3A_58 = arith.constant 0 : i32
    %dma_wait3A_59 = arith.constant 0 : i32
    %dma_wait3A_60 = tpu.memref_slice %arg3[%dma_wait3A_58, %dma_wait3A_59] : memref<524288x128xf32, #tpu.memory_space<hbm>> -> memref<524288x128xf32, #tpu.memory_space<hbm>>
    tpu.wait_indirect_dma semaphore(%arg7 : memref<!tpu.dma_semaphore, #tpu.memory_space<semaphore_mem>>) src(%dma_wait3A_60 : memref<524288x128xf32, #tpu.memory_space<hbm>>) dst(%dma_wait3A_54 : memref<128x128xf32, #tpu.memory_space<vmem>>)
    %dma_wait3A_61 = arith.constant 2 : i32
    %dma_wait3A_62 = arith.constant 256 : i32
    %dma_wait3A_63 = arith.constant 0 : i32
    %dma_wait3A_64 = tpu.memref_slice %arg6[%dma_wait3A_62, %dma_wait3A_63] : memref<512x128xf32, #tpu.memory_space<vmem>> -> memref<128x128xf32, #tpu.memory_space<vmem>>
    %dma_wait3A_65 = arith.constant 0 : i32
    %dma_wait3A_66 = tpu.memref_slice %arg5[%dma_wait3A_61, %dma_wait3A_65] : memref<8x128xi32, #tpu.memory_space<vmem>> -> memref<1x128xi32, #tpu.memory_space<vmem>>
    %dma_wait3A_67 = tpu.memref_squeeze %dma_wait3A_66 : memref<1x128xi32, #tpu.memory_space<vmem>> -> memref<128xi32, #tpu.memory_space<vmem>>
    %dma_wait3A_68 = arith.constant 0 : i32
    %dma_wait3A_69 = arith.constant 0 : i32
    %dma_wait3A_70 = tpu.memref_slice %arg3[%dma_wait3A_68, %dma_wait3A_69] : memref<524288x128xf32, #tpu.memory_space<hbm>> -> memref<524288x128xf32, #tpu.memory_space<hbm>>
    tpu.wait_indirect_dma semaphore(%arg7 : memref<!tpu.dma_semaphore, #tpu.memory_space<semaphore_mem>>) src(%dma_wait3A_70 : memref<524288x128xf32, #tpu.memory_space<hbm>>) dst(%dma_wait3A_64 : memref<128x128xf32, #tpu.memory_space<vmem>>)
    %dma_wait3A_71 = arith.constant 3 : i32
    %dma_wait3A_72 = arith.constant 384 : i32
    %dma_wait3A_73 = arith.constant 0 : i32
    %dma_wait3A_74 = tpu.memref_slice %arg6[%dma_wait3A_72, %dma_wait3A_73] : memref<512x128xf32, #tpu.memory_space<vmem>> -> memref<128x128xf32, #tpu.memory_space<vmem>>
    %dma_wait3A_75 = arith.constant 0 : i32
    %dma_wait3A_76 = tpu.memref_slice %arg5[%dma_wait3A_71, %dma_wait3A_75] : memref<8x128xi32, #tpu.memory_space<vmem>> -> memref<1x128xi32, #tpu.memory_space<vmem>>
    %dma_wait3A_77 = tpu.memref_squeeze %dma_wait3A_76 : memref<1x128xi32, #tpu.memory_space<vmem>> -> memref<128xi32, #tpu.memory_space<vmem>>
    %dma_wait3A_78 = arith.constant 0 : i32
    %dma_wait3A_79 = arith.constant 0 : i32
    %dma_wait3A_80 = tpu.memref_slice %arg3[%dma_wait3A_78, %dma_wait3A_79] : memref<524288x128xf32, #tpu.memory_space<hbm>> -> memref<524288x128xf32, #tpu.memory_space<hbm>>
    tpu.wait_indirect_dma semaphore(%arg7 : memref<!tpu.dma_semaphore, #tpu.memory_space<semaphore_mem>>) src(%dma_wait3A_80 : memref<524288x128xf32, #tpu.memory_space<hbm>>) dst(%dma_wait3A_74 : memref<128x128xf32, #tpu.memory_space<vmem>>)
    %mul3A_81 = arith.constant 1024 : i32
    %mul3A_82 = arith.muli %add3A, %mul3A_81 : i32
    %add3A_83 = arith.constant 0 : i32
    %add3A_84 = arith.addi %mul3A_82, %add3A_83 : i32
    "tpu.region"() ({
      %run_scoped3A = tpu.sem_alloc : memref<!tpu.dma_semaphore, #tpu.memory_space<semaphore_mem>>
      %dma_start3A_169 = arith.constant 0 : i32
      %dma_start3A_170 = tpu.memref_slice %arg4[%add3A_84, %dma_start3A_169] : memref<32768x128xf32, #tpu.memory_space<hbm>> -> memref<512x128xf32, #tpu.memory_space<hbm>>
      %dma_start3A_171 = arith.constant 0 : i32
      %dma_start3A_172 = tpu.memref_slice %arg4[%add3A_84, %dma_start3A_171] : memref<32768x128xf32, #tpu.memory_space<hbm>> -> memref<512x128xf32, #tpu.memory_space<hbm>>
      tpu.enqueue_dma source(%arg6 : memref<512x128xf32, #tpu.memory_space<vmem>>) target(%dma_start3A_172 : memref<512x128xf32, #tpu.memory_space<hbm>>) target_semaphore(%run_scoped3A : memref<!tpu.dma_semaphore, #tpu.memory_space<semaphore_mem>>)
      %dma_wait3A_173 = arith.constant 0 : i32
      %dma_wait3A_174 = tpu.memref_slice %arg4[%add3A_84, %dma_wait3A_173] : memref<32768x128xf32, #tpu.memory_space<hbm>> -> memref<512x128xf32, #tpu.memory_space<hbm>>
      %dma_wait3A_175 = arith.constant 0 : i32
      %dma_wait3A_176 = tpu.memref_slice %arg4[%add3A_84, %dma_wait3A_175] : memref<32768x128xf32, #tpu.memory_space<hbm>> -> memref<512x128xf32, #tpu.memory_space<hbm>>
      tpu.wait_dma2 semaphore(%run_scoped3A : memref<!tpu.dma_semaphore, #tpu.memory_space<semaphore_mem>>) src(%arg6 : memref<512x128xf32, #tpu.memory_space<vmem>>) dst(%dma_wait3A_176 : memref<512x128xf32, #tpu.memory_space<hbm>>)
      tpu.yield
    }) : () -> ()
    %dma_start3A_85 = arith.constant 4 : i32
    %dma_start3A_86 = arith.constant 0 : i32
    %dma_start3A_87 = arith.constant 0 : i32
    %dma_start3A_88 = tpu.memref_slice %arg6[%dma_start3A_86, %dma_start3A_87] : memref<512x128xf32, #tpu.memory_space<vmem>> -> memref<128x128xf32, #tpu.memory_space<vmem>>
    %dma_start3A_89 = arith.constant 0 : i32
    %dma_start3A_90 = tpu.memref_slice %arg5[%dma_start3A_85, %dma_start3A_89] : memref<8x128xi32, #tpu.memory_space<vmem>> -> memref<1x128xi32, #tpu.memory_space<vmem>>
    %dma_start3A_91 = tpu.memref_squeeze %dma_start3A_90 : memref<1x128xi32, #tpu.memory_space<vmem>> -> memref<128xi32, #tpu.memory_space<vmem>>
    %dma_start3A_92 = arith.constant 0 : i32
    %dma_start3A_93 = arith.constant 0 : i32
    %dma_start3A_94 = tpu.memref_slice %arg3[%dma_start3A_92, %dma_start3A_93] : memref<524288x128xf32, #tpu.memory_space<hbm>> -> memref<524288x128xf32, #tpu.memory_space<hbm>>
    tpu.enqueue_indirect_dma source(%dma_start3A_94 : memref<524288x128xf32, #tpu.memory_space<hbm>>) target(%dma_start3A_88 : memref<128x128xf32, #tpu.memory_space<vmem>>) offsets(%dma_start3A_91 : memref<128xi32, #tpu.memory_space<vmem>>) semaphore(%arg7 : memref<!tpu.dma_semaphore, #tpu.memory_space<semaphore_mem>>)
    %dma_start3A_95 = arith.constant 5 : i32
    %dma_start3A_96 = arith.constant 128 : i32
    %dma_start3A_97 = arith.constant 0 : i32
    %dma_start3A_98 = tpu.memref_slice %arg6[%dma_start3A_96, %dma_start3A_97] : memref<512x128xf32, #tpu.memory_space<vmem>> -> memref<128x128xf32, #tpu.memory_space<vmem>>
    %dma_start3A_99 = arith.constant 0 : i32
    %dma_start3A_100 = tpu.memref_slice %arg5[%dma_start3A_95, %dma_start3A_99] : memref<8x128xi32, #tpu.memory_space<vmem>> -> memref<1x128xi32, #tpu.memory_space<vmem>>
    %dma_start3A_101 = tpu.memref_squeeze %dma_start3A_100 : memref<1x128xi32, #tpu.memory_space<vmem>> -> memref<128xi32, #tpu.memory_space<vmem>>
    %dma_start3A_102 = arith.constant 0 : i32
    %dma_start3A_103 = arith.constant 0 : i32
    %dma_start3A_104 = tpu.memref_slice %arg3[%dma_start3A_102, %dma_start3A_103] : memref<524288x128xf32, #tpu.memory_space<hbm>> -> memref<524288x128xf32, #tpu.memory_space<hbm>>
    tpu.enqueue_indirect_dma source(%dma_start3A_104 : memref<524288x128xf32, #tpu.memory_space<hbm>>) target(%dma_start3A_98 : memref<128x128xf32, #tpu.memory_space<vmem>>) offsets(%dma_start3A_101 : memref<128xi32, #tpu.memory_space<vmem>>) semaphore(%arg7 : memref<!tpu.dma_semaphore, #tpu.memory_space<semaphore_mem>>)
    %dma_start3A_105 = arith.constant 6 : i32
    %dma_start3A_106 = arith.constant 256 : i32
    %dma_start3A_107 = arith.constant 0 : i32
    %dma_start3A_108 = tpu.memref_slice %arg6[%dma_start3A_106, %dma_start3A_107] : memref<512x128xf32, #tpu.memory_space<vmem>> -> memref<128x128xf32, #tpu.memory_space<vmem>>
    %dma_start3A_109 = arith.constant 0 : i32
    %dma_start3A_110 = tpu.memref_slice %arg5[%dma_start3A_105, %dma_start3A_109] : memref<8x128xi32, #tpu.memory_space<vmem>> -> memref<1x128xi32, #tpu.memory_space<vmem>>
    %dma_start3A_111 = tpu.memref_squeeze %dma_start3A_110 : memref<1x128xi32, #tpu.memory_space<vmem>> -> memref<128xi32, #tpu.memory_space<vmem>>
    %dma_start3A_112 = arith.constant 0 : i32
    %dma_start3A_113 = arith.constant 0 : i32
    %dma_start3A_114 = tpu.memref_slice %arg3[%dma_start3A_112, %dma_start3A_113] : memref<524288x128xf32, #tpu.memory_space<hbm>> -> memref<524288x128xf32, #tpu.memory_space<hbm>>
    tpu.enqueue_indirect_dma source(%dma_start3A_114 : memref<524288x128xf32, #tpu.memory_space<hbm>>) target(%dma_start3A_108 : memref<128x128xf32, #tpu.memory_space<vmem>>) offsets(%dma_start3A_111 : memref<128xi32, #tpu.memory_space<vmem>>) semaphore(%arg7 : memref<!tpu.dma_semaphore, #tpu.memory_space<semaphore_mem>>)
    %dma_start3A_115 = arith.constant 7 : i32
    %dma_start3A_116 = arith.constant 384 : i32
    %dma_start3A_117 = arith.constant 0 : i32
    %dma_start3A_118 = tpu.memref_slice %arg6[%dma_start3A_116, %dma_start3A_117] : memref<512x128xf32, #tpu.memory_space<vmem>> -> memref<128x128xf32, #tpu.memory_space<vmem>>
    %dma_start3A_119 = arith.constant 0 : i32
    %dma_start3A_120 = tpu.memref_slice %arg5[%dma_start3A_115, %dma_start3A_119] : memref<8x128xi32, #tpu.memory_space<vmem>> -> memref<1x128xi32, #tpu.memory_space<vmem>>
    %dma_start3A_121 = tpu.memref_squeeze %dma_start3A_120 : memref<1x128xi32, #tpu.memory_space<vmem>> -> memref<128xi32, #tpu.memory_space<vmem>>
    %dma_start3A_122 = arith.constant 0 : i32
    %dma_start3A_123 = arith.constant 0 : i32
    %dma_start3A_124 = tpu.memref_slice %arg3[%dma_start3A_122, %dma_start3A_123] : memref<524288x128xf32, #tpu.memory_space<hbm>> -> memref<524288x128xf32, #tpu.memory_space<hbm>>
    tpu.enqueue_indirect_dma source(%dma_start3A_124 : memref<524288x128xf32, #tpu.memory_space<hbm>>) target(%dma_start3A_118 : memref<128x128xf32, #tpu.memory_space<vmem>>) offsets(%dma_start3A_121 : memref<128xi32, #tpu.memory_space<vmem>>) semaphore(%arg7 : memref<!tpu.dma_semaphore, #tpu.memory_space<semaphore_mem>>)
    %dma_wait3A_125 = arith.constant 4 : i32
    %dma_wait3A_126 = arith.constant 0 : i32
    %dma_wait3A_127 = arith.constant 0 : i32
    %dma_wait3A_128 = tpu.memref_slice %arg6[%dma_wait3A_126, %dma_wait3A_127] : memref<512x128xf32, #tpu.memory_space<vmem>> -> memref<128x128xf32, #tpu.memory_space<vmem>>
    %dma_wait3A_129 = arith.constant 0 : i32
    %dma_wait3A_130 = tpu.memref_slice %arg5[%dma_wait3A_125, %dma_wait3A_129] : memref<8x128xi32, #tpu.memory_space<vmem>> -> memref<1x128xi32, #tpu.memory_space<vmem>>
    %dma_wait3A_131 = tpu.memref_squeeze %dma_wait3A_130 : memref<1x128xi32, #tpu.memory_space<vmem>> -> memref<128xi32, #tpu.memory_space<vmem>>
    %dma_wait3A_132 = arith.constant 0 : i32
    %dma_wait3A_133 = arith.constant 0 : i32
    %dma_wait3A_134 = tpu.memref_slice %arg3[%dma_wait3A_132, %dma_wait3A_133] : memref<524288x128xf32, #tpu.memory_space<hbm>> -> memref<524288x128xf32, #tpu.memory_space<hbm>>
    tpu.wait_indirect_dma semaphore(%arg7 : memref<!tpu.dma_semaphore, #tpu.memory_space<semaphore_mem>>) src(%dma_wait3A_134 : memref<524288x128xf32, #tpu.memory_space<hbm>>) dst(%dma_wait3A_128 : memref<128x128xf32, #tpu.memory_space<vmem>>)
    %dma_wait3A_135 = arith.constant 5 : i32
    %dma_wait3A_136 = arith.constant 128 : i32
    %dma_wait3A_137 = arith.constant 0 : i32
    %dma_wait3A_138 = tpu.memref_slice %arg6[%dma_wait3A_136, %dma_wait3A_137] : memref<512x128xf32, #tpu.memory_space<vmem>> -> memref<128x128xf32, #tpu.memory_space<vmem>>
    %dma_wait3A_139 = arith.constant 0 : i32
    %dma_wait3A_140 = tpu.memref_slice %arg5[%dma_wait3A_135, %dma_wait3A_139] : memref<8x128xi32, #tpu.memory_space<vmem>> -> memref<1x128xi32, #tpu.memory_space<vmem>>
    %dma_wait3A_141 = tpu.memref_squeeze %dma_wait3A_140 : memref<1x128xi32, #tpu.memory_space<vmem>> -> memref<128xi32, #tpu.memory_space<vmem>>
    %dma_wait3A_142 = arith.constant 0 : i32
    %dma_wait3A_143 = arith.constant 0 : i32
    %dma_wait3A_144 = tpu.memref_slice %arg3[%dma_wait3A_142, %dma_wait3A_143] : memref<524288x128xf32, #tpu.memory_space<hbm>> -> memref<524288x128xf32, #tpu.memory_space<hbm>>
    tpu.wait_indirect_dma semaphore(%arg7 : memref<!tpu.dma_semaphore, #tpu.memory_space<semaphore_mem>>) src(%dma_wait3A_144 : memref<524288x128xf32, #tpu.memory_space<hbm>>) dst(%dma_wait3A_138 : memref<128x128xf32, #tpu.memory_space<vmem>>)
    %dma_wait3A_145 = arith.constant 6 : i32
    %dma_wait3A_146 = arith.constant 256 : i32
    %dma_wait3A_147 = arith.constant 0 : i32
    %dma_wait3A_148 = tpu.memref_slice %arg6[%dma_wait3A_146, %dma_wait3A_147] : memref<512x128xf32, #tpu.memory_space<vmem>> -> memref<128x128xf32, #tpu.memory_space<vmem>>
    %dma_wait3A_149 = arith.constant 0 : i32
    %dma_wait3A_150 = tpu.memref_slice %arg5[%dma_wait3A_145, %dma_wait3A_149] : memref<8x128xi32, #tpu.memory_space<vmem>> -> memref<1x128xi32, #tpu.memory_space<vmem>>
    %dma_wait3A_151 = tpu.memref_squeeze %dma_wait3A_150 : memref<1x128xi32, #tpu.memory_space<vmem>> -> memref<128xi32, #tpu.memory_space<vmem>>
    %dma_wait3A_152 = arith.constant 0 : i32
    %dma_wait3A_153 = arith.constant 0 : i32
    %dma_wait3A_154 = tpu.memref_slice %arg3[%dma_wait3A_152, %dma_wait3A_153] : memref<524288x128xf32, #tpu.memory_space<hbm>> -> memref<524288x128xf32, #tpu.memory_space<hbm>>
    tpu.wait_indirect_dma semaphore(%arg7 : memref<!tpu.dma_semaphore, #tpu.memory_space<semaphore_mem>>) src(%dma_wait3A_154 : memref<524288x128xf32, #tpu.memory_space<hbm>>) dst(%dma_wait3A_148 : memref<128x128xf32, #tpu.memory_space<vmem>>)
    %dma_wait3A_155 = arith.constant 7 : i32
    %dma_wait3A_156 = arith.constant 384 : i32
    %dma_wait3A_157 = arith.constant 0 : i32
    %dma_wait3A_158 = tpu.memref_slice %arg6[%dma_wait3A_156, %dma_wait3A_157] : memref<512x128xf32, #tpu.memory_space<vmem>> -> memref<128x128xf32, #tpu.memory_space<vmem>>
    %dma_wait3A_159 = arith.constant 0 : i32
    %dma_wait3A_160 = tpu.memref_slice %arg5[%dma_wait3A_155, %dma_wait3A_159] : memref<8x128xi32, #tpu.memory_space<vmem>> -> memref<1x128xi32, #tpu.memory_space<vmem>>
    %dma_wait3A_161 = tpu.memref_squeeze %dma_wait3A_160 : memref<1x128xi32, #tpu.memory_space<vmem>> -> memref<128xi32, #tpu.memory_space<vmem>>
    %dma_wait3A_162 = arith.constant 0 : i32
    %dma_wait3A_163 = arith.constant 0 : i32
    %dma_wait3A_164 = tpu.memref_slice %arg3[%dma_wait3A_162, %dma_wait3A_163] : memref<524288x128xf32, #tpu.memory_space<hbm>> -> memref<524288x128xf32, #tpu.memory_space<hbm>>
    tpu.wait_indirect_dma semaphore(%arg7 : memref<!tpu.dma_semaphore, #tpu.memory_space<semaphore_mem>>) src(%dma_wait3A_164 : memref<524288x128xf32, #tpu.memory_space<hbm>>) dst(%dma_wait3A_158 : memref<128x128xf32, #tpu.memory_space<vmem>>)
    %mul3A_165 = arith.constant 1024 : i32
    %mul3A_166 = arith.muli %add3A, %mul3A_165 : i32
    %add3A_167 = arith.constant 512 : i32
    %add3A_168 = arith.addi %mul3A_166, %add3A_167 : i32
    "tpu.region"() ({
      %run_scoped3A = tpu.sem_alloc : memref<!tpu.dma_semaphore, #tpu.memory_space<semaphore_mem>>
      %dma_start3A_169 = arith.constant 0 : i32
      %dma_start3A_170 = tpu.memref_slice %arg4[%add3A_168, %dma_start3A_169] : memref<32768x128xf32, #tpu.memory_space<hbm>> -> memref<512x128xf32, #tpu.memory_space<hbm>>
      %dma_start3A_171 = arith.constant 0 : i32
      %dma_start3A_172 = tpu.memref_slice %arg4[%add3A_168, %dma_start3A_171] : memref<32768x128xf32, #tpu.memory_space<hbm>> -> memref<512x128xf32, #tpu.memory_space<hbm>>
      tpu.enqueue_dma source(%arg6 : memref<512x128xf32, #tpu.memory_space<vmem>>) target(%dma_start3A_172 : memref<512x128xf32, #tpu.memory_space<hbm>>) target_semaphore(%run_scoped3A : memref<!tpu.dma_semaphore, #tpu.memory_space<semaphore_mem>>)
      %dma_wait3A_173 = arith.constant 0 : i32
      %dma_wait3A_174 = tpu.memref_slice %arg4[%add3A_168, %dma_wait3A_173] : memref<32768x128xf32, #tpu.memory_space<hbm>> -> memref<512x128xf32, #tpu.memory_space<hbm>>
      %dma_wait3A_175 = arith.constant 0 : i32
      %dma_wait3A_176 = tpu.memref_slice %arg4[%add3A_168, %dma_wait3A_175] : memref<32768x128xf32, #tpu.memory_space<hbm>> -> memref<512x128xf32, #tpu.memory_space<hbm>>
      tpu.wait_dma2 semaphore(%run_scoped3A : memref<!tpu.dma_semaphore, #tpu.memory_space<semaphore_mem>>) src(%arg6 : memref<512x128xf32, #tpu.memory_space<vmem>>) dst(%dma_wait3A_176 : memref<512x128xf32, #tpu.memory_space<hbm>>)
      tpu.yield
    }) : () -> ()
    return
  }
}

module attributes {stable_mosaic.version = 14 : i64} {
  func.func @_knn_a1_body(%arg0: i32, %arg1: memref<128x8xf32, #tpu.memory_space<vmem>>, %arg2: memref<8x16384xf32, #tpu.memory_space<vmem>>, %arg3: memref<128x128x128xf32, #tpu.memory_space<vmem>>, %arg4: memref<128x8xi32, #tpu.memory_space<vmem>>) attributes {dimension_semantics = [#tpu.dimension_semantics<arbitrary>], iteration_bounds = array<i64: 32>, scalar_prefetch = 0 : i64, scratch_operands = 0 : i64, tpu.core_type = #tpu.core_type<tc>, window_params = [{transform_indices = @transform_0, window_bounds = array<i64: 128, 8>}, {pipeline_mode = #tpu.pipeline_mode<synchronous>, transform_indices = @transform_1, window_bounds = array<i64: 8, 16384>}, {transform_indices = @transform_2, window_bounds = array<i64: 128, 128, 128>}, {transform_indices = @transform_3, window_bounds = array<i64: 128, 8>}]} {
    %get3A = arith.constant 0 : index
    %get3A_0 = arith.constant 0 : index
    %get3A_1 = vector.load %arg1[%get3A, %get3A_0] : memref<128x8xf32, #tpu.memory_space<vmem>>, vector<128x8xf32>
    %get3A_2 = arith.constant 0 : index
    %get3A_3 = arith.constant 0 : index
    %get3A_4 = vector.load %arg2[%get3A_2, %get3A_3] : memref<8x16384xf32, #tpu.memory_space<vmem>>, vector<8x16384xf32>
    %mul3A = arith.mulf %get3A_1, %get3A_1 : vector<128x8xf32>
    %reduce_sum3A = arith.constant dense<0.000000e+00> : vector<128xf32>
    %reduce_sum3A_5 = vector.multi_reduction <add>, %mul3A, %reduce_sum3A [1] : vector<128x8xf32> to vector<128xf32>
    %broadcast_in_dim3A = vector.shape_cast %reduce_sum3A_5 : vector<128xf32> to vector<128x1xf32>
    %mul3A_6 = arith.mulf %get3A_4, %get3A_4 : vector<8x16384xf32>
    %reduce_sum3A_7 = arith.constant dense<0.000000e+00> : vector<16384xf32>
    %reduce_sum3A_8 = vector.multi_reduction <add>, %mul3A_6, %reduce_sum3A_7 [0] : vector<8x16384xf32> to vector<16384xf32>
    %broadcast_in_dim3A_9 = vector.shape_cast %reduce_sum3A_8 : vector<16384xf32> to vector<1x16384xf32>
    %dot_general3A = arith.constant dense<0.000000e+00> : vector<128x16384xf32>
    %dot_general3A_10 = tpu.matmul %get3A_1, %get3A_4, %dot_general3A {dimension_numbers = #tpu.dot_dimension_numbers<[1], [0], [0], [1], [0, 0, 1, 1], [], []>, transpose_lhs_hint = false} : vector<128x8xf32>, vector<8x16384xf32>, vector<128x16384xf32> -> vector<128x16384xf32>
    %add3A = vector.broadcast %broadcast_in_dim3A : vector<128x1xf32> to vector<128x16384xf32>
    %add3A_11 = vector.broadcast %broadcast_in_dim3A_9 : vector<1x16384xf32> to vector<128x16384xf32>
    %add3A_12 = arith.addf %add3A, %add3A_11 : vector<128x16384xf32>
    %mul3A_13 = arith.constant 2.000000e+00 : f32
    %mul3A_14 = vector.broadcast %mul3A_13 : f32 to vector<128x16384xf32>
    %mul3A_15 = arith.mulf %mul3A_14, %dot_general3A_10 : vector<128x16384xf32>
    %sub3A = arith.subf %add3A_12, %mul3A_15 : vector<128x16384xf32>
    %slice3A = vector.extract_strided_slice %sub3A {offsets = [0, 0], sizes = [128, 128], strides = [1, 1]} : vector<128x16384xf32> to vector<128x128xf32>
    %swap3A = arith.constant 0 : index
    %swap3A_16 = arith.constant 0 : index
    %swap3A_17 = arith.constant 0 : index
    %swap3A_18 = vector.load %arg3[%swap3A, %swap3A_16, %swap3A_17] : memref<128x128x128xf32, #tpu.memory_space<vmem>>, vector<1x128x128xf32>
    %swap3A_19 = vector.shape_cast %swap3A_18 : vector<1x128x128xf32> to vector<128x128xf32>
    %swap3A_20 = vector.shape_cast %slice3A : vector<128x128xf32> to vector<1x128x128xf32>
    tpu.vector_store %arg3[%swap3A, %swap3A_16, %swap3A_17], %swap3A_20 {strides = array<i32>} : memref<128x128x128xf32, #tpu.memory_space<vmem>>, vector<1x128x128xf32>,
    %reduce_min3A = arith.constant dense<0x7F800000> : vector<128xf32>
    %reduce_min3A_21 = vector.multi_reduction <minimumf>, %slice3A, %reduce_min3A [1] : vector<128x128xf32> to vector<128xf32>
    %broadcast_in_dim3A_22 = vector.shape_cast %reduce_min3A_21 : vector<128xf32> to vector<128x1xf32>
    %slice3A_23 = vector.extract_strided_slice %sub3A {offsets = [0, 128], sizes = [128, 128], strides = [1, 1]} : vector<128x16384xf32> to vector<128x128xf32>
    %swap3A_24 = arith.constant 1 : index
    %swap3A_25 = arith.constant 0 : index
    %swap3A_26 = arith.constant 0 : index
    %swap3A_27 = vector.load %arg3[%swap3A_24, %swap3A_25, %swap3A_26] : memref<128x128x128xf32, #tpu.memory_space<vmem>>, vector<1x128x128xf32>
    %swap3A_28 = vector.shape_cast %swap3A_27 : vector<1x128x128xf32> to vector<128x128xf32>
    %swap3A_29 = vector.shape_cast %slice3A_23 : vector<128x128xf32> to vector<1x128x128xf32>
    tpu.vector_store %arg3[%swap3A_24, %swap3A_25, %swap3A_26], %swap3A_29 {strides = array<i32>} : memref<128x128x128xf32, #tpu.memory_space<vmem>>, vector<1x128x128xf32>,
    %reduce_min3A_30 = arith.constant dense<0x7F800000> : vector<128xf32>
    %reduce_min3A_31 = vector.multi_reduction <minimumf>, %slice3A_23, %reduce_min3A_30 [1] : vector<128x128xf32> to vector<128xf32>
    %broadcast_in_dim3A_32 = vector.shape_cast %reduce_min3A_31 : vector<128xf32> to vector<128x1xf32>
    %slice3A_33 = vector.extract_strided_slice %sub3A {offsets = [0, 256], sizes = [128, 128], strides = [1, 1]} : vector<128x16384xf32> to vector<128x128xf32>
    %swap3A_34 = arith.constant 2 : index
    %swap3A_35 = arith.constant 0 : index
    %swap3A_36 = arith.constant 0 : index
    %swap3A_37 = vector.load %arg3[%swap3A_34, %swap3A_35, %swap3A_36] : memref<128x128x128xf32, #tpu.memory_space<vmem>>, vector<1x128x128xf32>
    %swap3A_38 = vector.shape_cast %swap3A_37 : vector<1x128x128xf32> to vector<128x128xf32>
    %swap3A_39 = vector.shape_cast %slice3A_33 : vector<128x128xf32> to vector<1x128x128xf32>
    tpu.vector_store %arg3[%swap3A_34, %swap3A_35, %swap3A_36], %swap3A_39 {strides = array<i32>} : memref<128x128x128xf32, #tpu.memory_space<vmem>>, vector<1x128x128xf32>,
    %reduce_min3A_40 = arith.constant dense<0x7F800000> : vector<128xf32>
    %reduce_min3A_41 = vector.multi_reduction <minimumf>, %slice3A_33, %reduce_min3A_40 [1] : vector<128x128xf32> to vector<128xf32>
    %broadcast_in_dim3A_42 = vector.shape_cast %reduce_min3A_41 : vector<128xf32> to vector<128x1xf32>
    %slice3A_43 = vector.extract_strided_slice %sub3A {offsets = [0, 384], sizes = [128, 128], strides = [1, 1]} : vector<128x16384xf32> to vector<128x128xf32>
    %swap3A_44 = arith.constant 3 : index
    %swap3A_45 = arith.constant 0 : index
    %swap3A_46 = arith.constant 0 : index
    %swap3A_47 = vector.load %arg3[%swap3A_44, %swap3A_45, %swap3A_46] : memref<128x128x128xf32, #tpu.memory_space<vmem>>, vector<1x128x128xf32>
    %swap3A_48 = vector.shape_cast %swap3A_47 : vector<1x128x128xf32> to vector<128x128xf32>
    %swap3A_49 = vector.shape_cast %slice3A_43 : vector<128x128xf32> to vector<1x128x128xf32>
    tpu.vector_store %arg3[%swap3A_44, %swap3A_45, %swap3A_46], %swap3A_49 {strides = array<i32>} : memref<128x128x128xf32, #tpu.memory_space<vmem>>, vector<1x128x128xf32>,
    %reduce_min3A_50 = arith.constant dense<0x7F800000> : vector<128xf32>
    %reduce_min3A_51 = vector.multi_reduction <minimumf>, %slice3A_43, %reduce_min3A_50 [1] : vector<128x128xf32> to vector<128xf32>
    %broadcast_in_dim3A_52 = vector.shape_cast %reduce_min3A_51 : vector<128xf32> to vector<128x1xf32>
    %slice3A_53 = vector.extract_strided_slice %sub3A {offsets = [0, 512], sizes = [128, 128], strides = [1, 1]} : vector<128x16384xf32> to vector<128x128xf32>
    %swap3A_54 = arith.constant 4 : index
    %swap3A_55 = arith.constant 0 : index
    %swap3A_56 = arith.constant 0 : index
    %swap3A_57 = vector.load %arg3[%swap3A_54, %swap3A_55, %swap3A_56] : memref<128x128x128xf32, #tpu.memory_space<vmem>>, vector<1x128x128xf32>
    %swap3A_58 = vector.shape_cast %swap3A_57 : vector<1x128x128xf32> to vector<128x128xf32>
    %swap3A_59 = vector.shape_cast %slice3A_53 : vector<128x128xf32> to vector<1x128x128xf32>
    tpu.vector_store %arg3[%swap3A_54, %swap3A_55, %swap3A_56], %swap3A_59 {strides = array<i32>} : memref<128x128x128xf32, #tpu.memory_space<vmem>>, vector<1x128x128xf32>,
    %reduce_min3A_60 = arith.constant dense<0x7F800000> : vector<128xf32>
    %reduce_min3A_61 = vector.multi_reduction <minimumf>, %slice3A_53, %reduce_min3A_60 [1] : vector<128x128xf32> to vector<128xf32>
    %broadcast_in_dim3A_62 = vector.shape_cast %reduce_min3A_61 : vector<128xf32> to vector<128x1xf32>
    %slice3A_63 = vector.extract_strided_slice %sub3A {offsets = [0, 640], sizes = [128, 128], strides = [1, 1]} : vector<128x16384xf32> to vector<128x128xf32>
    %swap3A_64 = arith.constant 5 : index
    %swap3A_65 = arith.constant 0 : index
    %swap3A_66 = arith.constant 0 : index
    %swap3A_67 = vector.load %arg3[%swap3A_64, %swap3A_65, %swap3A_66] : memref<128x128x128xf32, #tpu.memory_space<vmem>>, vector<1x128x128xf32>
    %swap3A_68 = vector.shape_cast %swap3A_67 : vector<1x128x128xf32> to vector<128x128xf32>
    %swap3A_69 = vector.shape_cast %slice3A_63 : vector<128x128xf32> to vector<1x128x128xf32>
    tpu.vector_store %arg3[%swap3A_64, %swap3A_65, %swap3A_66], %swap3A_69 {strides = array<i32>} : memref<128x128x128xf32, #tpu.memory_space<vmem>>, vector<1x128x128xf32>,
    %reduce_min3A_70 = arith.constant dense<0x7F800000> : vector<128xf32>
    %reduce_min3A_71 = vector.multi_reduction <minimumf>, %slice3A_63, %reduce_min3A_70 [1] : vector<128x128xf32> to vector<128xf32>
    %broadcast_in_dim3A_72 = vector.shape_cast %reduce_min3A_71 : vector<128xf32> to vector<128x1xf32>
    %slice3A_73 = vector.extract_strided_slice %sub3A {offsets = [0, 768], sizes = [128, 128], strides = [1, 1]} : vector<128x16384xf32> to vector<128x128xf32>
    %swap3A_74 = arith.constant 6 : index
    %swap3A_75 = arith.constant 0 : index
    %swap3A_76 = arith.constant 0 : index
    %swap3A_77 = vector.load %arg3[%swap3A_74, %swap3A_75, %swap3A_76] : memref<128x128x128xf32, #tpu.memory_space<vmem>>, vector<1x128x128xf32>
    %swap3A_78 = vector.shape_cast %swap3A_77 : vector<1x128x128xf32> to vector<128x128xf32>
    %swap3A_79 = vector.shape_cast %slice3A_73 : vector<128x128xf32> to vector<1x128x128xf32>
    tpu.vector_store %arg3[%swap3A_74, %swap3A_75, %swap3A_76], %swap3A_79 {strides = array<i32>} : memref<128x128x128xf32, #tpu.memory_space<vmem>>, vector<1x128x128xf32>,
    %reduce_min3A_80 = arith.constant dense<0x7F800000> : vector<128xf32>
    %reduce_min3A_81 = vector.multi_reduction <minimumf>, %slice3A_73, %reduce_min3A_80 [1] : vector<128x128xf32> to vector<128xf32>
    %broadcast_in_dim3A_82 = vector.shape_cast %reduce_min3A_81 : vector<128xf32> to vector<128x1xf32>
    %slice3A_83 = vector.extract_strided_slice %sub3A {offsets = [0, 896], sizes = [128, 128], strides = [1, 1]} : vector<128x16384xf32> to vector<128x128xf32>
    %swap3A_84 = arith.constant 7 : index
    %swap3A_85 = arith.constant 0 : index
    %swap3A_86 = arith.constant 0 : index
    %swap3A_87 = vector.load %arg3[%swap3A_84, %swap3A_85, %swap3A_86] : memref<128x128x128xf32, #tpu.memory_space<vmem>>, vector<1x128x128xf32>
    %swap3A_88 = vector.shape_cast %swap3A_87 : vector<1x128x128xf32> to vector<128x128xf32>
    %swap3A_89 = vector.shape_cast %slice3A_83 : vector<128x128xf32> to vector<1x128x128xf32>
    tpu.vector_store %arg3[%swap3A_84, %swap3A_85, %swap3A_86], %swap3A_89 {strides = array<i32>} : memref<128x128x128xf32, #tpu.memory_space<vmem>>, vector<1x128x128xf32>,
    %reduce_min3A_90 = arith.constant dense<0x7F800000> : vector<128xf32>
    %reduce_min3A_91 = vector.multi_reduction <minimumf>, %slice3A_83, %reduce_min3A_90 [1] : vector<128x128xf32> to vector<128xf32>
    %broadcast_in_dim3A_92 = vector.shape_cast %reduce_min3A_91 : vector<128xf32> to vector<128x1xf32>
    %slice3A_93 = vector.extract_strided_slice %sub3A {offsets = [0, 1024], sizes = [128, 128], strides = [1, 1]} : vector<128x16384xf32> to vector<128x128xf32>
    %swap3A_94 = arith.constant 8 : index
    %swap3A_95 = arith.constant 0 : index
    %swap3A_96 = arith.constant 0 : index
    %swap3A_97 = vector.load %arg3[%swap3A_94, %swap3A_95, %swap3A_96] : memref<128x128x128xf32, #tpu.memory_space<vmem>>, vector<1x128x128xf32>
    %swap3A_98 = vector.shape_cast %swap3A_97 : vector<1x128x128xf32> to vector<128x128xf32>
    %swap3A_99 = vector.shape_cast %slice3A_93 : vector<128x128xf32> to vector<1x128x128xf32>
    tpu.vector_store %arg3[%swap3A_94, %swap3A_95, %swap3A_96], %swap3A_99 {strides = array<i32>} : memref<128x128x128xf32, #tpu.memory_space<vmem>>, vector<1x128x128xf32>,
    %reduce_min3A_100 = arith.constant dense<0x7F800000> : vector<128xf32>
    %reduce_min3A_101 = vector.multi_reduction <minimumf>, %slice3A_93, %reduce_min3A_100 [1] : vector<128x128xf32> to vector<128xf32>
    %broadcast_in_dim3A_102 = vector.shape_cast %reduce_min3A_101 : vector<128xf32> to vector<128x1xf32>
    %slice3A_103 = vector.extract_strided_slice %sub3A {offsets = [0, 1152], sizes = [128, 128], strides = [1, 1]} : vector<128x16384xf32> to vector<128x128xf32>
    %swap3A_104 = arith.constant 9 : index
    %swap3A_105 = arith.constant 0 : index
    %swap3A_106 = arith.constant 0 : index
    %swap3A_107 = vector.load %arg3[%swap3A_104, %swap3A_105, %swap3A_106] : memref<128x128x128xf32, #tpu.memory_space<vmem>>, vector<1x128x128xf32>
    %swap3A_108 = vector.shape_cast %swap3A_107 : vector<1x128x128xf32> to vector<128x128xf32>
    %swap3A_109 = vector.shape_cast %slice3A_103 : vector<128x128xf32> to vector<1x128x128xf32>
    tpu.vector_store %arg3[%swap3A_104, %swap3A_105, %swap3A_106], %swap3A_109 {strides = array<i32>} : memref<128x128x128xf32, #tpu.memory_space<vmem>>, vector<1x128x128xf32>,
    %reduce_min3A_110 = arith.constant dense<0x7F800000> : vector<128xf32>
    %reduce_min3A_111 = vector.multi_reduction <minimumf>, %slice3A_103, %reduce_min3A_110 [1] : vector<128x128xf32> to vector<128xf32>
    %broadcast_in_dim3A_112 = vector.shape_cast %reduce_min3A_111 : vector<128xf32> to vector<128x1xf32>
    %slice3A_113 = vector.extract_strided_slice %sub3A {offsets = [0, 1280], sizes = [128, 128], strides = [1, 1]} : vector<128x16384xf32> to vector<128x128xf32>
    %swap3A_114 = arith.constant 10 : index
    %swap3A_115 = arith.constant 0 : index
    %swap3A_116 = arith.constant 0 : index
    %swap3A_117 = vector.load %arg3[%swap3A_114, %swap3A_115, %swap3A_116] : memref<128x128x128xf32, #tpu.memory_space<vmem>>, vector<1x128x128xf32>
    %swap3A_118 = vector.shape_cast %swap3A_117 : vector<1x128x128xf32> to vector<128x128xf32>
    %swap3A_119 = vector.shape_cast %slice3A_113 : vector<128x128xf32> to vector<1x128x128xf32>
    tpu.vector_store %arg3[%swap3A_114, %swap3A_115, %swap3A_116], %swap3A_119 {strides = array<i32>} : memref<128x128x128xf32, #tpu.memory_space<vmem>>, vector<1x128x128xf32>,
    %reduce_min3A_120 = arith.constant dense<0x7F800000> : vector<128xf32>
    %reduce_min3A_121 = vector.multi_reduction <minimumf>, %slice3A_113, %reduce_min3A_120 [1] : vector<128x128xf32> to vector<128xf32>
    %broadcast_in_dim3A_122 = vector.shape_cast %reduce_min3A_121 : vector<128xf32> to vector<128x1xf32>
    %slice3A_123 = vector.extract_strided_slice %sub3A {offsets = [0, 1408], sizes = [128, 128], strides = [1, 1]} : vector<128x16384xf32> to vector<128x128xf32>
    %swap3A_124 = arith.constant 11 : index
    %swap3A_125 = arith.constant 0 : index
    %swap3A_126 = arith.constant 0 : index
    %swap3A_127 = vector.load %arg3[%swap3A_124, %swap3A_125, %swap3A_126] : memref<128x128x128xf32, #tpu.memory_space<vmem>>, vector<1x128x128xf32>
    %swap3A_128 = vector.shape_cast %swap3A_127 : vector<1x128x128xf32> to vector<128x128xf32>
    %swap3A_129 = vector.shape_cast %slice3A_123 : vector<128x128xf32> to vector<1x128x128xf32>
    tpu.vector_store %arg3[%swap3A_124, %swap3A_125, %swap3A_126], %swap3A_129 {strides = array<i32>} : memref<128x128x128xf32, #tpu.memory_space<vmem>>, vector<1x128x128xf32>,
    %reduce_min3A_130 = arith.constant dense<0x7F800000> : vector<128xf32>
    %reduce_min3A_131 = vector.multi_reduction <minimumf>, %slice3A_123, %reduce_min3A_130 [1] : vector<128x128xf32> to vector<128xf32>
    %broadcast_in_dim3A_132 = vector.shape_cast %reduce_min3A_131 : vector<128xf32> to vector<128x1xf32>
    %slice3A_133 = vector.extract_strided_slice %sub3A {offsets = [0, 1536], sizes = [128, 128], strides = [1, 1]} : vector<128x16384xf32> to vector<128x128xf32>
    %swap3A_134 = arith.constant 12 : index
    %swap3A_135 = arith.constant 0 : index
    %swap3A_136 = arith.constant 0 : index
    %swap3A_137 = vector.load %arg3[%swap3A_134, %swap3A_135, %swap3A_136] : memref<128x128x128xf32, #tpu.memory_space<vmem>>, vector<1x128x128xf32>
    %swap3A_138 = vector.shape_cast %swap3A_137 : vector<1x128x128xf32> to vector<128x128xf32>
    %swap3A_139 = vector.shape_cast %slice3A_133 : vector<128x128xf32> to vector<1x128x128xf32>
    tpu.vector_store %arg3[%swap3A_134, %swap3A_135, %swap3A_136], %swap3A_139 {strides = array<i32>} : memref<128x128x128xf32, #tpu.memory_space<vmem>>, vector<1x128x128xf32>,
    %reduce_min3A_140 = arith.constant dense<0x7F800000> : vector<128xf32>
    %reduce_min3A_141 = vector.multi_reduction <minimumf>, %slice3A_133, %reduce_min3A_140 [1] : vector<128x128xf32> to vector<128xf32>
    %broadcast_in_dim3A_142 = vector.shape_cast %reduce_min3A_141 : vector<128xf32> to vector<128x1xf32>
    %slice3A_143 = vector.extract_strided_slice %sub3A {offsets = [0, 1664], sizes = [128, 128], strides = [1, 1]} : vector<128x16384xf32> to vector<128x128xf32>
    %swap3A_144 = arith.constant 13 : index
    %swap3A_145 = arith.constant 0 : index
    %swap3A_146 = arith.constant 0 : index
    %swap3A_147 = vector.load %arg3[%swap3A_144, %swap3A_145, %swap3A_146] : memref<128x128x128xf32, #tpu.memory_space<vmem>>, vector<1x128x128xf32>
    %swap3A_148 = vector.shape_cast %swap3A_147 : vector<1x128x128xf32> to vector<128x128xf32>
    %swap3A_149 = vector.shape_cast %slice3A_143 : vector<128x128xf32> to vector<1x128x128xf32>
    tpu.vector_store %arg3[%swap3A_144, %swap3A_145, %swap3A_146], %swap3A_149 {strides = array<i32>} : memref<128x128x128xf32, #tpu.memory_space<vmem>>, vector<1x128x128xf32>,
    %reduce_min3A_150 = arith.constant dense<0x7F800000> : vector<128xf32>
    %reduce_min3A_151 = vector.multi_reduction <minimumf>, %slice3A_143, %reduce_min3A_150 [1] : vector<128x128xf32> to vector<128xf32>
    %broadcast_in_dim3A_152 = vector.shape_cast %reduce_min3A_151 : vector<128xf32> to vector<128x1xf32>
    %slice3A_153 = vector.extract_strided_slice %sub3A {offsets = [0, 1792], sizes = [128, 128], strides = [1, 1]} : vector<128x16384xf32> to vector<128x128xf32>
    %swap3A_154 = arith.constant 14 : index
    %swap3A_155 = arith.constant 0 : index
    %swap3A_156 = arith.constant 0 : index
    %swap3A_157 = vector.load %arg3[%swap3A_154, %swap3A_155, %swap3A_156] : memref<128x128x128xf32, #tpu.memory_space<vmem>>, vector<1x128x128xf32>
    %swap3A_158 = vector.shape_cast %swap3A_157 : vector<1x128x128xf32> to vector<128x128xf32>
    %swap3A_159 = vector.shape_cast %slice3A_153 : vector<128x128xf32> to vector<1x128x128xf32>
    tpu.vector_store %arg3[%swap3A_154, %swap3A_155, %swap3A_156], %swap3A_159 {strides = array<i32>} : memref<128x128x128xf32, #tpu.memory_space<vmem>>, vector<1x128x128xf32>,
    %reduce_min3A_160 = arith.constant dense<0x7F800000> : vector<128xf32>
    %reduce_min3A_161 = vector.multi_reduction <minimumf>, %slice3A_153, %reduce_min3A_160 [1] : vector<128x128xf32> to vector<128xf32>
    %broadcast_in_dim3A_162 = vector.shape_cast %reduce_min3A_161 : vector<128xf32> to vector<128x1xf32>
    %slice3A_163 = vector.extract_strided_slice %sub3A {offsets = [0, 1920], sizes = [128, 128], strides = [1, 1]} : vector<128x16384xf32> to vector<128x128xf32>
    %swap3A_164 = arith.constant 15 : index
    %swap3A_165 = arith.constant 0 : index
    %swap3A_166 = arith.constant 0 : index
    %swap3A_167 = vector.load %arg3[%swap3A_164, %swap3A_165, %swap3A_166] : memref<128x128x128xf32, #tpu.memory_space<vmem>>, vector<1x128x128xf32>
    %swap3A_168 = vector.shape_cast %swap3A_167 : vector<1x128x128xf32> to vector<128x128xf32>
    %swap3A_169 = vector.shape_cast %slice3A_163 : vector<128x128xf32> to vector<1x128x128xf32>
    tpu.vector_store %arg3[%swap3A_164, %swap3A_165, %swap3A_166], %swap3A_169 {strides = array<i32>} : memref<128x128x128xf32, #tpu.memory_space<vmem>>, vector<1x128x128xf32>,
    %reduce_min3A_170 = arith.constant dense<0x7F800000> : vector<128xf32>
    %reduce_min3A_171 = vector.multi_reduction <minimumf>, %slice3A_163, %reduce_min3A_170 [1] : vector<128x128xf32> to vector<128xf32>
    %broadcast_in_dim3A_172 = vector.shape_cast %reduce_min3A_171 : vector<128xf32> to vector<128x1xf32>
    %slice3A_173 = vector.extract_strided_slice %sub3A {offsets = [0, 2048], sizes = [128, 128], strides = [1, 1]} : vector<128x16384xf32> to vector<128x128xf32>
    %swap3A_174 = arith.constant 16 : index
    %swap3A_175 = arith.constant 0 : index
    %swap3A_176 = arith.constant 0 : index
    %swap3A_177 = vector.load %arg3[%swap3A_174, %swap3A_175, %swap3A_176] : memref<128x128x128xf32, #tpu.memory_space<vmem>>, vector<1x128x128xf32>
    %swap3A_178 = vector.shape_cast %swap3A_177 : vector<1x128x128xf32> to vector<128x128xf32>
    %swap3A_179 = vector.shape_cast %slice3A_173 : vector<128x128xf32> to vector<1x128x128xf32>
    tpu.vector_store %arg3[%swap3A_174, %swap3A_175, %swap3A_176], %swap3A_179 {strides = array<i32>} : memref<128x128x128xf32, #tpu.memory_space<vmem>>, vector<1x128x128xf32>,
    %reduce_min3A_180 = arith.constant dense<0x7F800000> : vector<128xf32>
    %reduce_min3A_181 = vector.multi_reduction <minimumf>, %slice3A_173, %reduce_min3A_180 [1] : vector<128x128xf32> to vector<128xf32>
    %broadcast_in_dim3A_182 = vector.shape_cast %reduce_min3A_181 : vector<128xf32> to vector<128x1xf32>
    %slice3A_183 = vector.extract_strided_slice %sub3A {offsets = [0, 2176], sizes = [128, 128], strides = [1, 1]} : vector<128x16384xf32> to vector<128x128xf32>
    %swap3A_184 = arith.constant 17 : index
    %swap3A_185 = arith.constant 0 : index
    %swap3A_186 = arith.constant 0 : index
    %swap3A_187 = vector.load %arg3[%swap3A_184, %swap3A_185, %swap3A_186] : memref<128x128x128xf32, #tpu.memory_space<vmem>>, vector<1x128x128xf32>
    %swap3A_188 = vector.shape_cast %swap3A_187 : vector<1x128x128xf32> to vector<128x128xf32>
    %swap3A_189 = vector.shape_cast %slice3A_183 : vector<128x128xf32> to vector<1x128x128xf32>
    tpu.vector_store %arg3[%swap3A_184, %swap3A_185, %swap3A_186], %swap3A_189 {strides = array<i32>} : memref<128x128x128xf32, #tpu.memory_space<vmem>>, vector<1x128x128xf32>,
    %reduce_min3A_190 = arith.constant dense<0x7F800000> : vector<128xf32>
    %reduce_min3A_191 = vector.multi_reduction <minimumf>, %slice3A_183, %reduce_min3A_190 [1] : vector<128x128xf32> to vector<128xf32>
    %broadcast_in_dim3A_192 = vector.shape_cast %reduce_min3A_191 : vector<128xf32> to vector<128x1xf32>
    %slice3A_193 = vector.extract_strided_slice %sub3A {offsets = [0, 2304], sizes = [128, 128], strides = [1, 1]} : vector<128x16384xf32> to vector<128x128xf32>
    %swap3A_194 = arith.constant 18 : index
    %swap3A_195 = arith.constant 0 : index
    %swap3A_196 = arith.constant 0 : index
    %swap3A_197 = vector.load %arg3[%swap3A_194, %swap3A_195, %swap3A_196] : memref<128x128x128xf32, #tpu.memory_space<vmem>>, vector<1x128x128xf32>
    %swap3A_198 = vector.shape_cast %swap3A_197 : vector<1x128x128xf32> to vector<128x128xf32>
    %swap3A_199 = vector.shape_cast %slice3A_193 : vector<128x128xf32> to vector<1x128x128xf32>
    tpu.vector_store %arg3[%swap3A_194, %swap3A_195, %swap3A_196], %swap3A_199 {strides = array<i32>} : memref<128x128x128xf32, #tpu.memory_space<vmem>>, vector<1x128x128xf32>,
    %reduce_min3A_200 = arith.constant dense<0x7F800000> : vector<128xf32>
    %reduce_min3A_201 = vector.multi_reduction <minimumf>, %slice3A_193, %reduce_min3A_200 [1] : vector<128x128xf32> to vector<128xf32>
    %broadcast_in_dim3A_202 = vector.shape_cast %reduce_min3A_201 : vector<128xf32> to vector<128x1xf32>
    %slice3A_203 = vector.extract_strided_slice %sub3A {offsets = [0, 2432], sizes = [128, 128], strides = [1, 1]} : vector<128x16384xf32> to vector<128x128xf32>
    %swap3A_204 = arith.constant 19 : index
    %swap3A_205 = arith.constant 0 : index
    %swap3A_206 = arith.constant 0 : index
    %swap3A_207 = vector.load %arg3[%swap3A_204, %swap3A_205, %swap3A_206] : memref<128x128x128xf32, #tpu.memory_space<vmem>>, vector<1x128x128xf32>
    %swap3A_208 = vector.shape_cast %swap3A_207 : vector<1x128x128xf32> to vector<128x128xf32>
    %swap3A_209 = vector.shape_cast %slice3A_203 : vector<128x128xf32> to vector<1x128x128xf32>
    tpu.vector_store %arg3[%swap3A_204, %swap3A_205, %swap3A_206], %swap3A_209 {strides = array<i32>} : memref<128x128x128xf32, #tpu.memory_space<vmem>>, vector<1x128x128xf32>,
    %reduce_min3A_210 = arith.constant dense<0x7F800000> : vector<128xf32>
    %reduce_min3A_211 = vector.multi_reduction <minimumf>, %slice3A_203, %reduce_min3A_210 [1] : vector<128x128xf32> to vector<128xf32>
    %broadcast_in_dim3A_212 = vector.shape_cast %reduce_min3A_211 : vector<128xf32> to vector<128x1xf32>
    %slice3A_213 = vector.extract_strided_slice %sub3A {offsets = [0, 2560], sizes = [128, 128], strides = [1, 1]} : vector<128x16384xf32> to vector<128x128xf32>
    %swap3A_214 = arith.constant 20 : index
    %swap3A_215 = arith.constant 0 : index
    %swap3A_216 = arith.constant 0 : index
    %swap3A_217 = vector.load %arg3[%swap3A_214, %swap3A_215, %swap3A_216] : memref<128x128x128xf32, #tpu.memory_space<vmem>>, vector<1x128x128xf32>
    %swap3A_218 = vector.shape_cast %swap3A_217 : vector<1x128x128xf32> to vector<128x128xf32>
    %swap3A_219 = vector.shape_cast %slice3A_213 : vector<128x128xf32> to vector<1x128x128xf32>
    tpu.vector_store %arg3[%swap3A_214, %swap3A_215, %swap3A_216], %swap3A_219 {strides = array<i32>} : memref<128x128x128xf32, #tpu.memory_space<vmem>>, vector<1x128x128xf32>,
    %reduce_min3A_220 = arith.constant dense<0x7F800000> : vector<128xf32>
    %reduce_min3A_221 = vector.multi_reduction <minimumf>, %slice3A_213, %reduce_min3A_220 [1] : vector<128x128xf32> to vector<128xf32>
    %broadcast_in_dim3A_222 = vector.shape_cast %reduce_min3A_221 : vector<128xf32> to vector<128x1xf32>
    %slice3A_223 = vector.extract_strided_slice %sub3A {offsets = [0, 2688], sizes = [128, 128], strides = [1, 1]} : vector<128x16384xf32> to vector<128x128xf32>
    %swap3A_224 = arith.constant 21 : index
    %swap3A_225 = arith.constant 0 : index
    %swap3A_226 = arith.constant 0 : index
    %swap3A_227 = vector.load %arg3[%swap3A_224, %swap3A_225, %swap3A_226] : memref<128x128x128xf32, #tpu.memory_space<vmem>>, vector<1x128x128xf32>
    %swap3A_228 = vector.shape_cast %swap3A_227 : vector<1x128x128xf32> to vector<128x128xf32>
    %swap3A_229 = vector.shape_cast %slice3A_223 : vector<128x128xf32> to vector<1x128x128xf32>
    tpu.vector_store %arg3[%swap3A_224, %swap3A_225, %swap3A_226], %swap3A_229 {strides = array<i32>} : memref<128x128x128xf32, #tpu.memory_space<vmem>>, vector<1x128x128xf32>,
    %reduce_min3A_230 = arith.constant dense<0x7F800000> : vector<128xf32>
    %reduce_min3A_231 = vector.multi_reduction <minimumf>, %slice3A_223, %reduce_min3A_230 [1] : vector<128x128xf32> to vector<128xf32>
    %broadcast_in_dim3A_232 = vector.shape_cast %reduce_min3A_231 : vector<128xf32> to vector<128x1xf32>
    %slice3A_233 = vector.extract_strided_slice %sub3A {offsets = [0, 2816], sizes = [128, 128], strides = [1, 1]} : vector<128x16384xf32> to vector<128x128xf32>
    %swap3A_234 = arith.constant 22 : index
    %swap3A_235 = arith.constant 0 : index
    %swap3A_236 = arith.constant 0 : index
    %swap3A_237 = vector.load %arg3[%swap3A_234, %swap3A_235, %swap3A_236] : memref<128x128x128xf32, #tpu.memory_space<vmem>>, vector<1x128x128xf32>
    %swap3A_238 = vector.shape_cast %swap3A_237 : vector<1x128x128xf32> to vector<128x128xf32>
    %swap3A_239 = vector.shape_cast %slice3A_233 : vector<128x128xf32> to vector<1x128x128xf32>
    tpu.vector_store %arg3[%swap3A_234, %swap3A_235, %swap3A_236], %swap3A_239 {strides = array<i32>} : memref<128x128x128xf32, #tpu.memory_space<vmem>>, vector<1x128x128xf32>,
    %reduce_min3A_240 = arith.constant dense<0x7F800000> : vector<128xf32>
    %reduce_min3A_241 = vector.multi_reduction <minimumf>, %slice3A_233, %reduce_min3A_240 [1] : vector<128x128xf32> to vector<128xf32>
    %broadcast_in_dim3A_242 = vector.shape_cast %reduce_min3A_241 : vector<128xf32> to vector<128x1xf32>
    %slice3A_243 = vector.extract_strided_slice %sub3A {offsets = [0, 2944], sizes = [128, 128], strides = [1, 1]} : vector<128x16384xf32> to vector<128x128xf32>
    %swap3A_244 = arith.constant 23 : index
    %swap3A_245 = arith.constant 0 : index
    %swap3A_246 = arith.constant 0 : index
    %swap3A_247 = vector.load %arg3[%swap3A_244, %swap3A_245, %swap3A_246] : memref<128x128x128xf32, #tpu.memory_space<vmem>>, vector<1x128x128xf32>
    %swap3A_248 = vector.shape_cast %swap3A_247 : vector<1x128x128xf32> to vector<128x128xf32>
    %swap3A_249 = vector.shape_cast %slice3A_243 : vector<128x128xf32> to vector<1x128x128xf32>
    tpu.vector_store %arg3[%swap3A_244, %swap3A_245, %swap3A_246], %swap3A_249 {strides = array<i32>} : memref<128x128x128xf32, #tpu.memory_space<vmem>>, vector<1x128x128xf32>,
    %reduce_min3A_250 = arith.constant dense<0x7F800000> : vector<128xf32>
    %reduce_min3A_251 = vector.multi_reduction <minimumf>, %slice3A_243, %reduce_min3A_250 [1] : vector<128x128xf32> to vector<128xf32>
    %broadcast_in_dim3A_252 = vector.shape_cast %reduce_min3A_251 : vector<128xf32> to vector<128x1xf32>
    %slice3A_253 = vector.extract_strided_slice %sub3A {offsets = [0, 3072], sizes = [128, 128], strides = [1, 1]} : vector<128x16384xf32> to vector<128x128xf32>
    %swap3A_254 = arith.constant 24 : index
    %swap3A_255 = arith.constant 0 : index
    %swap3A_256 = arith.constant 0 : index
    %swap3A_257 = vector.load %arg3[%swap3A_254, %swap3A_255, %swap3A_256] : memref<128x128x128xf32, #tpu.memory_space<vmem>>, vector<1x128x128xf32>
    %swap3A_258 = vector.shape_cast %swap3A_257 : vector<1x128x128xf32> to vector<128x128xf32>
    %swap3A_259 = vector.shape_cast %slice3A_253 : vector<128x128xf32> to vector<1x128x128xf32>
    tpu.vector_store %arg3[%swap3A_254, %swap3A_255, %swap3A_256], %swap3A_259 {strides = array<i32>} : memref<128x128x128xf32, #tpu.memory_space<vmem>>, vector<1x128x128xf32>,
    %reduce_min3A_260 = arith.constant dense<0x7F800000> : vector<128xf32>
    %reduce_min3A_261 = vector.multi_reduction <minimumf>, %slice3A_253, %reduce_min3A_260 [1] : vector<128x128xf32> to vector<128xf32>
    %broadcast_in_dim3A_262 = vector.shape_cast %reduce_min3A_261 : vector<128xf32> to vector<128x1xf32>
    %slice3A_263 = vector.extract_strided_slice %sub3A {offsets = [0, 3200], sizes = [128, 128], strides = [1, 1]} : vector<128x16384xf32> to vector<128x128xf32>
    %swap3A_264 = arith.constant 25 : index
    %swap3A_265 = arith.constant 0 : index
    %swap3A_266 = arith.constant 0 : index
    %swap3A_267 = vector.load %arg3[%swap3A_264, %swap3A_265, %swap3A_266] : memref<128x128x128xf32, #tpu.memory_space<vmem>>, vector<1x128x128xf32>
    %swap3A_268 = vector.shape_cast %swap3A_267 : vector<1x128x128xf32> to vector<128x128xf32>
    %swap3A_269 = vector.shape_cast %slice3A_263 : vector<128x128xf32> to vector<1x128x128xf32>
    tpu.vector_store %arg3[%swap3A_264, %swap3A_265, %swap3A_266], %swap3A_269 {strides = array<i32>} : memref<128x128x128xf32, #tpu.memory_space<vmem>>, vector<1x128x128xf32>,
    %reduce_min3A_270 = arith.constant dense<0x7F800000> : vector<128xf32>
    %reduce_min3A_271 = vector.multi_reduction <minimumf>, %slice3A_263, %reduce_min3A_270 [1] : vector<128x128xf32> to vector<128xf32>
    %broadcast_in_dim3A_272 = vector.shape_cast %reduce_min3A_271 : vector<128xf32> to vector<128x1xf32>
    %slice3A_273 = vector.extract_strided_slice %sub3A {offsets = [0, 3328], sizes = [128, 128], strides = [1, 1]} : vector<128x16384xf32> to vector<128x128xf32>
    %swap3A_274 = arith.constant 26 : index
    %swap3A_275 = arith.constant 0 : index
    %swap3A_276 = arith.constant 0 : index
    %swap3A_277 = vector.load %arg3[%swap3A_274, %swap3A_275, %swap3A_276] : memref<128x128x128xf32, #tpu.memory_space<vmem>>, vector<1x128x128xf32>
    %swap3A_278 = vector.shape_cast %swap3A_277 : vector<1x128x128xf32> to vector<128x128xf32>
    %swap3A_279 = vector.shape_cast %slice3A_273 : vector<128x128xf32> to vector<1x128x128xf32>
    tpu.vector_store %arg3[%swap3A_274, %swap3A_275, %swap3A_276], %swap3A_279 {strides = array<i32>} : memref<128x128x128xf32, #tpu.memory_space<vmem>>, vector<1x128x128xf32>,
    %reduce_min3A_280 = arith.constant dense<0x7F800000> : vector<128xf32>
    %reduce_min3A_281 = vector.multi_reduction <minimumf>, %slice3A_273, %reduce_min3A_280 [1] : vector<128x128xf32> to vector<128xf32>
    %broadcast_in_dim3A_282 = vector.shape_cast %reduce_min3A_281 : vector<128xf32> to vector<128x1xf32>
    %slice3A_283 = vector.extract_strided_slice %sub3A {offsets = [0, 3456], sizes = [128, 128], strides = [1, 1]} : vector<128x16384xf32> to vector<128x128xf32>
    %swap3A_284 = arith.constant 27 : index
    %swap3A_285 = arith.constant 0 : index
    %swap3A_286 = arith.constant 0 : index
    %swap3A_287 = vector.load %arg3[%swap3A_284, %swap3A_285, %swap3A_286] : memref<128x128x128xf32, #tpu.memory_space<vmem>>, vector<1x128x128xf32>
    %swap3A_288 = vector.shape_cast %swap3A_287 : vector<1x128x128xf32> to vector<128x128xf32>
    %swap3A_289 = vector.shape_cast %slice3A_283 : vector<128x128xf32> to vector<1x128x128xf32>
    tpu.vector_store %arg3[%swap3A_284, %swap3A_285, %swap3A_286], %swap3A_289 {strides = array<i32>} : memref<128x128x128xf32, #tpu.memory_space<vmem>>, vector<1x128x128xf32>,
    %reduce_min3A_290 = arith.constant dense<0x7F800000> : vector<128xf32>
    %reduce_min3A_291 = vector.multi_reduction <minimumf>, %slice3A_283, %reduce_min3A_290 [1] : vector<128x128xf32> to vector<128xf32>
    %broadcast_in_dim3A_292 = vector.shape_cast %reduce_min3A_291 : vector<128xf32> to vector<128x1xf32>
    %slice3A_293 = vector.extract_strided_slice %sub3A {offsets = [0, 3584], sizes = [128, 128], strides = [1, 1]} : vector<128x16384xf32> to vector<128x128xf32>
    %swap3A_294 = arith.constant 28 : index
    %swap3A_295 = arith.constant 0 : index
    %swap3A_296 = arith.constant 0 : index
    %swap3A_297 = vector.load %arg3[%swap3A_294, %swap3A_295, %swap3A_296] : memref<128x128x128xf32, #tpu.memory_space<vmem>>, vector<1x128x128xf32>
    %swap3A_298 = vector.shape_cast %swap3A_297 : vector<1x128x128xf32> to vector<128x128xf32>
    %swap3A_299 = vector.shape_cast %slice3A_293 : vector<128x128xf32> to vector<1x128x128xf32>
    tpu.vector_store %arg3[%swap3A_294, %swap3A_295, %swap3A_296], %swap3A_299 {strides = array<i32>} : memref<128x128x128xf32, #tpu.memory_space<vmem>>, vector<1x128x128xf32>,
    %reduce_min3A_300 = arith.constant dense<0x7F800000> : vector<128xf32>
    %reduce_min3A_301 = vector.multi_reduction <minimumf>, %slice3A_293, %reduce_min3A_300 [1] : vector<128x128xf32> to vector<128xf32>
    %broadcast_in_dim3A_302 = vector.shape_cast %reduce_min3A_301 : vector<128xf32> to vector<128x1xf32>
    %slice3A_303 = vector.extract_strided_slice %sub3A {offsets = [0, 3712], sizes = [128, 128], strides = [1, 1]} : vector<128x16384xf32> to vector<128x128xf32>
    %swap3A_304 = arith.constant 29 : index
    %swap3A_305 = arith.constant 0 : index
    %swap3A_306 = arith.constant 0 : index
    %swap3A_307 = vector.load %arg3[%swap3A_304, %swap3A_305, %swap3A_306] : memref<128x128x128xf32, #tpu.memory_space<vmem>>, vector<1x128x128xf32>
    %swap3A_308 = vector.shape_cast %swap3A_307 : vector<1x128x128xf32> to vector<128x128xf32>
    %swap3A_309 = vector.shape_cast %slice3A_303 : vector<128x128xf32> to vector<1x128x128xf32>
    tpu.vector_store %arg3[%swap3A_304, %swap3A_305, %swap3A_306], %swap3A_309 {strides = array<i32>} : memref<128x128x128xf32, #tpu.memory_space<vmem>>, vector<1x128x128xf32>,
    %reduce_min3A_310 = arith.constant dense<0x7F800000> : vector<128xf32>
    %reduce_min3A_311 = vector.multi_reduction <minimumf>, %slice3A_303, %reduce_min3A_310 [1] : vector<128x128xf32> to vector<128xf32>
    %broadcast_in_dim3A_312 = vector.shape_cast %reduce_min3A_311 : vector<128xf32> to vector<128x1xf32>
    %slice3A_313 = vector.extract_strided_slice %sub3A {offsets = [0, 3840], sizes = [128, 128], strides = [1, 1]} : vector<128x16384xf32> to vector<128x128xf32>
    %swap3A_314 = arith.constant 30 : index
    %swap3A_315 = arith.constant 0 : index
    %swap3A_316 = arith.constant 0 : index
    %swap3A_317 = vector.load %arg3[%swap3A_314, %swap3A_315, %swap3A_316] : memref<128x128x128xf32, #tpu.memory_space<vmem>>, vector<1x128x128xf32>
    %swap3A_318 = vector.shape_cast %swap3A_317 : vector<1x128x128xf32> to vector<128x128xf32>
    %swap3A_319 = vector.shape_cast %slice3A_313 : vector<128x128xf32> to vector<1x128x128xf32>
    tpu.vector_store %arg3[%swap3A_314, %swap3A_315, %swap3A_316], %swap3A_319 {strides = array<i32>} : memref<128x128x128xf32, #tpu.memory_space<vmem>>, vector<1x128x128xf32>,
    %reduce_min3A_320 = arith.constant dense<0x7F800000> : vector<128xf32>
    %reduce_min3A_321 = vector.multi_reduction <minimumf>, %slice3A_313, %reduce_min3A_320 [1] : vector<128x128xf32> to vector<128xf32>
    %broadcast_in_dim3A_322 = vector.shape_cast %reduce_min3A_321 : vector<128xf32> to vector<128x1xf32>
    %slice3A_323 = vector.extract_strided_slice %sub3A {offsets = [0, 3968], sizes = [128, 128], strides = [1, 1]} : vector<128x16384xf32> to vector<128x128xf32>
    %swap3A_324 = arith.constant 31 : index
    %swap3A_325 = arith.constant 0 : index
    %swap3A_326 = arith.constant 0 : index
    %swap3A_327 = vector.load %arg3[%swap3A_324, %swap3A_325, %swap3A_326] : memref<128x128x128xf32, #tpu.memory_space<vmem>>, vector<1x128x128xf32>
    %swap3A_328 = vector.shape_cast %swap3A_327 : vector<1x128x128xf32> to vector<128x128xf32>
    %swap3A_329 = vector.shape_cast %slice3A_323 : vector<128x128xf32> to vector<1x128x128xf32>
    tpu.vector_store %arg3[%swap3A_324, %swap3A_325, %swap3A_326], %swap3A_329 {strides = array<i32>} : memref<128x128x128xf32, #tpu.memory_space<vmem>>, vector<1x128x128xf32>,
    %reduce_min3A_330 = arith.constant dense<0x7F800000> : vector<128xf32>
    %reduce_min3A_331 = vector.multi_reduction <minimumf>, %slice3A_323, %reduce_min3A_330 [1] : vector<128x128xf32> to vector<128xf32>
    %broadcast_in_dim3A_332 = vector.shape_cast %reduce_min3A_331 : vector<128xf32> to vector<128x1xf32>
    %slice3A_333 = vector.extract_strided_slice %sub3A {offsets = [0, 4096], sizes = [128, 128], strides = [1, 1]} : vector<128x16384xf32> to vector<128x128xf32>
    %swap3A_334 = arith.constant 32 : index
    %swap3A_335 = arith.constant 0 : index
    %swap3A_336 = arith.constant 0 : index
    %swap3A_337 = vector.load %arg3[%swap3A_334, %swap3A_335, %swap3A_336] : memref<128x128x128xf32, #tpu.memory_space<vmem>>, vector<1x128x128xf32>
    %swap3A_338 = vector.shape_cast %swap3A_337 : vector<1x128x128xf32> to vector<128x128xf32>
    %swap3A_339 = vector.shape_cast %slice3A_333 : vector<128x128xf32> to vector<1x128x128xf32>
    tpu.vector_store %arg3[%swap3A_334, %swap3A_335, %swap3A_336], %swap3A_339 {strides = array<i32>} : memref<128x128x128xf32, #tpu.memory_space<vmem>>, vector<1x128x128xf32>,
    %reduce_min3A_340 = arith.constant dense<0x7F800000> : vector<128xf32>
    %reduce_min3A_341 = vector.multi_reduction <minimumf>, %slice3A_333, %reduce_min3A_340 [1] : vector<128x128xf32> to vector<128xf32>
    %broadcast_in_dim3A_342 = vector.shape_cast %reduce_min3A_341 : vector<128xf32> to vector<128x1xf32>
    %slice3A_343 = vector.extract_strided_slice %sub3A {offsets = [0, 4224], sizes = [128, 128], strides = [1, 1]} : vector<128x16384xf32> to vector<128x128xf32>
    %swap3A_344 = arith.constant 33 : index
    %swap3A_345 = arith.constant 0 : index
    %swap3A_346 = arith.constant 0 : index
    %swap3A_347 = vector.load %arg3[%swap3A_344, %swap3A_345, %swap3A_346] : memref<128x128x128xf32, #tpu.memory_space<vmem>>, vector<1x128x128xf32>
    %swap3A_348 = vector.shape_cast %swap3A_347 : vector<1x128x128xf32> to vector<128x128xf32>
    %swap3A_349 = vector.shape_cast %slice3A_343 : vector<128x128xf32> to vector<1x128x128xf32>
    tpu.vector_store %arg3[%swap3A_344, %swap3A_345, %swap3A_346], %swap3A_349 {strides = array<i32>} : memref<128x128x128xf32, #tpu.memory_space<vmem>>, vector<1x128x128xf32>,
    %reduce_min3A_350 = arith.constant dense<0x7F800000> : vector<128xf32>
    %reduce_min3A_351 = vector.multi_reduction <minimumf>, %slice3A_343, %reduce_min3A_350 [1] : vector<128x128xf32> to vector<128xf32>
    %broadcast_in_dim3A_352 = vector.shape_cast %reduce_min3A_351 : vector<128xf32> to vector<128x1xf32>
    %slice3A_353 = vector.extract_strided_slice %sub3A {offsets = [0, 4352], sizes = [128, 128], strides = [1, 1]} : vector<128x16384xf32> to vector<128x128xf32>
    %swap3A_354 = arith.constant 34 : index
    %swap3A_355 = arith.constant 0 : index
    %swap3A_356 = arith.constant 0 : index
    %swap3A_357 = vector.load %arg3[%swap3A_354, %swap3A_355, %swap3A_356] : memref<128x128x128xf32, #tpu.memory_space<vmem>>, vector<1x128x128xf32>
    %swap3A_358 = vector.shape_cast %swap3A_357 : vector<1x128x128xf32> to vector<128x128xf32>
    %swap3A_359 = vector.shape_cast %slice3A_353 : vector<128x128xf32> to vector<1x128x128xf32>
    tpu.vector_store %arg3[%swap3A_354, %swap3A_355, %swap3A_356], %swap3A_359 {strides = array<i32>} : memref<128x128x128xf32, #tpu.memory_space<vmem>>, vector<1x128x128xf32>,
    %reduce_min3A_360 = arith.constant dense<0x7F800000> : vector<128xf32>
    %reduce_min3A_361 = vector.multi_reduction <minimumf>, %slice3A_353, %reduce_min3A_360 [1] : vector<128x128xf32> to vector<128xf32>
    %broadcast_in_dim3A_362 = vector.shape_cast %reduce_min3A_361 : vector<128xf32> to vector<128x1xf32>
    %slice3A_363 = vector.extract_strided_slice %sub3A {offsets = [0, 4480], sizes = [128, 128], strides = [1, 1]} : vector<128x16384xf32> to vector<128x128xf32>
    %swap3A_364 = arith.constant 35 : index
    %swap3A_365 = arith.constant 0 : index
    %swap3A_366 = arith.constant 0 : index
    %swap3A_367 = vector.load %arg3[%swap3A_364, %swap3A_365, %swap3A_366] : memref<128x128x128xf32, #tpu.memory_space<vmem>>, vector<1x128x128xf32>
    %swap3A_368 = vector.shape_cast %swap3A_367 : vector<1x128x128xf32> to vector<128x128xf32>
    %swap3A_369 = vector.shape_cast %slice3A_363 : vector<128x128xf32> to vector<1x128x128xf32>
    tpu.vector_store %arg3[%swap3A_364, %swap3A_365, %swap3A_366], %swap3A_369 {strides = array<i32>} : memref<128x128x128xf32, #tpu.memory_space<vmem>>, vector<1x128x128xf32>,
    %reduce_min3A_370 = arith.constant dense<0x7F800000> : vector<128xf32>
    %reduce_min3A_371 = vector.multi_reduction <minimumf>, %slice3A_363, %reduce_min3A_370 [1] : vector<128x128xf32> to vector<128xf32>
    %broadcast_in_dim3A_372 = vector.shape_cast %reduce_min3A_371 : vector<128xf32> to vector<128x1xf32>
    %slice3A_373 = vector.extract_strided_slice %sub3A {offsets = [0, 4608], sizes = [128, 128], strides = [1, 1]} : vector<128x16384xf32> to vector<128x128xf32>
    %swap3A_374 = arith.constant 36 : index
    %swap3A_375 = arith.constant 0 : index
    %swap3A_376 = arith.constant 0 : index
    %swap3A_377 = vector.load %arg3[%swap3A_374, %swap3A_375, %swap3A_376] : memref<128x128x128xf32, #tpu.memory_space<vmem>>, vector<1x128x128xf32>
    %swap3A_378 = vector.shape_cast %swap3A_377 : vector<1x128x128xf32> to vector<128x128xf32>
    %swap3A_379 = vector.shape_cast %slice3A_373 : vector<128x128xf32> to vector<1x128x128xf32>
    tpu.vector_store %arg3[%swap3A_374, %swap3A_375, %swap3A_376], %swap3A_379 {strides = array<i32>} : memref<128x128x128xf32, #tpu.memory_space<vmem>>, vector<1x128x128xf32>,
    %reduce_min3A_380 = arith.constant dense<0x7F800000> : vector<128xf32>
    %reduce_min3A_381 = vector.multi_reduction <minimumf>, %slice3A_373, %reduce_min3A_380 [1] : vector<128x128xf32> to vector<128xf32>
    %broadcast_in_dim3A_382 = vector.shape_cast %reduce_min3A_381 : vector<128xf32> to vector<128x1xf32>
    %slice3A_383 = vector.extract_strided_slice %sub3A {offsets = [0, 4736], sizes = [128, 128], strides = [1, 1]} : vector<128x16384xf32> to vector<128x128xf32>
    %swap3A_384 = arith.constant 37 : index
    %swap3A_385 = arith.constant 0 : index
    %swap3A_386 = arith.constant 0 : index
    %swap3A_387 = vector.load %arg3[%swap3A_384, %swap3A_385, %swap3A_386] : memref<128x128x128xf32, #tpu.memory_space<vmem>>, vector<1x128x128xf32>
    %swap3A_388 = vector.shape_cast %swap3A_387 : vector<1x128x128xf32> to vector<128x128xf32>
    %swap3A_389 = vector.shape_cast %slice3A_383 : vector<128x128xf32> to vector<1x128x128xf32>
    tpu.vector_store %arg3[%swap3A_384, %swap3A_385, %swap3A_386], %swap3A_389 {strides = array<i32>} : memref<128x128x128xf32, #tpu.memory_space<vmem>>, vector<1x128x128xf32>,
    %reduce_min3A_390 = arith.constant dense<0x7F800000> : vector<128xf32>
    %reduce_min3A_391 = vector.multi_reduction <minimumf>, %slice3A_383, %reduce_min3A_390 [1] : vector<128x128xf32> to vector<128xf32>
    %broadcast_in_dim3A_392 = vector.shape_cast %reduce_min3A_391 : vector<128xf32> to vector<128x1xf32>
    %slice3A_393 = vector.extract_strided_slice %sub3A {offsets = [0, 4864], sizes = [128, 128], strides = [1, 1]} : vector<128x16384xf32> to vector<128x128xf32>
    %swap3A_394 = arith.constant 38 : index
    %swap3A_395 = arith.constant 0 : index
    %swap3A_396 = arith.constant 0 : index
    %swap3A_397 = vector.load %arg3[%swap3A_394, %swap3A_395, %swap3A_396] : memref<128x128x128xf32, #tpu.memory_space<vmem>>, vector<1x128x128xf32>
    %swap3A_398 = vector.shape_cast %swap3A_397 : vector<1x128x128xf32> to vector<128x128xf32>
    %swap3A_399 = vector.shape_cast %slice3A_393 : vector<128x128xf32> to vector<1x128x128xf32>
    tpu.vector_store %arg3[%swap3A_394, %swap3A_395, %swap3A_396], %swap3A_399 {strides = array<i32>} : memref<128x128x128xf32, #tpu.memory_space<vmem>>, vector<1x128x128xf32>,
    %reduce_min3A_400 = arith.constant dense<0x7F800000> : vector<128xf32>
    %reduce_min3A_401 = vector.multi_reduction <minimumf>, %slice3A_393, %reduce_min3A_400 [1] : vector<128x128xf32> to vector<128xf32>
    %broadcast_in_dim3A_402 = vector.shape_cast %reduce_min3A_401 : vector<128xf32> to vector<128x1xf32>
    %slice3A_403 = vector.extract_strided_slice %sub3A {offsets = [0, 4992], sizes = [128, 128], strides = [1, 1]} : vector<128x16384xf32> to vector<128x128xf32>
    %swap3A_404 = arith.constant 39 : index
    %swap3A_405 = arith.constant 0 : index
    %swap3A_406 = arith.constant 0 : index
    %swap3A_407 = vector.load %arg3[%swap3A_404, %swap3A_405, %swap3A_406] : memref<128x128x128xf32, #tpu.memory_space<vmem>>, vector<1x128x128xf32>
    %swap3A_408 = vector.shape_cast %swap3A_407 : vector<1x128x128xf32> to vector<128x128xf32>
    %swap3A_409 = vector.shape_cast %slice3A_403 : vector<128x128xf32> to vector<1x128x128xf32>
    tpu.vector_store %arg3[%swap3A_404, %swap3A_405, %swap3A_406], %swap3A_409 {strides = array<i32>} : memref<128x128x128xf32, #tpu.memory_space<vmem>>, vector<1x128x128xf32>,
    %reduce_min3A_410 = arith.constant dense<0x7F800000> : vector<128xf32>
    %reduce_min3A_411 = vector.multi_reduction <minimumf>, %slice3A_403, %reduce_min3A_410 [1] : vector<128x128xf32> to vector<128xf32>
    %broadcast_in_dim3A_412 = vector.shape_cast %reduce_min3A_411 : vector<128xf32> to vector<128x1xf32>
    %slice3A_413 = vector.extract_strided_slice %sub3A {offsets = [0, 5120], sizes = [128, 128], strides = [1, 1]} : vector<128x16384xf32> to vector<128x128xf32>
    %swap3A_414 = arith.constant 40 : index
    %swap3A_415 = arith.constant 0 : index
    %swap3A_416 = arith.constant 0 : index
    %swap3A_417 = vector.load %arg3[%swap3A_414, %swap3A_415, %swap3A_416] : memref<128x128x128xf32, #tpu.memory_space<vmem>>, vector<1x128x128xf32>
    %swap3A_418 = vector.shape_cast %swap3A_417 : vector<1x128x128xf32> to vector<128x128xf32>
    %swap3A_419 = vector.shape_cast %slice3A_413 : vector<128x128xf32> to vector<1x128x128xf32>
    tpu.vector_store %arg3[%swap3A_414, %swap3A_415, %swap3A_416], %swap3A_419 {strides = array<i32>} : memref<128x128x128xf32, #tpu.memory_space<vmem>>, vector<1x128x128xf32>,
    %reduce_min3A_420 = arith.constant dense<0x7F800000> : vector<128xf32>
    %reduce_min3A_421 = vector.multi_reduction <minimumf>, %slice3A_413, %reduce_min3A_420 [1] : vector<128x128xf32> to vector<128xf32>
    %broadcast_in_dim3A_422 = vector.shape_cast %reduce_min3A_421 : vector<128xf32> to vector<128x1xf32>
    %slice3A_423 = vector.extract_strided_slice %sub3A {offsets = [0, 5248], sizes = [128, 128], strides = [1, 1]} : vector<128x16384xf32> to vector<128x128xf32>
    %swap3A_424 = arith.constant 41 : index
    %swap3A_425 = arith.constant 0 : index
    %swap3A_426 = arith.constant 0 : index
    %swap3A_427 = vector.load %arg3[%swap3A_424, %swap3A_425, %swap3A_426] : memref<128x128x128xf32, #tpu.memory_space<vmem>>, vector<1x128x128xf32>
    %swap3A_428 = vector.shape_cast %swap3A_427 : vector<1x128x128xf32> to vector<128x128xf32>
    %swap3A_429 = vector.shape_cast %slice3A_423 : vector<128x128xf32> to vector<1x128x128xf32>
    tpu.vector_store %arg3[%swap3A_424, %swap3A_425, %swap3A_426], %swap3A_429 {strides = array<i32>} : memref<128x128x128xf32, #tpu.memory_space<vmem>>, vector<1x128x128xf32>,
    %reduce_min3A_430 = arith.constant dense<0x7F800000> : vector<128xf32>
    %reduce_min3A_431 = vector.multi_reduction <minimumf>, %slice3A_423, %reduce_min3A_430 [1] : vector<128x128xf32> to vector<128xf32>
    %broadcast_in_dim3A_432 = vector.shape_cast %reduce_min3A_431 : vector<128xf32> to vector<128x1xf32>
    %slice3A_433 = vector.extract_strided_slice %sub3A {offsets = [0, 5376], sizes = [128, 128], strides = [1, 1]} : vector<128x16384xf32> to vector<128x128xf32>
    %swap3A_434 = arith.constant 42 : index
    %swap3A_435 = arith.constant 0 : index
    %swap3A_436 = arith.constant 0 : index
    %swap3A_437 = vector.load %arg3[%swap3A_434, %swap3A_435, %swap3A_436] : memref<128x128x128xf32, #tpu.memory_space<vmem>>, vector<1x128x128xf32>
    %swap3A_438 = vector.shape_cast %swap3A_437 : vector<1x128x128xf32> to vector<128x128xf32>
    %swap3A_439 = vector.shape_cast %slice3A_433 : vector<128x128xf32> to vector<1x128x128xf32>
    tpu.vector_store %arg3[%swap3A_434, %swap3A_435, %swap3A_436], %swap3A_439 {strides = array<i32>} : memref<128x128x128xf32, #tpu.memory_space<vmem>>, vector<1x128x128xf32>,
    %reduce_min3A_440 = arith.constant dense<0x7F800000> : vector<128xf32>
    %reduce_min3A_441 = vector.multi_reduction <minimumf>, %slice3A_433, %reduce_min3A_440 [1] : vector<128x128xf32> to vector<128xf32>
    %broadcast_in_dim3A_442 = vector.shape_cast %reduce_min3A_441 : vector<128xf32> to vector<128x1xf32>
    %slice3A_443 = vector.extract_strided_slice %sub3A {offsets = [0, 5504], sizes = [128, 128], strides = [1, 1]} : vector<128x16384xf32> to vector<128x128xf32>
    %swap3A_444 = arith.constant 43 : index
    %swap3A_445 = arith.constant 0 : index
    %swap3A_446 = arith.constant 0 : index
    %swap3A_447 = vector.load %arg3[%swap3A_444, %swap3A_445, %swap3A_446] : memref<128x128x128xf32, #tpu.memory_space<vmem>>, vector<1x128x128xf32>
    %swap3A_448 = vector.shape_cast %swap3A_447 : vector<1x128x128xf32> to vector<128x128xf32>
    %swap3A_449 = vector.shape_cast %slice3A_443 : vector<128x128xf32> to vector<1x128x128xf32>
    tpu.vector_store %arg3[%swap3A_444, %swap3A_445, %swap3A_446], %swap3A_449 {strides = array<i32>} : memref<128x128x128xf32, #tpu.memory_space<vmem>>, vector<1x128x128xf32>,
    %reduce_min3A_450 = arith.constant dense<0x7F800000> : vector<128xf32>
    %reduce_min3A_451 = vector.multi_reduction <minimumf>, %slice3A_443, %reduce_min3A_450 [1] : vector<128x128xf32> to vector<128xf32>
    %broadcast_in_dim3A_452 = vector.shape_cast %reduce_min3A_451 : vector<128xf32> to vector<128x1xf32>
    %slice3A_453 = vector.extract_strided_slice %sub3A {offsets = [0, 5632], sizes = [128, 128], strides = [1, 1]} : vector<128x16384xf32> to vector<128x128xf32>
    %swap3A_454 = arith.constant 44 : index
    %swap3A_455 = arith.constant 0 : index
    %swap3A_456 = arith.constant 0 : index
    %swap3A_457 = vector.load %arg3[%swap3A_454, %swap3A_455, %swap3A_456] : memref<128x128x128xf32, #tpu.memory_space<vmem>>, vector<1x128x128xf32>
    %swap3A_458 = vector.shape_cast %swap3A_457 : vector<1x128x128xf32> to vector<128x128xf32>
    %swap3A_459 = vector.shape_cast %slice3A_453 : vector<128x128xf32> to vector<1x128x128xf32>
    tpu.vector_store %arg3[%swap3A_454, %swap3A_455, %swap3A_456], %swap3A_459 {strides = array<i32>} : memref<128x128x128xf32, #tpu.memory_space<vmem>>, vector<1x128x128xf32>,
    %reduce_min3A_460 = arith.constant dense<0x7F800000> : vector<128xf32>
    %reduce_min3A_461 = vector.multi_reduction <minimumf>, %slice3A_453, %reduce_min3A_460 [1] : vector<128x128xf32> to vector<128xf32>
    %broadcast_in_dim3A_462 = vector.shape_cast %reduce_min3A_461 : vector<128xf32> to vector<128x1xf32>
    %slice3A_463 = vector.extract_strided_slice %sub3A {offsets = [0, 5760], sizes = [128, 128], strides = [1, 1]} : vector<128x16384xf32> to vector<128x128xf32>
    %swap3A_464 = arith.constant 45 : index
    %swap3A_465 = arith.constant 0 : index
    %swap3A_466 = arith.constant 0 : index
    %swap3A_467 = vector.load %arg3[%swap3A_464, %swap3A_465, %swap3A_466] : memref<128x128x128xf32, #tpu.memory_space<vmem>>, vector<1x128x128xf32>
    %swap3A_468 = vector.shape_cast %swap3A_467 : vector<1x128x128xf32> to vector<128x128xf32>
    %swap3A_469 = vector.shape_cast %slice3A_463 : vector<128x128xf32> to vector<1x128x128xf32>
    tpu.vector_store %arg3[%swap3A_464, %swap3A_465, %swap3A_466], %swap3A_469 {strides = array<i32>} : memref<128x128x128xf32, #tpu.memory_space<vmem>>, vector<1x128x128xf32>,
    %reduce_min3A_470 = arith.constant dense<0x7F800000> : vector<128xf32>
    %reduce_min3A_471 = vector.multi_reduction <minimumf>, %slice3A_463, %reduce_min3A_470 [1] : vector<128x128xf32> to vector<128xf32>
    %broadcast_in_dim3A_472 = vector.shape_cast %reduce_min3A_471 : vector<128xf32> to vector<128x1xf32>
    %slice3A_473 = vector.extract_strided_slice %sub3A {offsets = [0, 5888], sizes = [128, 128], strides = [1, 1]} : vector<128x16384xf32> to vector<128x128xf32>
    %swap3A_474 = arith.constant 46 : index
    %swap3A_475 = arith.constant 0 : index
    %swap3A_476 = arith.constant 0 : index
    %swap3A_477 = vector.load %arg3[%swap3A_474, %swap3A_475, %swap3A_476] : memref<128x128x128xf32, #tpu.memory_space<vmem>>, vector<1x128x128xf32>
    %swap3A_478 = vector.shape_cast %swap3A_477 : vector<1x128x128xf32> to vector<128x128xf32>
    %swap3A_479 = vector.shape_cast %slice3A_473 : vector<128x128xf32> to vector<1x128x128xf32>
    tpu.vector_store %arg3[%swap3A_474, %swap3A_475, %swap3A_476], %swap3A_479 {strides = array<i32>} : memref<128x128x128xf32, #tpu.memory_space<vmem>>, vector<1x128x128xf32>,
    %reduce_min3A_480 = arith.constant dense<0x7F800000> : vector<128xf32>
    %reduce_min3A_481 = vector.multi_reduction <minimumf>, %slice3A_473, %reduce_min3A_480 [1] : vector<128x128xf32> to vector<128xf32>
    %broadcast_in_dim3A_482 = vector.shape_cast %reduce_min3A_481 : vector<128xf32> to vector<128x1xf32>
    %slice3A_483 = vector.extract_strided_slice %sub3A {offsets = [0, 6016], sizes = [128, 128], strides = [1, 1]} : vector<128x16384xf32> to vector<128x128xf32>
    %swap3A_484 = arith.constant 47 : index
    %swap3A_485 = arith.constant 0 : index
    %swap3A_486 = arith.constant 0 : index
    %swap3A_487 = vector.load %arg3[%swap3A_484, %swap3A_485, %swap3A_486] : memref<128x128x128xf32, #tpu.memory_space<vmem>>, vector<1x128x128xf32>
    %swap3A_488 = vector.shape_cast %swap3A_487 : vector<1x128x128xf32> to vector<128x128xf32>
    %swap3A_489 = vector.shape_cast %slice3A_483 : vector<128x128xf32> to vector<1x128x128xf32>
    tpu.vector_store %arg3[%swap3A_484, %swap3A_485, %swap3A_486], %swap3A_489 {strides = array<i32>} : memref<128x128x128xf32, #tpu.memory_space<vmem>>, vector<1x128x128xf32>,
    %reduce_min3A_490 = arith.constant dense<0x7F800000> : vector<128xf32>
    %reduce_min3A_491 = vector.multi_reduction <minimumf>, %slice3A_483, %reduce_min3A_490 [1] : vector<128x128xf32> to vector<128xf32>
    %broadcast_in_dim3A_492 = vector.shape_cast %reduce_min3A_491 : vector<128xf32> to vector<128x1xf32>
    %slice3A_493 = vector.extract_strided_slice %sub3A {offsets = [0, 6144], sizes = [128, 128], strides = [1, 1]} : vector<128x16384xf32> to vector<128x128xf32>
    %swap3A_494 = arith.constant 48 : index
    %swap3A_495 = arith.constant 0 : index
    %swap3A_496 = arith.constant 0 : index
    %swap3A_497 = vector.load %arg3[%swap3A_494, %swap3A_495, %swap3A_496] : memref<128x128x128xf32, #tpu.memory_space<vmem>>, vector<1x128x128xf32>
    %swap3A_498 = vector.shape_cast %swap3A_497 : vector<1x128x128xf32> to vector<128x128xf32>
    %swap3A_499 = vector.shape_cast %slice3A_493 : vector<128x128xf32> to vector<1x128x128xf32>
    tpu.vector_store %arg3[%swap3A_494, %swap3A_495, %swap3A_496], %swap3A_499 {strides = array<i32>} : memref<128x128x128xf32, #tpu.memory_space<vmem>>, vector<1x128x128xf32>,
    %reduce_min3A_500 = arith.constant dense<0x7F800000> : vector<128xf32>
    %reduce_min3A_501 = vector.multi_reduction <minimumf>, %slice3A_493, %reduce_min3A_500 [1] : vector<128x128xf32> to vector<128xf32>
    %broadcast_in_dim3A_502 = vector.shape_cast %reduce_min3A_501 : vector<128xf32> to vector<128x1xf32>
    %slice3A_503 = vector.extract_strided_slice %sub3A {offsets = [0, 6272], sizes = [128, 128], strides = [1, 1]} : vector<128x16384xf32> to vector<128x128xf32>
    %swap3A_504 = arith.constant 49 : index
    %swap3A_505 = arith.constant 0 : index
    %swap3A_506 = arith.constant 0 : index
    %swap3A_507 = vector.load %arg3[%swap3A_504, %swap3A_505, %swap3A_506] : memref<128x128x128xf32, #tpu.memory_space<vmem>>, vector<1x128x128xf32>
    %swap3A_508 = vector.shape_cast %swap3A_507 : vector<1x128x128xf32> to vector<128x128xf32>
    %swap3A_509 = vector.shape_cast %slice3A_503 : vector<128x128xf32> to vector<1x128x128xf32>
    tpu.vector_store %arg3[%swap3A_504, %swap3A_505, %swap3A_506], %swap3A_509 {strides = array<i32>} : memref<128x128x128xf32, #tpu.memory_space<vmem>>, vector<1x128x128xf32>,
    %reduce_min3A_510 = arith.constant dense<0x7F800000> : vector<128xf32>
    %reduce_min3A_511 = vector.multi_reduction <minimumf>, %slice3A_503, %reduce_min3A_510 [1] : vector<128x128xf32> to vector<128xf32>
    %broadcast_in_dim3A_512 = vector.shape_cast %reduce_min3A_511 : vector<128xf32> to vector<128x1xf32>
    %slice3A_513 = vector.extract_strided_slice %sub3A {offsets = [0, 6400], sizes = [128, 128], strides = [1, 1]} : vector<128x16384xf32> to vector<128x128xf32>
    %swap3A_514 = arith.constant 50 : index
    %swap3A_515 = arith.constant 0 : index
    %swap3A_516 = arith.constant 0 : index
    %swap3A_517 = vector.load %arg3[%swap3A_514, %swap3A_515, %swap3A_516] : memref<128x128x128xf32, #tpu.memory_space<vmem>>, vector<1x128x128xf32>
    %swap3A_518 = vector.shape_cast %swap3A_517 : vector<1x128x128xf32> to vector<128x128xf32>
    %swap3A_519 = vector.shape_cast %slice3A_513 : vector<128x128xf32> to vector<1x128x128xf32>
    tpu.vector_store %arg3[%swap3A_514, %swap3A_515, %swap3A_516], %swap3A_519 {strides = array<i32>} : memref<128x128x128xf32, #tpu.memory_space<vmem>>, vector<1x128x128xf32>,
    %reduce_min3A_520 = arith.constant dense<0x7F800000> : vector<128xf32>
    %reduce_min3A_521 = vector.multi_reduction <minimumf>, %slice3A_513, %reduce_min3A_520 [1] : vector<128x128xf32> to vector<128xf32>
    %broadcast_in_dim3A_522 = vector.shape_cast %reduce_min3A_521 : vector<128xf32> to vector<128x1xf32>
    %slice3A_523 = vector.extract_strided_slice %sub3A {offsets = [0, 6528], sizes = [128, 128], strides = [1, 1]} : vector<128x16384xf32> to vector<128x128xf32>
    %swap3A_524 = arith.constant 51 : index
    %swap3A_525 = arith.constant 0 : index
    %swap3A_526 = arith.constant 0 : index
    %swap3A_527 = vector.load %arg3[%swap3A_524, %swap3A_525, %swap3A_526] : memref<128x128x128xf32, #tpu.memory_space<vmem>>, vector<1x128x128xf32>
    %swap3A_528 = vector.shape_cast %swap3A_527 : vector<1x128x128xf32> to vector<128x128xf32>
    %swap3A_529 = vector.shape_cast %slice3A_523 : vector<128x128xf32> to vector<1x128x128xf32>
    tpu.vector_store %arg3[%swap3A_524, %swap3A_525, %swap3A_526], %swap3A_529 {strides = array<i32>} : memref<128x128x128xf32, #tpu.memory_space<vmem>>, vector<1x128x128xf32>,
    %reduce_min3A_530 = arith.constant dense<0x7F800000> : vector<128xf32>
    %reduce_min3A_531 = vector.multi_reduction <minimumf>, %slice3A_523, %reduce_min3A_530 [1] : vector<128x128xf32> to vector<128xf32>
    %broadcast_in_dim3A_532 = vector.shape_cast %reduce_min3A_531 : vector<128xf32> to vector<128x1xf32>
    %slice3A_533 = vector.extract_strided_slice %sub3A {offsets = [0, 6656], sizes = [128, 128], strides = [1, 1]} : vector<128x16384xf32> to vector<128x128xf32>
    %swap3A_534 = arith.constant 52 : index
    %swap3A_535 = arith.constant 0 : index
    %swap3A_536 = arith.constant 0 : index
    %swap3A_537 = vector.load %arg3[%swap3A_534, %swap3A_535, %swap3A_536] : memref<128x128x128xf32, #tpu.memory_space<vmem>>, vector<1x128x128xf32>
    %swap3A_538 = vector.shape_cast %swap3A_537 : vector<1x128x128xf32> to vector<128x128xf32>
    %swap3A_539 = vector.shape_cast %slice3A_533 : vector<128x128xf32> to vector<1x128x128xf32>
    tpu.vector_store %arg3[%swap3A_534, %swap3A_535, %swap3A_536], %swap3A_539 {strides = array<i32>} : memref<128x128x128xf32, #tpu.memory_space<vmem>>, vector<1x128x128xf32>,
    %reduce_min3A_540 = arith.constant dense<0x7F800000> : vector<128xf32>
    %reduce_min3A_541 = vector.multi_reduction <minimumf>, %slice3A_533, %reduce_min3A_540 [1] : vector<128x128xf32> to vector<128xf32>
    %broadcast_in_dim3A_542 = vector.shape_cast %reduce_min3A_541 : vector<128xf32> to vector<128x1xf32>
    %slice3A_543 = vector.extract_strided_slice %sub3A {offsets = [0, 6784], sizes = [128, 128], strides = [1, 1]} : vector<128x16384xf32> to vector<128x128xf32>
    %swap3A_544 = arith.constant 53 : index
    %swap3A_545 = arith.constant 0 : index
    %swap3A_546 = arith.constant 0 : index
    %swap3A_547 = vector.load %arg3[%swap3A_544, %swap3A_545, %swap3A_546] : memref<128x128x128xf32, #tpu.memory_space<vmem>>, vector<1x128x128xf32>
    %swap3A_548 = vector.shape_cast %swap3A_547 : vector<1x128x128xf32> to vector<128x128xf32>
    %swap3A_549 = vector.shape_cast %slice3A_543 : vector<128x128xf32> to vector<1x128x128xf32>
    tpu.vector_store %arg3[%swap3A_544, %swap3A_545, %swap3A_546], %swap3A_549 {strides = array<i32>} : memref<128x128x128xf32, #tpu.memory_space<vmem>>, vector<1x128x128xf32>,
    %reduce_min3A_550 = arith.constant dense<0x7F800000> : vector<128xf32>
    %reduce_min3A_551 = vector.multi_reduction <minimumf>, %slice3A_543, %reduce_min3A_550 [1] : vector<128x128xf32> to vector<128xf32>
    %broadcast_in_dim3A_552 = vector.shape_cast %reduce_min3A_551 : vector<128xf32> to vector<128x1xf32>
    %slice3A_553 = vector.extract_strided_slice %sub3A {offsets = [0, 6912], sizes = [128, 128], strides = [1, 1]} : vector<128x16384xf32> to vector<128x128xf32>
    %swap3A_554 = arith.constant 54 : index
    %swap3A_555 = arith.constant 0 : index
    %swap3A_556 = arith.constant 0 : index
    %swap3A_557 = vector.load %arg3[%swap3A_554, %swap3A_555, %swap3A_556] : memref<128x128x128xf32, #tpu.memory_space<vmem>>, vector<1x128x128xf32>
    %swap3A_558 = vector.shape_cast %swap3A_557 : vector<1x128x128xf32> to vector<128x128xf32>
    %swap3A_559 = vector.shape_cast %slice3A_553 : vector<128x128xf32> to vector<1x128x128xf32>
    tpu.vector_store %arg3[%swap3A_554, %swap3A_555, %swap3A_556], %swap3A_559 {strides = array<i32>} : memref<128x128x128xf32, #tpu.memory_space<vmem>>, vector<1x128x128xf32>,
    %reduce_min3A_560 = arith.constant dense<0x7F800000> : vector<128xf32>
    %reduce_min3A_561 = vector.multi_reduction <minimumf>, %slice3A_553, %reduce_min3A_560 [1] : vector<128x128xf32> to vector<128xf32>
    %broadcast_in_dim3A_562 = vector.shape_cast %reduce_min3A_561 : vector<128xf32> to vector<128x1xf32>
    %slice3A_563 = vector.extract_strided_slice %sub3A {offsets = [0, 7040], sizes = [128, 128], strides = [1, 1]} : vector<128x16384xf32> to vector<128x128xf32>
    %swap3A_564 = arith.constant 55 : index
    %swap3A_565 = arith.constant 0 : index
    %swap3A_566 = arith.constant 0 : index
    %swap3A_567 = vector.load %arg3[%swap3A_564, %swap3A_565, %swap3A_566] : memref<128x128x128xf32, #tpu.memory_space<vmem>>, vector<1x128x128xf32>
    %swap3A_568 = vector.shape_cast %swap3A_567 : vector<1x128x128xf32> to vector<128x128xf32>
    %swap3A_569 = vector.shape_cast %slice3A_563 : vector<128x128xf32> to vector<1x128x128xf32>
    tpu.vector_store %arg3[%swap3A_564, %swap3A_565, %swap3A_566], %swap3A_569 {strides = array<i32>} : memref<128x128x128xf32, #tpu.memory_space<vmem>>, vector<1x128x128xf32>,
    %reduce_min3A_570 = arith.constant dense<0x7F800000> : vector<128xf32>
    %reduce_min3A_571 = vector.multi_reduction <minimumf>, %slice3A_563, %reduce_min3A_570 [1] : vector<128x128xf32> to vector<128xf32>
    %broadcast_in_dim3A_572 = vector.shape_cast %reduce_min3A_571 : vector<128xf32> to vector<128x1xf32>
    %slice3A_573 = vector.extract_strided_slice %sub3A {offsets = [0, 7168], sizes = [128, 128], strides = [1, 1]} : vector<128x16384xf32> to vector<128x128xf32>
    %swap3A_574 = arith.constant 56 : index
    %swap3A_575 = arith.constant 0 : index
    %swap3A_576 = arith.constant 0 : index
    %swap3A_577 = vector.load %arg3[%swap3A_574, %swap3A_575, %swap3A_576] : memref<128x128x128xf32, #tpu.memory_space<vmem>>, vector<1x128x128xf32>
    %swap3A_578 = vector.shape_cast %swap3A_577 : vector<1x128x128xf32> to vector<128x128xf32>
    %swap3A_579 = vector.shape_cast %slice3A_573 : vector<128x128xf32> to vector<1x128x128xf32>
    tpu.vector_store %arg3[%swap3A_574, %swap3A_575, %swap3A_576], %swap3A_579 {strides = array<i32>} : memref<128x128x128xf32, #tpu.memory_space<vmem>>, vector<1x128x128xf32>,
    %reduce_min3A_580 = arith.constant dense<0x7F800000> : vector<128xf32>
    %reduce_min3A_581 = vector.multi_reduction <minimumf>, %slice3A_573, %reduce_min3A_580 [1] : vector<128x128xf32> to vector<128xf32>
    %broadcast_in_dim3A_582 = vector.shape_cast %reduce_min3A_581 : vector<128xf32> to vector<128x1xf32>
    %slice3A_583 = vector.extract_strided_slice %sub3A {offsets = [0, 7296], sizes = [128, 128], strides = [1, 1]} : vector<128x16384xf32> to vector<128x128xf32>
    %swap3A_584 = arith.constant 57 : index
    %swap3A_585 = arith.constant 0 : index
    %swap3A_586 = arith.constant 0 : index
    %swap3A_587 = vector.load %arg3[%swap3A_584, %swap3A_585, %swap3A_586] : memref<128x128x128xf32, #tpu.memory_space<vmem>>, vector<1x128x128xf32>
    %swap3A_588 = vector.shape_cast %swap3A_587 : vector<1x128x128xf32> to vector<128x128xf32>
    %swap3A_589 = vector.shape_cast %slice3A_583 : vector<128x128xf32> to vector<1x128x128xf32>
    tpu.vector_store %arg3[%swap3A_584, %swap3A_585, %swap3A_586], %swap3A_589 {strides = array<i32>} : memref<128x128x128xf32, #tpu.memory_space<vmem>>, vector<1x128x128xf32>,
    %reduce_min3A_590 = arith.constant dense<0x7F800000> : vector<128xf32>
    %reduce_min3A_591 = vector.multi_reduction <minimumf>, %slice3A_583, %reduce_min3A_590 [1] : vector<128x128xf32> to vector<128xf32>
    %broadcast_in_dim3A_592 = vector.shape_cast %reduce_min3A_591 : vector<128xf32> to vector<128x1xf32>
    %slice3A_593 = vector.extract_strided_slice %sub3A {offsets = [0, 7424], sizes = [128, 128], strides = [1, 1]} : vector<128x16384xf32> to vector<128x128xf32>
    %swap3A_594 = arith.constant 58 : index
    %swap3A_595 = arith.constant 0 : index
    %swap3A_596 = arith.constant 0 : index
    %swap3A_597 = vector.load %arg3[%swap3A_594, %swap3A_595, %swap3A_596] : memref<128x128x128xf32, #tpu.memory_space<vmem>>, vector<1x128x128xf32>
    %swap3A_598 = vector.shape_cast %swap3A_597 : vector<1x128x128xf32> to vector<128x128xf32>
    %swap3A_599 = vector.shape_cast %slice3A_593 : vector<128x128xf32> to vector<1x128x128xf32>
    tpu.vector_store %arg3[%swap3A_594, %swap3A_595, %swap3A_596], %swap3A_599 {strides = array<i32>} : memref<128x128x128xf32, #tpu.memory_space<vmem>>, vector<1x128x128xf32>,
    %reduce_min3A_600 = arith.constant dense<0x7F800000> : vector<128xf32>
    %reduce_min3A_601 = vector.multi_reduction <minimumf>, %slice3A_593, %reduce_min3A_600 [1] : vector<128x128xf32> to vector<128xf32>
    %broadcast_in_dim3A_602 = vector.shape_cast %reduce_min3A_601 : vector<128xf32> to vector<128x1xf32>
    %slice3A_603 = vector.extract_strided_slice %sub3A {offsets = [0, 7552], sizes = [128, 128], strides = [1, 1]} : vector<128x16384xf32> to vector<128x128xf32>
    %swap3A_604 = arith.constant 59 : index
    %swap3A_605 = arith.constant 0 : index
    %swap3A_606 = arith.constant 0 : index
    %swap3A_607 = vector.load %arg3[%swap3A_604, %swap3A_605, %swap3A_606] : memref<128x128x128xf32, #tpu.memory_space<vmem>>, vector<1x128x128xf32>
    %swap3A_608 = vector.shape_cast %swap3A_607 : vector<1x128x128xf32> to vector<128x128xf32>
    %swap3A_609 = vector.shape_cast %slice3A_603 : vector<128x128xf32> to vector<1x128x128xf32>
    tpu.vector_store %arg3[%swap3A_604, %swap3A_605, %swap3A_606], %swap3A_609 {strides = array<i32>} : memref<128x128x128xf32, #tpu.memory_space<vmem>>, vector<1x128x128xf32>,
    %reduce_min3A_610 = arith.constant dense<0x7F800000> : vector<128xf32>
    %reduce_min3A_611 = vector.multi_reduction <minimumf>, %slice3A_603, %reduce_min3A_610 [1] : vector<128x128xf32> to vector<128xf32>
    %broadcast_in_dim3A_612 = vector.shape_cast %reduce_min3A_611 : vector<128xf32> to vector<128x1xf32>
    %slice3A_613 = vector.extract_strided_slice %sub3A {offsets = [0, 7680], sizes = [128, 128], strides = [1, 1]} : vector<128x16384xf32> to vector<128x128xf32>
    %swap3A_614 = arith.constant 60 : index
    %swap3A_615 = arith.constant 0 : index
    %swap3A_616 = arith.constant 0 : index
    %swap3A_617 = vector.load %arg3[%swap3A_614, %swap3A_615, %swap3A_616] : memref<128x128x128xf32, #tpu.memory_space<vmem>>, vector<1x128x128xf32>
    %swap3A_618 = vector.shape_cast %swap3A_617 : vector<1x128x128xf32> to vector<128x128xf32>
    %swap3A_619 = vector.shape_cast %slice3A_613 : vector<128x128xf32> to vector<1x128x128xf32>
    tpu.vector_store %arg3[%swap3A_614, %swap3A_615, %swap3A_616], %swap3A_619 {strides = array<i32>} : memref<128x128x128xf32, #tpu.memory_space<vmem>>, vector<1x128x128xf32>,
    %reduce_min3A_620 = arith.constant dense<0x7F800000> : vector<128xf32>
    %reduce_min3A_621 = vector.multi_reduction <minimumf>, %slice3A_613, %reduce_min3A_620 [1] : vector<128x128xf32> to vector<128xf32>
    %broadcast_in_dim3A_622 = vector.shape_cast %reduce_min3A_621 : vector<128xf32> to vector<128x1xf32>
    %slice3A_623 = vector.extract_strided_slice %sub3A {offsets = [0, 7808], sizes = [128, 128], strides = [1, 1]} : vector<128x16384xf32> to vector<128x128xf32>
    %swap3A_624 = arith.constant 61 : index
    %swap3A_625 = arith.constant 0 : index
    %swap3A_626 = arith.constant 0 : index
    %swap3A_627 = vector.load %arg3[%swap3A_624, %swap3A_625, %swap3A_626] : memref<128x128x128xf32, #tpu.memory_space<vmem>>, vector<1x128x128xf32>
    %swap3A_628 = vector.shape_cast %swap3A_627 : vector<1x128x128xf32> to vector<128x128xf32>
    %swap3A_629 = vector.shape_cast %slice3A_623 : vector<128x128xf32> to vector<1x128x128xf32>
    tpu.vector_store %arg3[%swap3A_624, %swap3A_625, %swap3A_626], %swap3A_629 {strides = array<i32>} : memref<128x128x128xf32, #tpu.memory_space<vmem>>, vector<1x128x128xf32>,
    %reduce_min3A_630 = arith.constant dense<0x7F800000> : vector<128xf32>
    %reduce_min3A_631 = vector.multi_reduction <minimumf>, %slice3A_623, %reduce_min3A_630 [1] : vector<128x128xf32> to vector<128xf32>
    %broadcast_in_dim3A_632 = vector.shape_cast %reduce_min3A_631 : vector<128xf32> to vector<128x1xf32>
    %slice3A_633 = vector.extract_strided_slice %sub3A {offsets = [0, 7936], sizes = [128, 128], strides = [1, 1]} : vector<128x16384xf32> to vector<128x128xf32>
    %swap3A_634 = arith.constant 62 : index
    %swap3A_635 = arith.constant 0 : index
    %swap3A_636 = arith.constant 0 : index
    %swap3A_637 = vector.load %arg3[%swap3A_634, %swap3A_635, %swap3A_636] : memref<128x128x128xf32, #tpu.memory_space<vmem>>, vector<1x128x128xf32>
    %swap3A_638 = vector.shape_cast %swap3A_637 : vector<1x128x128xf32> to vector<128x128xf32>
    %swap3A_639 = vector.shape_cast %slice3A_633 : vector<128x128xf32> to vector<1x128x128xf32>
    tpu.vector_store %arg3[%swap3A_634, %swap3A_635, %swap3A_636], %swap3A_639 {strides = array<i32>} : memref<128x128x128xf32, #tpu.memory_space<vmem>>, vector<1x128x128xf32>,
    %reduce_min3A_640 = arith.constant dense<0x7F800000> : vector<128xf32>
    %reduce_min3A_641 = vector.multi_reduction <minimumf>, %slice3A_633, %reduce_min3A_640 [1] : vector<128x128xf32> to vector<128xf32>
    %broadcast_in_dim3A_642 = vector.shape_cast %reduce_min3A_641 : vector<128xf32> to vector<128x1xf32>
    %slice3A_643 = vector.extract_strided_slice %sub3A {offsets = [0, 8064], sizes = [128, 128], strides = [1, 1]} : vector<128x16384xf32> to vector<128x128xf32>
    %swap3A_644 = arith.constant 63 : index
    %swap3A_645 = arith.constant 0 : index
    %swap3A_646 = arith.constant 0 : index
    %swap3A_647 = vector.load %arg3[%swap3A_644, %swap3A_645, %swap3A_646] : memref<128x128x128xf32, #tpu.memory_space<vmem>>, vector<1x128x128xf32>
    %swap3A_648 = vector.shape_cast %swap3A_647 : vector<1x128x128xf32> to vector<128x128xf32>
    %swap3A_649 = vector.shape_cast %slice3A_643 : vector<128x128xf32> to vector<1x128x128xf32>
    tpu.vector_store %arg3[%swap3A_644, %swap3A_645, %swap3A_646], %swap3A_649 {strides = array<i32>} : memref<128x128x128xf32, #tpu.memory_space<vmem>>, vector<1x128x128xf32>,
    %reduce_min3A_650 = arith.constant dense<0x7F800000> : vector<128xf32>
    %reduce_min3A_651 = vector.multi_reduction <minimumf>, %slice3A_643, %reduce_min3A_650 [1] : vector<128x128xf32> to vector<128xf32>
    %broadcast_in_dim3A_652 = vector.shape_cast %reduce_min3A_651 : vector<128xf32> to vector<128x1xf32>
    %slice3A_653 = vector.extract_strided_slice %sub3A {offsets = [0, 8192], sizes = [128, 128], strides = [1, 1]} : vector<128x16384xf32> to vector<128x128xf32>
    %swap3A_654 = arith.constant 64 : index
    %swap3A_655 = arith.constant 0 : index
    %swap3A_656 = arith.constant 0 : index
    %swap3A_657 = vector.load %arg3[%swap3A_654, %swap3A_655, %swap3A_656] : memref<128x128x128xf32, #tpu.memory_space<vmem>>, vector<1x128x128xf32>
    %swap3A_658 = vector.shape_cast %swap3A_657 : vector<1x128x128xf32> to vector<128x128xf32>
    %swap3A_659 = vector.shape_cast %slice3A_653 : vector<128x128xf32> to vector<1x128x128xf32>
    tpu.vector_store %arg3[%swap3A_654, %swap3A_655, %swap3A_656], %swap3A_659 {strides = array<i32>} : memref<128x128x128xf32, #tpu.memory_space<vmem>>, vector<1x128x128xf32>,
    %reduce_min3A_660 = arith.constant dense<0x7F800000> : vector<128xf32>
    %reduce_min3A_661 = vector.multi_reduction <minimumf>, %slice3A_653, %reduce_min3A_660 [1] : vector<128x128xf32> to vector<128xf32>
    %broadcast_in_dim3A_662 = vector.shape_cast %reduce_min3A_661 : vector<128xf32> to vector<128x1xf32>
    %slice3A_663 = vector.extract_strided_slice %sub3A {offsets = [0, 8320], sizes = [128, 128], strides = [1, 1]} : vector<128x16384xf32> to vector<128x128xf32>
    %swap3A_664 = arith.constant 65 : index
    %swap3A_665 = arith.constant 0 : index
    %swap3A_666 = arith.constant 0 : index
    %swap3A_667 = vector.load %arg3[%swap3A_664, %swap3A_665, %swap3A_666] : memref<128x128x128xf32, #tpu.memory_space<vmem>>, vector<1x128x128xf32>
    %swap3A_668 = vector.shape_cast %swap3A_667 : vector<1x128x128xf32> to vector<128x128xf32>
    %swap3A_669 = vector.shape_cast %slice3A_663 : vector<128x128xf32> to vector<1x128x128xf32>
    tpu.vector_store %arg3[%swap3A_664, %swap3A_665, %swap3A_666], %swap3A_669 {strides = array<i32>} : memref<128x128x128xf32, #tpu.memory_space<vmem>>, vector<1x128x128xf32>,
    %reduce_min3A_670 = arith.constant dense<0x7F800000> : vector<128xf32>
    %reduce_min3A_671 = vector.multi_reduction <minimumf>, %slice3A_663, %reduce_min3A_670 [1] : vector<128x128xf32> to vector<128xf32>
    %broadcast_in_dim3A_672 = vector.shape_cast %reduce_min3A_671 : vector<128xf32> to vector<128x1xf32>
    %slice3A_673 = vector.extract_strided_slice %sub3A {offsets = [0, 8448], sizes = [128, 128], strides = [1, 1]} : vector<128x16384xf32> to vector<128x128xf32>
    %swap3A_674 = arith.constant 66 : index
    %swap3A_675 = arith.constant 0 : index
    %swap3A_676 = arith.constant 0 : index
    %swap3A_677 = vector.load %arg3[%swap3A_674, %swap3A_675, %swap3A_676] : memref<128x128x128xf32, #tpu.memory_space<vmem>>, vector<1x128x128xf32>
    %swap3A_678 = vector.shape_cast %swap3A_677 : vector<1x128x128xf32> to vector<128x128xf32>
    %swap3A_679 = vector.shape_cast %slice3A_673 : vector<128x128xf32> to vector<1x128x128xf32>
    tpu.vector_store %arg3[%swap3A_674, %swap3A_675, %swap3A_676], %swap3A_679 {strides = array<i32>} : memref<128x128x128xf32, #tpu.memory_space<vmem>>, vector<1x128x128xf32>,
    %reduce_min3A_680 = arith.constant dense<0x7F800000> : vector<128xf32>
    %reduce_min3A_681 = vector.multi_reduction <minimumf>, %slice3A_673, %reduce_min3A_680 [1] : vector<128x128xf32> to vector<128xf32>
    %broadcast_in_dim3A_682 = vector.shape_cast %reduce_min3A_681 : vector<128xf32> to vector<128x1xf32>
    %slice3A_683 = vector.extract_strided_slice %sub3A {offsets = [0, 8576], sizes = [128, 128], strides = [1, 1]} : vector<128x16384xf32> to vector<128x128xf32>
    %swap3A_684 = arith.constant 67 : index
    %swap3A_685 = arith.constant 0 : index
    %swap3A_686 = arith.constant 0 : index
    %swap3A_687 = vector.load %arg3[%swap3A_684, %swap3A_685, %swap3A_686] : memref<128x128x128xf32, #tpu.memory_space<vmem>>, vector<1x128x128xf32>
    %swap3A_688 = vector.shape_cast %swap3A_687 : vector<1x128x128xf32> to vector<128x128xf32>
    %swap3A_689 = vector.shape_cast %slice3A_683 : vector<128x128xf32> to vector<1x128x128xf32>
    tpu.vector_store %arg3[%swap3A_684, %swap3A_685, %swap3A_686], %swap3A_689 {strides = array<i32>} : memref<128x128x128xf32, #tpu.memory_space<vmem>>, vector<1x128x128xf32>,
    %reduce_min3A_690 = arith.constant dense<0x7F800000> : vector<128xf32>
    %reduce_min3A_691 = vector.multi_reduction <minimumf>, %slice3A_683, %reduce_min3A_690 [1] : vector<128x128xf32> to vector<128xf32>
    %broadcast_in_dim3A_692 = vector.shape_cast %reduce_min3A_691 : vector<128xf32> to vector<128x1xf32>
    %slice3A_693 = vector.extract_strided_slice %sub3A {offsets = [0, 8704], sizes = [128, 128], strides = [1, 1]} : vector<128x16384xf32> to vector<128x128xf32>
    %swap3A_694 = arith.constant 68 : index
    %swap3A_695 = arith.constant 0 : index
    %swap3A_696 = arith.constant 0 : index
    %swap3A_697 = vector.load %arg3[%swap3A_694, %swap3A_695, %swap3A_696] : memref<128x128x128xf32, #tpu.memory_space<vmem>>, vector<1x128x128xf32>
    %swap3A_698 = vector.shape_cast %swap3A_697 : vector<1x128x128xf32> to vector<128x128xf32>
    %swap3A_699 = vector.shape_cast %slice3A_693 : vector<128x128xf32> to vector<1x128x128xf32>
    tpu.vector_store %arg3[%swap3A_694, %swap3A_695, %swap3A_696], %swap3A_699 {strides = array<i32>} : memref<128x128x128xf32, #tpu.memory_space<vmem>>, vector<1x128x128xf32>,
    %reduce_min3A_700 = arith.constant dense<0x7F800000> : vector<128xf32>
    %reduce_min3A_701 = vector.multi_reduction <minimumf>, %slice3A_693, %reduce_min3A_700 [1] : vector<128x128xf32> to vector<128xf32>
    %broadcast_in_dim3A_702 = vector.shape_cast %reduce_min3A_701 : vector<128xf32> to vector<128x1xf32>
    %slice3A_703 = vector.extract_strided_slice %sub3A {offsets = [0, 8832], sizes = [128, 128], strides = [1, 1]} : vector<128x16384xf32> to vector<128x128xf32>
    %swap3A_704 = arith.constant 69 : index
    %swap3A_705 = arith.constant 0 : index
    %swap3A_706 = arith.constant 0 : index
    %swap3A_707 = vector.load %arg3[%swap3A_704, %swap3A_705, %swap3A_706] : memref<128x128x128xf32, #tpu.memory_space<vmem>>, vector<1x128x128xf32>
    %swap3A_708 = vector.shape_cast %swap3A_707 : vector<1x128x128xf32> to vector<128x128xf32>
    %swap3A_709 = vector.shape_cast %slice3A_703 : vector<128x128xf32> to vector<1x128x128xf32>
    tpu.vector_store %arg3[%swap3A_704, %swap3A_705, %swap3A_706], %swap3A_709 {strides = array<i32>} : memref<128x128x128xf32, #tpu.memory_space<vmem>>, vector<1x128x128xf32>,
    %reduce_min3A_710 = arith.constant dense<0x7F800000> : vector<128xf32>
    %reduce_min3A_711 = vector.multi_reduction <minimumf>, %slice3A_703, %reduce_min3A_710 [1] : vector<128x128xf32> to vector<128xf32>
    %broadcast_in_dim3A_712 = vector.shape_cast %reduce_min3A_711 : vector<128xf32> to vector<128x1xf32>
    %slice3A_713 = vector.extract_strided_slice %sub3A {offsets = [0, 8960], sizes = [128, 128], strides = [1, 1]} : vector<128x16384xf32> to vector<128x128xf32>
    %swap3A_714 = arith.constant 70 : index
    %swap3A_715 = arith.constant 0 : index
    %swap3A_716 = arith.constant 0 : index
    %swap3A_717 = vector.load %arg3[%swap3A_714, %swap3A_715, %swap3A_716] : memref<128x128x128xf32, #tpu.memory_space<vmem>>, vector<1x128x128xf32>
    %swap3A_718 = vector.shape_cast %swap3A_717 : vector<1x128x128xf32> to vector<128x128xf32>
    %swap3A_719 = vector.shape_cast %slice3A_713 : vector<128x128xf32> to vector<1x128x128xf32>
    tpu.vector_store %arg3[%swap3A_714, %swap3A_715, %swap3A_716], %swap3A_719 {strides = array<i32>} : memref<128x128x128xf32, #tpu.memory_space<vmem>>, vector<1x128x128xf32>,
    %reduce_min3A_720 = arith.constant dense<0x7F800000> : vector<128xf32>
    %reduce_min3A_721 = vector.multi_reduction <minimumf>, %slice3A_713, %reduce_min3A_720 [1] : vector<128x128xf32> to vector<128xf32>
    %broadcast_in_dim3A_722 = vector.shape_cast %reduce_min3A_721 : vector<128xf32> to vector<128x1xf32>
    %slice3A_723 = vector.extract_strided_slice %sub3A {offsets = [0, 9088], sizes = [128, 128], strides = [1, 1]} : vector<128x16384xf32> to vector<128x128xf32>
    %swap3A_724 = arith.constant 71 : index
    %swap3A_725 = arith.constant 0 : index
    %swap3A_726 = arith.constant 0 : index
    %swap3A_727 = vector.load %arg3[%swap3A_724, %swap3A_725, %swap3A_726] : memref<128x128x128xf32, #tpu.memory_space<vmem>>, vector<1x128x128xf32>
    %swap3A_728 = vector.shape_cast %swap3A_727 : vector<1x128x128xf32> to vector<128x128xf32>
    %swap3A_729 = vector.shape_cast %slice3A_723 : vector<128x128xf32> to vector<1x128x128xf32>
    tpu.vector_store %arg3[%swap3A_724, %swap3A_725, %swap3A_726], %swap3A_729 {strides = array<i32>} : memref<128x128x128xf32, #tpu.memory_space<vmem>>, vector<1x128x128xf32>,
    %reduce_min3A_730 = arith.constant dense<0x7F800000> : vector<128xf32>
    %reduce_min3A_731 = vector.multi_reduction <minimumf>, %slice3A_723, %reduce_min3A_730 [1] : vector<128x128xf32> to vector<128xf32>
    %broadcast_in_dim3A_732 = vector.shape_cast %reduce_min3A_731 : vector<128xf32> to vector<128x1xf32>
    %slice3A_733 = vector.extract_strided_slice %sub3A {offsets = [0, 9216], sizes = [128, 128], strides = [1, 1]} : vector<128x16384xf32> to vector<128x128xf32>
    %swap3A_734 = arith.constant 72 : index
    %swap3A_735 = arith.constant 0 : index
    %swap3A_736 = arith.constant 0 : index
    %swap3A_737 = vector.load %arg3[%swap3A_734, %swap3A_735, %swap3A_736] : memref<128x128x128xf32, #tpu.memory_space<vmem>>, vector<1x128x128xf32>
    %swap3A_738 = vector.shape_cast %swap3A_737 : vector<1x128x128xf32> to vector<128x128xf32>
    %swap3A_739 = vector.shape_cast %slice3A_733 : vector<128x128xf32> to vector<1x128x128xf32>
    tpu.vector_store %arg3[%swap3A_734, %swap3A_735, %swap3A_736], %swap3A_739 {strides = array<i32>} : memref<128x128x128xf32, #tpu.memory_space<vmem>>, vector<1x128x128xf32>,
    %reduce_min3A_740 = arith.constant dense<0x7F800000> : vector<128xf32>
    %reduce_min3A_741 = vector.multi_reduction <minimumf>, %slice3A_733, %reduce_min3A_740 [1] : vector<128x128xf32> to vector<128xf32>
    %broadcast_in_dim3A_742 = vector.shape_cast %reduce_min3A_741 : vector<128xf32> to vector<128x1xf32>
    %slice3A_743 = vector.extract_strided_slice %sub3A {offsets = [0, 9344], sizes = [128, 128], strides = [1, 1]} : vector<128x16384xf32> to vector<128x128xf32>
    %swap3A_744 = arith.constant 73 : index
    %swap3A_745 = arith.constant 0 : index
    %swap3A_746 = arith.constant 0 : index
    %swap3A_747 = vector.load %arg3[%swap3A_744, %swap3A_745, %swap3A_746] : memref<128x128x128xf32, #tpu.memory_space<vmem>>, vector<1x128x128xf32>
    %swap3A_748 = vector.shape_cast %swap3A_747 : vector<1x128x128xf32> to vector<128x128xf32>
    %swap3A_749 = vector.shape_cast %slice3A_743 : vector<128x128xf32> to vector<1x128x128xf32>
    tpu.vector_store %arg3[%swap3A_744, %swap3A_745, %swap3A_746], %swap3A_749 {strides = array<i32>} : memref<128x128x128xf32, #tpu.memory_space<vmem>>, vector<1x128x128xf32>,
    %reduce_min3A_750 = arith.constant dense<0x7F800000> : vector<128xf32>
    %reduce_min3A_751 = vector.multi_reduction <minimumf>, %slice3A_743, %reduce_min3A_750 [1] : vector<128x128xf32> to vector<128xf32>
    %broadcast_in_dim3A_752 = vector.shape_cast %reduce_min3A_751 : vector<128xf32> to vector<128x1xf32>
    %slice3A_753 = vector.extract_strided_slice %sub3A {offsets = [0, 9472], sizes = [128, 128], strides = [1, 1]} : vector<128x16384xf32> to vector<128x128xf32>
    %swap3A_754 = arith.constant 74 : index
    %swap3A_755 = arith.constant 0 : index
    %swap3A_756 = arith.constant 0 : index
    %swap3A_757 = vector.load %arg3[%swap3A_754, %swap3A_755, %swap3A_756] : memref<128x128x128xf32, #tpu.memory_space<vmem>>, vector<1x128x128xf32>
    %swap3A_758 = vector.shape_cast %swap3A_757 : vector<1x128x128xf32> to vector<128x128xf32>
    %swap3A_759 = vector.shape_cast %slice3A_753 : vector<128x128xf32> to vector<1x128x128xf32>
    tpu.vector_store %arg3[%swap3A_754, %swap3A_755, %swap3A_756], %swap3A_759 {strides = array<i32>} : memref<128x128x128xf32, #tpu.memory_space<vmem>>, vector<1x128x128xf32>,
    %reduce_min3A_760 = arith.constant dense<0x7F800000> : vector<128xf32>
    %reduce_min3A_761 = vector.multi_reduction <minimumf>, %slice3A_753, %reduce_min3A_760 [1] : vector<128x128xf32> to vector<128xf32>
    %broadcast_in_dim3A_762 = vector.shape_cast %reduce_min3A_761 : vector<128xf32> to vector<128x1xf32>
    %slice3A_763 = vector.extract_strided_slice %sub3A {offsets = [0, 9600], sizes = [128, 128], strides = [1, 1]} : vector<128x16384xf32> to vector<128x128xf32>
    %swap3A_764 = arith.constant 75 : index
    %swap3A_765 = arith.constant 0 : index
    %swap3A_766 = arith.constant 0 : index
    %swap3A_767 = vector.load %arg3[%swap3A_764, %swap3A_765, %swap3A_766] : memref<128x128x128xf32, #tpu.memory_space<vmem>>, vector<1x128x128xf32>
    %swap3A_768 = vector.shape_cast %swap3A_767 : vector<1x128x128xf32> to vector<128x128xf32>
    %swap3A_769 = vector.shape_cast %slice3A_763 : vector<128x128xf32> to vector<1x128x128xf32>
    tpu.vector_store %arg3[%swap3A_764, %swap3A_765, %swap3A_766], %swap3A_769 {strides = array<i32>} : memref<128x128x128xf32, #tpu.memory_space<vmem>>, vector<1x128x128xf32>,
    %reduce_min3A_770 = arith.constant dense<0x7F800000> : vector<128xf32>
    %reduce_min3A_771 = vector.multi_reduction <minimumf>, %slice3A_763, %reduce_min3A_770 [1] : vector<128x128xf32> to vector<128xf32>
    %broadcast_in_dim3A_772 = vector.shape_cast %reduce_min3A_771 : vector<128xf32> to vector<128x1xf32>
    %slice3A_773 = vector.extract_strided_slice %sub3A {offsets = [0, 9728], sizes = [128, 128], strides = [1, 1]} : vector<128x16384xf32> to vector<128x128xf32>
    %swap3A_774 = arith.constant 76 : index
    %swap3A_775 = arith.constant 0 : index
    %swap3A_776 = arith.constant 0 : index
    %swap3A_777 = vector.load %arg3[%swap3A_774, %swap3A_775, %swap3A_776] : memref<128x128x128xf32, #tpu.memory_space<vmem>>, vector<1x128x128xf32>
    %swap3A_778 = vector.shape_cast %swap3A_777 : vector<1x128x128xf32> to vector<128x128xf32>
    %swap3A_779 = vector.shape_cast %slice3A_773 : vector<128x128xf32> to vector<1x128x128xf32>
    tpu.vector_store %arg3[%swap3A_774, %swap3A_775, %swap3A_776], %swap3A_779 {strides = array<i32>} : memref<128x128x128xf32, #tpu.memory_space<vmem>>, vector<1x128x128xf32>,
    %reduce_min3A_780 = arith.constant dense<0x7F800000> : vector<128xf32>
    %reduce_min3A_781 = vector.multi_reduction <minimumf>, %slice3A_773, %reduce_min3A_780 [1] : vector<128x128xf32> to vector<128xf32>
    %broadcast_in_dim3A_782 = vector.shape_cast %reduce_min3A_781 : vector<128xf32> to vector<128x1xf32>
    %slice3A_783 = vector.extract_strided_slice %sub3A {offsets = [0, 9856], sizes = [128, 128], strides = [1, 1]} : vector<128x16384xf32> to vector<128x128xf32>
    %swap3A_784 = arith.constant 77 : index
    %swap3A_785 = arith.constant 0 : index
    %swap3A_786 = arith.constant 0 : index
    %swap3A_787 = vector.load %arg3[%swap3A_784, %swap3A_785, %swap3A_786] : memref<128x128x128xf32, #tpu.memory_space<vmem>>, vector<1x128x128xf32>
    %swap3A_788 = vector.shape_cast %swap3A_787 : vector<1x128x128xf32> to vector<128x128xf32>
    %swap3A_789 = vector.shape_cast %slice3A_783 : vector<128x128xf32> to vector<1x128x128xf32>
    tpu.vector_store %arg3[%swap3A_784, %swap3A_785, %swap3A_786], %swap3A_789 {strides = array<i32>} : memref<128x128x128xf32, #tpu.memory_space<vmem>>, vector<1x128x128xf32>,
    %reduce_min3A_790 = arith.constant dense<0x7F800000> : vector<128xf32>
    %reduce_min3A_791 = vector.multi_reduction <minimumf>, %slice3A_783, %reduce_min3A_790 [1] : vector<128x128xf32> to vector<128xf32>
    %broadcast_in_dim3A_792 = vector.shape_cast %reduce_min3A_791 : vector<128xf32> to vector<128x1xf32>
    %slice3A_793 = vector.extract_strided_slice %sub3A {offsets = [0, 9984], sizes = [128, 128], strides = [1, 1]} : vector<128x16384xf32> to vector<128x128xf32>
    %swap3A_794 = arith.constant 78 : index
    %swap3A_795 = arith.constant 0 : index
    %swap3A_796 = arith.constant 0 : index
    %swap3A_797 = vector.load %arg3[%swap3A_794, %swap3A_795, %swap3A_796] : memref<128x128x128xf32, #tpu.memory_space<vmem>>, vector<1x128x128xf32>
    %swap3A_798 = vector.shape_cast %swap3A_797 : vector<1x128x128xf32> to vector<128x128xf32>
    %swap3A_799 = vector.shape_cast %slice3A_793 : vector<128x128xf32> to vector<1x128x128xf32>
    tpu.vector_store %arg3[%swap3A_794, %swap3A_795, %swap3A_796], %swap3A_799 {strides = array<i32>} : memref<128x128x128xf32, #tpu.memory_space<vmem>>, vector<1x128x128xf32>,
    %reduce_min3A_800 = arith.constant dense<0x7F800000> : vector<128xf32>
    %reduce_min3A_801 = vector.multi_reduction <minimumf>, %slice3A_793, %reduce_min3A_800 [1] : vector<128x128xf32> to vector<128xf32>
    %broadcast_in_dim3A_802 = vector.shape_cast %reduce_min3A_801 : vector<128xf32> to vector<128x1xf32>
    %slice3A_803 = vector.extract_strided_slice %sub3A {offsets = [0, 10112], sizes = [128, 128], strides = [1, 1]} : vector<128x16384xf32> to vector<128x128xf32>
    %swap3A_804 = arith.constant 79 : index
    %swap3A_805 = arith.constant 0 : index
    %swap3A_806 = arith.constant 0 : index
    %swap3A_807 = vector.load %arg3[%swap3A_804, %swap3A_805, %swap3A_806] : memref<128x128x128xf32, #tpu.memory_space<vmem>>, vector<1x128x128xf32>
    %swap3A_808 = vector.shape_cast %swap3A_807 : vector<1x128x128xf32> to vector<128x128xf32>
    %swap3A_809 = vector.shape_cast %slice3A_803 : vector<128x128xf32> to vector<1x128x128xf32>
    tpu.vector_store %arg3[%swap3A_804, %swap3A_805, %swap3A_806], %swap3A_809 {strides = array<i32>} : memref<128x128x128xf32, #tpu.memory_space<vmem>>, vector<1x128x128xf32>,
    %reduce_min3A_810 = arith.constant dense<0x7F800000> : vector<128xf32>
    %reduce_min3A_811 = vector.multi_reduction <minimumf>, %slice3A_803, %reduce_min3A_810 [1] : vector<128x128xf32> to vector<128xf32>
    %broadcast_in_dim3A_812 = vector.shape_cast %reduce_min3A_811 : vector<128xf32> to vector<128x1xf32>
    %slice3A_813 = vector.extract_strided_slice %sub3A {offsets = [0, 10240], sizes = [128, 128], strides = [1, 1]} : vector<128x16384xf32> to vector<128x128xf32>
    %swap3A_814 = arith.constant 80 : index
    %swap3A_815 = arith.constant 0 : index
    %swap3A_816 = arith.constant 0 : index
    %swap3A_817 = vector.load %arg3[%swap3A_814, %swap3A_815, %swap3A_816] : memref<128x128x128xf32, #tpu.memory_space<vmem>>, vector<1x128x128xf32>
    %swap3A_818 = vector.shape_cast %swap3A_817 : vector<1x128x128xf32> to vector<128x128xf32>
    %swap3A_819 = vector.shape_cast %slice3A_813 : vector<128x128xf32> to vector<1x128x128xf32>
    tpu.vector_store %arg3[%swap3A_814, %swap3A_815, %swap3A_816], %swap3A_819 {strides = array<i32>} : memref<128x128x128xf32, #tpu.memory_space<vmem>>, vector<1x128x128xf32>,
    %reduce_min3A_820 = arith.constant dense<0x7F800000> : vector<128xf32>
    %reduce_min3A_821 = vector.multi_reduction <minimumf>, %slice3A_813, %reduce_min3A_820 [1] : vector<128x128xf32> to vector<128xf32>
    %broadcast_in_dim3A_822 = vector.shape_cast %reduce_min3A_821 : vector<128xf32> to vector<128x1xf32>
    %slice3A_823 = vector.extract_strided_slice %sub3A {offsets = [0, 10368], sizes = [128, 128], strides = [1, 1]} : vector<128x16384xf32> to vector<128x128xf32>
    %swap3A_824 = arith.constant 81 : index
    %swap3A_825 = arith.constant 0 : index
    %swap3A_826 = arith.constant 0 : index
    %swap3A_827 = vector.load %arg3[%swap3A_824, %swap3A_825, %swap3A_826] : memref<128x128x128xf32, #tpu.memory_space<vmem>>, vector<1x128x128xf32>
    %swap3A_828 = vector.shape_cast %swap3A_827 : vector<1x128x128xf32> to vector<128x128xf32>
    %swap3A_829 = vector.shape_cast %slice3A_823 : vector<128x128xf32> to vector<1x128x128xf32>
    tpu.vector_store %arg3[%swap3A_824, %swap3A_825, %swap3A_826], %swap3A_829 {strides = array<i32>} : memref<128x128x128xf32, #tpu.memory_space<vmem>>, vector<1x128x128xf32>,
    %reduce_min3A_830 = arith.constant dense<0x7F800000> : vector<128xf32>
    %reduce_min3A_831 = vector.multi_reduction <minimumf>, %slice3A_823, %reduce_min3A_830 [1] : vector<128x128xf32> to vector<128xf32>
    %broadcast_in_dim3A_832 = vector.shape_cast %reduce_min3A_831 : vector<128xf32> to vector<128x1xf32>
    %slice3A_833 = vector.extract_strided_slice %sub3A {offsets = [0, 10496], sizes = [128, 128], strides = [1, 1]} : vector<128x16384xf32> to vector<128x128xf32>
    %swap3A_834 = arith.constant 82 : index
    %swap3A_835 = arith.constant 0 : index
    %swap3A_836 = arith.constant 0 : index
    %swap3A_837 = vector.load %arg3[%swap3A_834, %swap3A_835, %swap3A_836] : memref<128x128x128xf32, #tpu.memory_space<vmem>>, vector<1x128x128xf32>
    %swap3A_838 = vector.shape_cast %swap3A_837 : vector<1x128x128xf32> to vector<128x128xf32>
    %swap3A_839 = vector.shape_cast %slice3A_833 : vector<128x128xf32> to vector<1x128x128xf32>
    tpu.vector_store %arg3[%swap3A_834, %swap3A_835, %swap3A_836], %swap3A_839 {strides = array<i32>} : memref<128x128x128xf32, #tpu.memory_space<vmem>>, vector<1x128x128xf32>,
    %reduce_min3A_840 = arith.constant dense<0x7F800000> : vector<128xf32>
    %reduce_min3A_841 = vector.multi_reduction <minimumf>, %slice3A_833, %reduce_min3A_840 [1] : vector<128x128xf32> to vector<128xf32>
    %broadcast_in_dim3A_842 = vector.shape_cast %reduce_min3A_841 : vector<128xf32> to vector<128x1xf32>
    %slice3A_843 = vector.extract_strided_slice %sub3A {offsets = [0, 10624], sizes = [128, 128], strides = [1, 1]} : vector<128x16384xf32> to vector<128x128xf32>
    %swap3A_844 = arith.constant 83 : index
    %swap3A_845 = arith.constant 0 : index
    %swap3A_846 = arith.constant 0 : index
    %swap3A_847 = vector.load %arg3[%swap3A_844, %swap3A_845, %swap3A_846] : memref<128x128x128xf32, #tpu.memory_space<vmem>>, vector<1x128x128xf32>
    %swap3A_848 = vector.shape_cast %swap3A_847 : vector<1x128x128xf32> to vector<128x128xf32>
    %swap3A_849 = vector.shape_cast %slice3A_843 : vector<128x128xf32> to vector<1x128x128xf32>
    tpu.vector_store %arg3[%swap3A_844, %swap3A_845, %swap3A_846], %swap3A_849 {strides = array<i32>} : memref<128x128x128xf32, #tpu.memory_space<vmem>>, vector<1x128x128xf32>,
    %reduce_min3A_850 = arith.constant dense<0x7F800000> : vector<128xf32>
    %reduce_min3A_851 = vector.multi_reduction <minimumf>, %slice3A_843, %reduce_min3A_850 [1] : vector<128x128xf32> to vector<128xf32>
    %broadcast_in_dim3A_852 = vector.shape_cast %reduce_min3A_851 : vector<128xf32> to vector<128x1xf32>
    %slice3A_853 = vector.extract_strided_slice %sub3A {offsets = [0, 10752], sizes = [128, 128], strides = [1, 1]} : vector<128x16384xf32> to vector<128x128xf32>
    %swap3A_854 = arith.constant 84 : index
    %swap3A_855 = arith.constant 0 : index
    %swap3A_856 = arith.constant 0 : index
    %swap3A_857 = vector.load %arg3[%swap3A_854, %swap3A_855, %swap3A_856] : memref<128x128x128xf32, #tpu.memory_space<vmem>>, vector<1x128x128xf32>
    %swap3A_858 = vector.shape_cast %swap3A_857 : vector<1x128x128xf32> to vector<128x128xf32>
    %swap3A_859 = vector.shape_cast %slice3A_853 : vector<128x128xf32> to vector<1x128x128xf32>
    tpu.vector_store %arg3[%swap3A_854, %swap3A_855, %swap3A_856], %swap3A_859 {strides = array<i32>} : memref<128x128x128xf32, #tpu.memory_space<vmem>>, vector<1x128x128xf32>,
    %reduce_min3A_860 = arith.constant dense<0x7F800000> : vector<128xf32>
    %reduce_min3A_861 = vector.multi_reduction <minimumf>, %slice3A_853, %reduce_min3A_860 [1] : vector<128x128xf32> to vector<128xf32>
    %broadcast_in_dim3A_862 = vector.shape_cast %reduce_min3A_861 : vector<128xf32> to vector<128x1xf32>
    %slice3A_863 = vector.extract_strided_slice %sub3A {offsets = [0, 10880], sizes = [128, 128], strides = [1, 1]} : vector<128x16384xf32> to vector<128x128xf32>
    %swap3A_864 = arith.constant 85 : index
    %swap3A_865 = arith.constant 0 : index
    %swap3A_866 = arith.constant 0 : index
    %swap3A_867 = vector.load %arg3[%swap3A_864, %swap3A_865, %swap3A_866] : memref<128x128x128xf32, #tpu.memory_space<vmem>>, vector<1x128x128xf32>
    %swap3A_868 = vector.shape_cast %swap3A_867 : vector<1x128x128xf32> to vector<128x128xf32>
    %swap3A_869 = vector.shape_cast %slice3A_863 : vector<128x128xf32> to vector<1x128x128xf32>
    tpu.vector_store %arg3[%swap3A_864, %swap3A_865, %swap3A_866], %swap3A_869 {strides = array<i32>} : memref<128x128x128xf32, #tpu.memory_space<vmem>>, vector<1x128x128xf32>,
    %reduce_min3A_870 = arith.constant dense<0x7F800000> : vector<128xf32>
    %reduce_min3A_871 = vector.multi_reduction <minimumf>, %slice3A_863, %reduce_min3A_870 [1] : vector<128x128xf32> to vector<128xf32>
    %broadcast_in_dim3A_872 = vector.shape_cast %reduce_min3A_871 : vector<128xf32> to vector<128x1xf32>
    %slice3A_873 = vector.extract_strided_slice %sub3A {offsets = [0, 11008], sizes = [128, 128], strides = [1, 1]} : vector<128x16384xf32> to vector<128x128xf32>
    %swap3A_874 = arith.constant 86 : index
    %swap3A_875 = arith.constant 0 : index
    %swap3A_876 = arith.constant 0 : index
    %swap3A_877 = vector.load %arg3[%swap3A_874, %swap3A_875, %swap3A_876] : memref<128x128x128xf32, #tpu.memory_space<vmem>>, vector<1x128x128xf32>
    %swap3A_878 = vector.shape_cast %swap3A_877 : vector<1x128x128xf32> to vector<128x128xf32>
    %swap3A_879 = vector.shape_cast %slice3A_873 : vector<128x128xf32> to vector<1x128x128xf32>
    tpu.vector_store %arg3[%swap3A_874, %swap3A_875, %swap3A_876], %swap3A_879 {strides = array<i32>} : memref<128x128x128xf32, #tpu.memory_space<vmem>>, vector<1x128x128xf32>,
    %reduce_min3A_880 = arith.constant dense<0x7F800000> : vector<128xf32>
    %reduce_min3A_881 = vector.multi_reduction <minimumf>, %slice3A_873, %reduce_min3A_880 [1] : vector<128x128xf32> to vector<128xf32>
    %broadcast_in_dim3A_882 = vector.shape_cast %reduce_min3A_881 : vector<128xf32> to vector<128x1xf32>
    %slice3A_883 = vector.extract_strided_slice %sub3A {offsets = [0, 11136], sizes = [128, 128], strides = [1, 1]} : vector<128x16384xf32> to vector<128x128xf32>
    %swap3A_884 = arith.constant 87 : index
    %swap3A_885 = arith.constant 0 : index
    %swap3A_886 = arith.constant 0 : index
    %swap3A_887 = vector.load %arg3[%swap3A_884, %swap3A_885, %swap3A_886] : memref<128x128x128xf32, #tpu.memory_space<vmem>>, vector<1x128x128xf32>
    %swap3A_888 = vector.shape_cast %swap3A_887 : vector<1x128x128xf32> to vector<128x128xf32>
    %swap3A_889 = vector.shape_cast %slice3A_883 : vector<128x128xf32> to vector<1x128x128xf32>
    tpu.vector_store %arg3[%swap3A_884, %swap3A_885, %swap3A_886], %swap3A_889 {strides = array<i32>} : memref<128x128x128xf32, #tpu.memory_space<vmem>>, vector<1x128x128xf32>,
    %reduce_min3A_890 = arith.constant dense<0x7F800000> : vector<128xf32>
    %reduce_min3A_891 = vector.multi_reduction <minimumf>, %slice3A_883, %reduce_min3A_890 [1] : vector<128x128xf32> to vector<128xf32>
    %broadcast_in_dim3A_892 = vector.shape_cast %reduce_min3A_891 : vector<128xf32> to vector<128x1xf32>
    %slice3A_893 = vector.extract_strided_slice %sub3A {offsets = [0, 11264], sizes = [128, 128], strides = [1, 1]} : vector<128x16384xf32> to vector<128x128xf32>
    %swap3A_894 = arith.constant 88 : index
    %swap3A_895 = arith.constant 0 : index
    %swap3A_896 = arith.constant 0 : index
    %swap3A_897 = vector.load %arg3[%swap3A_894, %swap3A_895, %swap3A_896] : memref<128x128x128xf32, #tpu.memory_space<vmem>>, vector<1x128x128xf32>
    %swap3A_898 = vector.shape_cast %swap3A_897 : vector<1x128x128xf32> to vector<128x128xf32>
    %swap3A_899 = vector.shape_cast %slice3A_893 : vector<128x128xf32> to vector<1x128x128xf32>
    tpu.vector_store %arg3[%swap3A_894, %swap3A_895, %swap3A_896], %swap3A_899 {strides = array<i32>} : memref<128x128x128xf32, #tpu.memory_space<vmem>>, vector<1x128x128xf32>,
    %reduce_min3A_900 = arith.constant dense<0x7F800000> : vector<128xf32>
    %reduce_min3A_901 = vector.multi_reduction <minimumf>, %slice3A_893, %reduce_min3A_900 [1] : vector<128x128xf32> to vector<128xf32>
    %broadcast_in_dim3A_902 = vector.shape_cast %reduce_min3A_901 : vector<128xf32> to vector<128x1xf32>
    %slice3A_903 = vector.extract_strided_slice %sub3A {offsets = [0, 11392], sizes = [128, 128], strides = [1, 1]} : vector<128x16384xf32> to vector<128x128xf32>
    %swap3A_904 = arith.constant 89 : index
    %swap3A_905 = arith.constant 0 : index
    %swap3A_906 = arith.constant 0 : index
    %swap3A_907 = vector.load %arg3[%swap3A_904, %swap3A_905, %swap3A_906] : memref<128x128x128xf32, #tpu.memory_space<vmem>>, vector<1x128x128xf32>
    %swap3A_908 = vector.shape_cast %swap3A_907 : vector<1x128x128xf32> to vector<128x128xf32>
    %swap3A_909 = vector.shape_cast %slice3A_903 : vector<128x128xf32> to vector<1x128x128xf32>
    tpu.vector_store %arg3[%swap3A_904, %swap3A_905, %swap3A_906], %swap3A_909 {strides = array<i32>} : memref<128x128x128xf32, #tpu.memory_space<vmem>>, vector<1x128x128xf32>,
    %reduce_min3A_910 = arith.constant dense<0x7F800000> : vector<128xf32>
    %reduce_min3A_911 = vector.multi_reduction <minimumf>, %slice3A_903, %reduce_min3A_910 [1] : vector<128x128xf32> to vector<128xf32>
    %broadcast_in_dim3A_912 = vector.shape_cast %reduce_min3A_911 : vector<128xf32> to vector<128x1xf32>
    %slice3A_913 = vector.extract_strided_slice %sub3A {offsets = [0, 11520], sizes = [128, 128], strides = [1, 1]} : vector<128x16384xf32> to vector<128x128xf32>
    %swap3A_914 = arith.constant 90 : index
    %swap3A_915 = arith.constant 0 : index
    %swap3A_916 = arith.constant 0 : index
    %swap3A_917 = vector.load %arg3[%swap3A_914, %swap3A_915, %swap3A_916] : memref<128x128x128xf32, #tpu.memory_space<vmem>>, vector<1x128x128xf32>
    %swap3A_918 = vector.shape_cast %swap3A_917 : vector<1x128x128xf32> to vector<128x128xf32>
    %swap3A_919 = vector.shape_cast %slice3A_913 : vector<128x128xf32> to vector<1x128x128xf32>
    tpu.vector_store %arg3[%swap3A_914, %swap3A_915, %swap3A_916], %swap3A_919 {strides = array<i32>} : memref<128x128x128xf32, #tpu.memory_space<vmem>>, vector<1x128x128xf32>,
    %reduce_min3A_920 = arith.constant dense<0x7F800000> : vector<128xf32>
    %reduce_min3A_921 = vector.multi_reduction <minimumf>, %slice3A_913, %reduce_min3A_920 [1] : vector<128x128xf32> to vector<128xf32>
    %broadcast_in_dim3A_922 = vector.shape_cast %reduce_min3A_921 : vector<128xf32> to vector<128x1xf32>
    %slice3A_923 = vector.extract_strided_slice %sub3A {offsets = [0, 11648], sizes = [128, 128], strides = [1, 1]} : vector<128x16384xf32> to vector<128x128xf32>
    %swap3A_924 = arith.constant 91 : index
    %swap3A_925 = arith.constant 0 : index
    %swap3A_926 = arith.constant 0 : index
    %swap3A_927 = vector.load %arg3[%swap3A_924, %swap3A_925, %swap3A_926] : memref<128x128x128xf32, #tpu.memory_space<vmem>>, vector<1x128x128xf32>
    %swap3A_928 = vector.shape_cast %swap3A_927 : vector<1x128x128xf32> to vector<128x128xf32>
    %swap3A_929 = vector.shape_cast %slice3A_923 : vector<128x128xf32> to vector<1x128x128xf32>
    tpu.vector_store %arg3[%swap3A_924, %swap3A_925, %swap3A_926], %swap3A_929 {strides = array<i32>} : memref<128x128x128xf32, #tpu.memory_space<vmem>>, vector<1x128x128xf32>,
    %reduce_min3A_930 = arith.constant dense<0x7F800000> : vector<128xf32>
    %reduce_min3A_931 = vector.multi_reduction <minimumf>, %slice3A_923, %reduce_min3A_930 [1] : vector<128x128xf32> to vector<128xf32>
    %broadcast_in_dim3A_932 = vector.shape_cast %reduce_min3A_931 : vector<128xf32> to vector<128x1xf32>
    %slice3A_933 = vector.extract_strided_slice %sub3A {offsets = [0, 11776], sizes = [128, 128], strides = [1, 1]} : vector<128x16384xf32> to vector<128x128xf32>
    %swap3A_934 = arith.constant 92 : index
    %swap3A_935 = arith.constant 0 : index
    %swap3A_936 = arith.constant 0 : index
    %swap3A_937 = vector.load %arg3[%swap3A_934, %swap3A_935, %swap3A_936] : memref<128x128x128xf32, #tpu.memory_space<vmem>>, vector<1x128x128xf32>
    %swap3A_938 = vector.shape_cast %swap3A_937 : vector<1x128x128xf32> to vector<128x128xf32>
    %swap3A_939 = vector.shape_cast %slice3A_933 : vector<128x128xf32> to vector<1x128x128xf32>
    tpu.vector_store %arg3[%swap3A_934, %swap3A_935, %swap3A_936], %swap3A_939 {strides = array<i32>} : memref<128x128x128xf32, #tpu.memory_space<vmem>>, vector<1x128x128xf32>,
    %reduce_min3A_940 = arith.constant dense<0x7F800000> : vector<128xf32>
    %reduce_min3A_941 = vector.multi_reduction <minimumf>, %slice3A_933, %reduce_min3A_940 [1] : vector<128x128xf32> to vector<128xf32>
    %broadcast_in_dim3A_942 = vector.shape_cast %reduce_min3A_941 : vector<128xf32> to vector<128x1xf32>
    %slice3A_943 = vector.extract_strided_slice %sub3A {offsets = [0, 11904], sizes = [128, 128], strides = [1, 1]} : vector<128x16384xf32> to vector<128x128xf32>
    %swap3A_944 = arith.constant 93 : index
    %swap3A_945 = arith.constant 0 : index
    %swap3A_946 = arith.constant 0 : index
    %swap3A_947 = vector.load %arg3[%swap3A_944, %swap3A_945, %swap3A_946] : memref<128x128x128xf32, #tpu.memory_space<vmem>>, vector<1x128x128xf32>
    %swap3A_948 = vector.shape_cast %swap3A_947 : vector<1x128x128xf32> to vector<128x128xf32>
    %swap3A_949 = vector.shape_cast %slice3A_943 : vector<128x128xf32> to vector<1x128x128xf32>
    tpu.vector_store %arg3[%swap3A_944, %swap3A_945, %swap3A_946], %swap3A_949 {strides = array<i32>} : memref<128x128x128xf32, #tpu.memory_space<vmem>>, vector<1x128x128xf32>,
    %reduce_min3A_950 = arith.constant dense<0x7F800000> : vector<128xf32>
    %reduce_min3A_951 = vector.multi_reduction <minimumf>, %slice3A_943, %reduce_min3A_950 [1] : vector<128x128xf32> to vector<128xf32>
    %broadcast_in_dim3A_952 = vector.shape_cast %reduce_min3A_951 : vector<128xf32> to vector<128x1xf32>
    %slice3A_953 = vector.extract_strided_slice %sub3A {offsets = [0, 12032], sizes = [128, 128], strides = [1, 1]} : vector<128x16384xf32> to vector<128x128xf32>
    %swap3A_954 = arith.constant 94 : index
    %swap3A_955 = arith.constant 0 : index
    %swap3A_956 = arith.constant 0 : index
    %swap3A_957 = vector.load %arg3[%swap3A_954, %swap3A_955, %swap3A_956] : memref<128x128x128xf32, #tpu.memory_space<vmem>>, vector<1x128x128xf32>
    %swap3A_958 = vector.shape_cast %swap3A_957 : vector<1x128x128xf32> to vector<128x128xf32>
    %swap3A_959 = vector.shape_cast %slice3A_953 : vector<128x128xf32> to vector<1x128x128xf32>
    tpu.vector_store %arg3[%swap3A_954, %swap3A_955, %swap3A_956], %swap3A_959 {strides = array<i32>} : memref<128x128x128xf32, #tpu.memory_space<vmem>>, vector<1x128x128xf32>,
    %reduce_min3A_960 = arith.constant dense<0x7F800000> : vector<128xf32>
    %reduce_min3A_961 = vector.multi_reduction <minimumf>, %slice3A_953, %reduce_min3A_960 [1] : vector<128x128xf32> to vector<128xf32>
    %broadcast_in_dim3A_962 = vector.shape_cast %reduce_min3A_961 : vector<128xf32> to vector<128x1xf32>
    %slice3A_963 = vector.extract_strided_slice %sub3A {offsets = [0, 12160], sizes = [128, 128], strides = [1, 1]} : vector<128x16384xf32> to vector<128x128xf32>
    %swap3A_964 = arith.constant 95 : index
    %swap3A_965 = arith.constant 0 : index
    %swap3A_966 = arith.constant 0 : index
    %swap3A_967 = vector.load %arg3[%swap3A_964, %swap3A_965, %swap3A_966] : memref<128x128x128xf32, #tpu.memory_space<vmem>>, vector<1x128x128xf32>
    %swap3A_968 = vector.shape_cast %swap3A_967 : vector<1x128x128xf32> to vector<128x128xf32>
    %swap3A_969 = vector.shape_cast %slice3A_963 : vector<128x128xf32> to vector<1x128x128xf32>
    tpu.vector_store %arg3[%swap3A_964, %swap3A_965, %swap3A_966], %swap3A_969 {strides = array<i32>} : memref<128x128x128xf32, #tpu.memory_space<vmem>>, vector<1x128x128xf32>,
    %reduce_min3A_970 = arith.constant dense<0x7F800000> : vector<128xf32>
    %reduce_min3A_971 = vector.multi_reduction <minimumf>, %slice3A_963, %reduce_min3A_970 [1] : vector<128x128xf32> to vector<128xf32>
    %broadcast_in_dim3A_972 = vector.shape_cast %reduce_min3A_971 : vector<128xf32> to vector<128x1xf32>
    %slice3A_973 = vector.extract_strided_slice %sub3A {offsets = [0, 12288], sizes = [128, 128], strides = [1, 1]} : vector<128x16384xf32> to vector<128x128xf32>
    %swap3A_974 = arith.constant 96 : index
    %swap3A_975 = arith.constant 0 : index
    %swap3A_976 = arith.constant 0 : index
    %swap3A_977 = vector.load %arg3[%swap3A_974, %swap3A_975, %swap3A_976] : memref<128x128x128xf32, #tpu.memory_space<vmem>>, vector<1x128x128xf32>
    %swap3A_978 = vector.shape_cast %swap3A_977 : vector<1x128x128xf32> to vector<128x128xf32>
    %swap3A_979 = vector.shape_cast %slice3A_973 : vector<128x128xf32> to vector<1x128x128xf32>
    tpu.vector_store %arg3[%swap3A_974, %swap3A_975, %swap3A_976], %swap3A_979 {strides = array<i32>} : memref<128x128x128xf32, #tpu.memory_space<vmem>>, vector<1x128x128xf32>,
    %reduce_min3A_980 = arith.constant dense<0x7F800000> : vector<128xf32>
    %reduce_min3A_981 = vector.multi_reduction <minimumf>, %slice3A_973, %reduce_min3A_980 [1] : vector<128x128xf32> to vector<128xf32>
    %broadcast_in_dim3A_982 = vector.shape_cast %reduce_min3A_981 : vector<128xf32> to vector<128x1xf32>
    %slice3A_983 = vector.extract_strided_slice %sub3A {offsets = [0, 12416], sizes = [128, 128], strides = [1, 1]} : vector<128x16384xf32> to vector<128x128xf32>
    %swap3A_984 = arith.constant 97 : index
    %swap3A_985 = arith.constant 0 : index
    %swap3A_986 = arith.constant 0 : index
    %swap3A_987 = vector.load %arg3[%swap3A_984, %swap3A_985, %swap3A_986] : memref<128x128x128xf32, #tpu.memory_space<vmem>>, vector<1x128x128xf32>
    %swap3A_988 = vector.shape_cast %swap3A_987 : vector<1x128x128xf32> to vector<128x128xf32>
    %swap3A_989 = vector.shape_cast %slice3A_983 : vector<128x128xf32> to vector<1x128x128xf32>
    tpu.vector_store %arg3[%swap3A_984, %swap3A_985, %swap3A_986], %swap3A_989 {strides = array<i32>} : memref<128x128x128xf32, #tpu.memory_space<vmem>>, vector<1x128x128xf32>,
    %reduce_min3A_990 = arith.constant dense<0x7F800000> : vector<128xf32>
    %reduce_min3A_991 = vector.multi_reduction <minimumf>, %slice3A_983, %reduce_min3A_990 [1] : vector<128x128xf32> to vector<128xf32>
    %broadcast_in_dim3A_992 = vector.shape_cast %reduce_min3A_991 : vector<128xf32> to vector<128x1xf32>
    %slice3A_993 = vector.extract_strided_slice %sub3A {offsets = [0, 12544], sizes = [128, 128], strides = [1, 1]} : vector<128x16384xf32> to vector<128x128xf32>
    %swap3A_994 = arith.constant 98 : index
    %swap3A_995 = arith.constant 0 : index
    %swap3A_996 = arith.constant 0 : index
    %swap3A_997 = vector.load %arg3[%swap3A_994, %swap3A_995, %swap3A_996] : memref<128x128x128xf32, #tpu.memory_space<vmem>>, vector<1x128x128xf32>
    %swap3A_998 = vector.shape_cast %swap3A_997 : vector<1x128x128xf32> to vector<128x128xf32>
    %swap3A_999 = vector.shape_cast %slice3A_993 : vector<128x128xf32> to vector<1x128x128xf32>
    tpu.vector_store %arg3[%swap3A_994, %swap3A_995, %swap3A_996], %swap3A_999 {strides = array<i32>} : memref<128x128x128xf32, #tpu.memory_space<vmem>>, vector<1x128x128xf32>,
    %reduce_min3A_1000 = arith.constant dense<0x7F800000> : vector<128xf32>
    %reduce_min3A_1001 = vector.multi_reduction <minimumf>, %slice3A_993, %reduce_min3A_1000 [1] : vector<128x128xf32> to vector<128xf32>
    %broadcast_in_dim3A_1002 = vector.shape_cast %reduce_min3A_1001 : vector<128xf32> to vector<128x1xf32>
    %slice3A_1003 = vector.extract_strided_slice %sub3A {offsets = [0, 12672], sizes = [128, 128], strides = [1, 1]} : vector<128x16384xf32> to vector<128x128xf32>
    %swap3A_1004 = arith.constant 99 : index
    %swap3A_1005 = arith.constant 0 : index
    %swap3A_1006 = arith.constant 0 : index
    %swap3A_1007 = vector.load %arg3[%swap3A_1004, %swap3A_1005, %swap3A_1006] : memref<128x128x128xf32, #tpu.memory_space<vmem>>, vector<1x128x128xf32>
    %swap3A_1008 = vector.shape_cast %swap3A_1007 : vector<1x128x128xf32> to vector<128x128xf32>
    %swap3A_1009 = vector.shape_cast %slice3A_1003 : vector<128x128xf32> to vector<1x128x128xf32>
    tpu.vector_store %arg3[%swap3A_1004, %swap3A_1005, %swap3A_1006], %swap3A_1009 {strides = array<i32>} : memref<128x128x128xf32, #tpu.memory_space<vmem>>, vector<1x128x128xf32>,
    %reduce_min3A_1010 = arith.constant dense<0x7F800000> : vector<128xf32>
    %reduce_min3A_1011 = vector.multi_reduction <minimumf>, %slice3A_1003, %reduce_min3A_1010 [1] : vector<128x128xf32> to vector<128xf32>
    %broadcast_in_dim3A_1012 = vector.shape_cast %reduce_min3A_1011 : vector<128xf32> to vector<128x1xf32>
    %slice3A_1013 = vector.extract_strided_slice %sub3A {offsets = [0, 12800], sizes = [128, 128], strides = [1, 1]} : vector<128x16384xf32> to vector<128x128xf32>
    %swap3A_1014 = arith.constant 100 : index
    %swap3A_1015 = arith.constant 0 : index
    %swap3A_1016 = arith.constant 0 : index
    %swap3A_1017 = vector.load %arg3[%swap3A_1014, %swap3A_1015, %swap3A_1016] : memref<128x128x128xf32, #tpu.memory_space<vmem>>, vector<1x128x128xf32>
    %swap3A_1018 = vector.shape_cast %swap3A_1017 : vector<1x128x128xf32> to vector<128x128xf32>
    %swap3A_1019 = vector.shape_cast %slice3A_1013 : vector<128x128xf32> to vector<1x128x128xf32>
    tpu.vector_store %arg3[%swap3A_1014, %swap3A_1015, %swap3A_1016], %swap3A_1019 {strides = array<i32>} : memref<128x128x128xf32, #tpu.memory_space<vmem>>, vector<1x128x128xf32>,
    %reduce_min3A_1020 = arith.constant dense<0x7F800000> : vector<128xf32>
    %reduce_min3A_1021 = vector.multi_reduction <minimumf>, %slice3A_1013, %reduce_min3A_1020 [1] : vector<128x128xf32> to vector<128xf32>
    %broadcast_in_dim3A_1022 = vector.shape_cast %reduce_min3A_1021 : vector<128xf32> to vector<128x1xf32>
    %slice3A_1023 = vector.extract_strided_slice %sub3A {offsets = [0, 12928], sizes = [128, 128], strides = [1, 1]} : vector<128x16384xf32> to vector<128x128xf32>
    %swap3A_1024 = arith.constant 101 : index
    %swap3A_1025 = arith.constant 0 : index
    %swap3A_1026 = arith.constant 0 : index
    %swap3A_1027 = vector.load %arg3[%swap3A_1024, %swap3A_1025, %swap3A_1026] : memref<128x128x128xf32, #tpu.memory_space<vmem>>, vector<1x128x128xf32>
    %swap3A_1028 = vector.shape_cast %swap3A_1027 : vector<1x128x128xf32> to vector<128x128xf32>
    %swap3A_1029 = vector.shape_cast %slice3A_1023 : vector<128x128xf32> to vector<1x128x128xf32>
    tpu.vector_store %arg3[%swap3A_1024, %swap3A_1025, %swap3A_1026], %swap3A_1029 {strides = array<i32>} : memref<128x128x128xf32, #tpu.memory_space<vmem>>, vector<1x128x128xf32>,
    %reduce_min3A_1030 = arith.constant dense<0x7F800000> : vector<128xf32>
    %reduce_min3A_1031 = vector.multi_reduction <minimumf>, %slice3A_1023, %reduce_min3A_1030 [1] : vector<128x128xf32> to vector<128xf32>
    %broadcast_in_dim3A_1032 = vector.shape_cast %reduce_min3A_1031 : vector<128xf32> to vector<128x1xf32>
    %slice3A_1033 = vector.extract_strided_slice %sub3A {offsets = [0, 13056], sizes = [128, 128], strides = [1, 1]} : vector<128x16384xf32> to vector<128x128xf32>
    %swap3A_1034 = arith.constant 102 : index
    %swap3A_1035 = arith.constant 0 : index
    %swap3A_1036 = arith.constant 0 : index
    %swap3A_1037 = vector.load %arg3[%swap3A_1034, %swap3A_1035, %swap3A_1036] : memref<128x128x128xf32, #tpu.memory_space<vmem>>, vector<1x128x128xf32>
    %swap3A_1038 = vector.shape_cast %swap3A_1037 : vector<1x128x128xf32> to vector<128x128xf32>
    %swap3A_1039 = vector.shape_cast %slice3A_1033 : vector<128x128xf32> to vector<1x128x128xf32>
    tpu.vector_store %arg3[%swap3A_1034, %swap3A_1035, %swap3A_1036], %swap3A_1039 {strides = array<i32>} : memref<128x128x128xf32, #tpu.memory_space<vmem>>, vector<1x128x128xf32>,
    %reduce_min3A_1040 = arith.constant dense<0x7F800000> : vector<128xf32>
    %reduce_min3A_1041 = vector.multi_reduction <minimumf>, %slice3A_1033, %reduce_min3A_1040 [1] : vector<128x128xf32> to vector<128xf32>
    %broadcast_in_dim3A_1042 = vector.shape_cast %reduce_min3A_1041 : vector<128xf32> to vector<128x1xf32>
    %slice3A_1043 = vector.extract_strided_slice %sub3A {offsets = [0, 13184], sizes = [128, 128], strides = [1, 1]} : vector<128x16384xf32> to vector<128x128xf32>
    %swap3A_1044 = arith.constant 103 : index
    %swap3A_1045 = arith.constant 0 : index
    %swap3A_1046 = arith.constant 0 : index
    %swap3A_1047 = vector.load %arg3[%swap3A_1044, %swap3A_1045, %swap3A_1046] : memref<128x128x128xf32, #tpu.memory_space<vmem>>, vector<1x128x128xf32>
    %swap3A_1048 = vector.shape_cast %swap3A_1047 : vector<1x128x128xf32> to vector<128x128xf32>
    %swap3A_1049 = vector.shape_cast %slice3A_1043 : vector<128x128xf32> to vector<1x128x128xf32>
    tpu.vector_store %arg3[%swap3A_1044, %swap3A_1045, %swap3A_1046], %swap3A_1049 {strides = array<i32>} : memref<128x128x128xf32, #tpu.memory_space<vmem>>, vector<1x128x128xf32>,
    %reduce_min3A_1050 = arith.constant dense<0x7F800000> : vector<128xf32>
    %reduce_min3A_1051 = vector.multi_reduction <minimumf>, %slice3A_1043, %reduce_min3A_1050 [1] : vector<128x128xf32> to vector<128xf32>
    %broadcast_in_dim3A_1052 = vector.shape_cast %reduce_min3A_1051 : vector<128xf32> to vector<128x1xf32>
    %slice3A_1053 = vector.extract_strided_slice %sub3A {offsets = [0, 13312], sizes = [128, 128], strides = [1, 1]} : vector<128x16384xf32> to vector<128x128xf32>
    %swap3A_1054 = arith.constant 104 : index
    %swap3A_1055 = arith.constant 0 : index
    %swap3A_1056 = arith.constant 0 : index
    %swap3A_1057 = vector.load %arg3[%swap3A_1054, %swap3A_1055, %swap3A_1056] : memref<128x128x128xf32, #tpu.memory_space<vmem>>, vector<1x128x128xf32>
    %swap3A_1058 = vector.shape_cast %swap3A_1057 : vector<1x128x128xf32> to vector<128x128xf32>
    %swap3A_1059 = vector.shape_cast %slice3A_1053 : vector<128x128xf32> to vector<1x128x128xf32>
    tpu.vector_store %arg3[%swap3A_1054, %swap3A_1055, %swap3A_1056], %swap3A_1059 {strides = array<i32>} : memref<128x128x128xf32, #tpu.memory_space<vmem>>, vector<1x128x128xf32>,
    %reduce_min3A_1060 = arith.constant dense<0x7F800000> : vector<128xf32>
    %reduce_min3A_1061 = vector.multi_reduction <minimumf>, %slice3A_1053, %reduce_min3A_1060 [1] : vector<128x128xf32> to vector<128xf32>
    %broadcast_in_dim3A_1062 = vector.shape_cast %reduce_min3A_1061 : vector<128xf32> to vector<128x1xf32>
    %slice3A_1063 = vector.extract_strided_slice %sub3A {offsets = [0, 13440], sizes = [128, 128], strides = [1, 1]} : vector<128x16384xf32> to vector<128x128xf32>
    %swap3A_1064 = arith.constant 105 : index
    %swap3A_1065 = arith.constant 0 : index
    %swap3A_1066 = arith.constant 0 : index
    %swap3A_1067 = vector.load %arg3[%swap3A_1064, %swap3A_1065, %swap3A_1066] : memref<128x128x128xf32, #tpu.memory_space<vmem>>, vector<1x128x128xf32>
    %swap3A_1068 = vector.shape_cast %swap3A_1067 : vector<1x128x128xf32> to vector<128x128xf32>
    %swap3A_1069 = vector.shape_cast %slice3A_1063 : vector<128x128xf32> to vector<1x128x128xf32>
    tpu.vector_store %arg3[%swap3A_1064, %swap3A_1065, %swap3A_1066], %swap3A_1069 {strides = array<i32>} : memref<128x128x128xf32, #tpu.memory_space<vmem>>, vector<1x128x128xf32>,
    %reduce_min3A_1070 = arith.constant dense<0x7F800000> : vector<128xf32>
    %reduce_min3A_1071 = vector.multi_reduction <minimumf>, %slice3A_1063, %reduce_min3A_1070 [1] : vector<128x128xf32> to vector<128xf32>
    %broadcast_in_dim3A_1072 = vector.shape_cast %reduce_min3A_1071 : vector<128xf32> to vector<128x1xf32>
    %slice3A_1073 = vector.extract_strided_slice %sub3A {offsets = [0, 13568], sizes = [128, 128], strides = [1, 1]} : vector<128x16384xf32> to vector<128x128xf32>
    %swap3A_1074 = arith.constant 106 : index
    %swap3A_1075 = arith.constant 0 : index
    %swap3A_1076 = arith.constant 0 : index
    %swap3A_1077 = vector.load %arg3[%swap3A_1074, %swap3A_1075, %swap3A_1076] : memref<128x128x128xf32, #tpu.memory_space<vmem>>, vector<1x128x128xf32>
    %swap3A_1078 = vector.shape_cast %swap3A_1077 : vector<1x128x128xf32> to vector<128x128xf32>
    %swap3A_1079 = vector.shape_cast %slice3A_1073 : vector<128x128xf32> to vector<1x128x128xf32>
    tpu.vector_store %arg3[%swap3A_1074, %swap3A_1075, %swap3A_1076], %swap3A_1079 {strides = array<i32>} : memref<128x128x128xf32, #tpu.memory_space<vmem>>, vector<1x128x128xf32>,
    %reduce_min3A_1080 = arith.constant dense<0x7F800000> : vector<128xf32>
    %reduce_min3A_1081 = vector.multi_reduction <minimumf>, %slice3A_1073, %reduce_min3A_1080 [1] : vector<128x128xf32> to vector<128xf32>
    %broadcast_in_dim3A_1082 = vector.shape_cast %reduce_min3A_1081 : vector<128xf32> to vector<128x1xf32>
    %slice3A_1083 = vector.extract_strided_slice %sub3A {offsets = [0, 13696], sizes = [128, 128], strides = [1, 1]} : vector<128x16384xf32> to vector<128x128xf32>
    %swap3A_1084 = arith.constant 107 : index
    %swap3A_1085 = arith.constant 0 : index
    %swap3A_1086 = arith.constant 0 : index
    %swap3A_1087 = vector.load %arg3[%swap3A_1084, %swap3A_1085, %swap3A_1086] : memref<128x128x128xf32, #tpu.memory_space<vmem>>, vector<1x128x128xf32>
    %swap3A_1088 = vector.shape_cast %swap3A_1087 : vector<1x128x128xf32> to vector<128x128xf32>
    %swap3A_1089 = vector.shape_cast %slice3A_1083 : vector<128x128xf32> to vector<1x128x128xf32>
    tpu.vector_store %arg3[%swap3A_1084, %swap3A_1085, %swap3A_1086], %swap3A_1089 {strides = array<i32>} : memref<128x128x128xf32, #tpu.memory_space<vmem>>, vector<1x128x128xf32>,
    %reduce_min3A_1090 = arith.constant dense<0x7F800000> : vector<128xf32>
    %reduce_min3A_1091 = vector.multi_reduction <minimumf>, %slice3A_1083, %reduce_min3A_1090 [1] : vector<128x128xf32> to vector<128xf32>
    %broadcast_in_dim3A_1092 = vector.shape_cast %reduce_min3A_1091 : vector<128xf32> to vector<128x1xf32>
    %slice3A_1093 = vector.extract_strided_slice %sub3A {offsets = [0, 13824], sizes = [128, 128], strides = [1, 1]} : vector<128x16384xf32> to vector<128x128xf32>
    %swap3A_1094 = arith.constant 108 : index
    %swap3A_1095 = arith.constant 0 : index
    %swap3A_1096 = arith.constant 0 : index
    %swap3A_1097 = vector.load %arg3[%swap3A_1094, %swap3A_1095, %swap3A_1096] : memref<128x128x128xf32, #tpu.memory_space<vmem>>, vector<1x128x128xf32>
    %swap3A_1098 = vector.shape_cast %swap3A_1097 : vector<1x128x128xf32> to vector<128x128xf32>
    %swap3A_1099 = vector.shape_cast %slice3A_1093 : vector<128x128xf32> to vector<1x128x128xf32>
    tpu.vector_store %arg3[%swap3A_1094, %swap3A_1095, %swap3A_1096], %swap3A_1099 {strides = array<i32>} : memref<128x128x128xf32, #tpu.memory_space<vmem>>, vector<1x128x128xf32>,
    %reduce_min3A_1100 = arith.constant dense<0x7F800000> : vector<128xf32>
    %reduce_min3A_1101 = vector.multi_reduction <minimumf>, %slice3A_1093, %reduce_min3A_1100 [1] : vector<128x128xf32> to vector<128xf32>
    %broadcast_in_dim3A_1102 = vector.shape_cast %reduce_min3A_1101 : vector<128xf32> to vector<128x1xf32>
    %slice3A_1103 = vector.extract_strided_slice %sub3A {offsets = [0, 13952], sizes = [128, 128], strides = [1, 1]} : vector<128x16384xf32> to vector<128x128xf32>
    %swap3A_1104 = arith.constant 109 : index
    %swap3A_1105 = arith.constant 0 : index
    %swap3A_1106 = arith.constant 0 : index
    %swap3A_1107 = vector.load %arg3[%swap3A_1104, %swap3A_1105, %swap3A_1106] : memref<128x128x128xf32, #tpu.memory_space<vmem>>, vector<1x128x128xf32>
    %swap3A_1108 = vector.shape_cast %swap3A_1107 : vector<1x128x128xf32> to vector<128x128xf32>
    %swap3A_1109 = vector.shape_cast %slice3A_1103 : vector<128x128xf32> to vector<1x128x128xf32>
    tpu.vector_store %arg3[%swap3A_1104, %swap3A_1105, %swap3A_1106], %swap3A_1109 {strides = array<i32>} : memref<128x128x128xf32, #tpu.memory_space<vmem>>, vector<1x128x128xf32>,
    %reduce_min3A_1110 = arith.constant dense<0x7F800000> : vector<128xf32>
    %reduce_min3A_1111 = vector.multi_reduction <minimumf>, %slice3A_1103, %reduce_min3A_1110 [1] : vector<128x128xf32> to vector<128xf32>
    %broadcast_in_dim3A_1112 = vector.shape_cast %reduce_min3A_1111 : vector<128xf32> to vector<128x1xf32>
    %slice3A_1113 = vector.extract_strided_slice %sub3A {offsets = [0, 14080], sizes = [128, 128], strides = [1, 1]} : vector<128x16384xf32> to vector<128x128xf32>
    %swap3A_1114 = arith.constant 110 : index
    %swap3A_1115 = arith.constant 0 : index
    %swap3A_1116 = arith.constant 0 : index
    %swap3A_1117 = vector.load %arg3[%swap3A_1114, %swap3A_1115, %swap3A_1116] : memref<128x128x128xf32, #tpu.memory_space<vmem>>, vector<1x128x128xf32>
    %swap3A_1118 = vector.shape_cast %swap3A_1117 : vector<1x128x128xf32> to vector<128x128xf32>
    %swap3A_1119 = vector.shape_cast %slice3A_1113 : vector<128x128xf32> to vector<1x128x128xf32>
    tpu.vector_store %arg3[%swap3A_1114, %swap3A_1115, %swap3A_1116], %swap3A_1119 {strides = array<i32>} : memref<128x128x128xf32, #tpu.memory_space<vmem>>, vector<1x128x128xf32>,
    %reduce_min3A_1120 = arith.constant dense<0x7F800000> : vector<128xf32>
    %reduce_min3A_1121 = vector.multi_reduction <minimumf>, %slice3A_1113, %reduce_min3A_1120 [1] : vector<128x128xf32> to vector<128xf32>
    %broadcast_in_dim3A_1122 = vector.shape_cast %reduce_min3A_1121 : vector<128xf32> to vector<128x1xf32>
    %slice3A_1123 = vector.extract_strided_slice %sub3A {offsets = [0, 14208], sizes = [128, 128], strides = [1, 1]} : vector<128x16384xf32> to vector<128x128xf32>
    %swap3A_1124 = arith.constant 111 : index
    %swap3A_1125 = arith.constant 0 : index
    %swap3A_1126 = arith.constant 0 : index
    %swap3A_1127 = vector.load %arg3[%swap3A_1124, %swap3A_1125, %swap3A_1126] : memref<128x128x128xf32, #tpu.memory_space<vmem>>, vector<1x128x128xf32>
    %swap3A_1128 = vector.shape_cast %swap3A_1127 : vector<1x128x128xf32> to vector<128x128xf32>
    %swap3A_1129 = vector.shape_cast %slice3A_1123 : vector<128x128xf32> to vector<1x128x128xf32>
    tpu.vector_store %arg3[%swap3A_1124, %swap3A_1125, %swap3A_1126], %swap3A_1129 {strides = array<i32>} : memref<128x128x128xf32, #tpu.memory_space<vmem>>, vector<1x128x128xf32>,
    %reduce_min3A_1130 = arith.constant dense<0x7F800000> : vector<128xf32>
    %reduce_min3A_1131 = vector.multi_reduction <minimumf>, %slice3A_1123, %reduce_min3A_1130 [1] : vector<128x128xf32> to vector<128xf32>
    %broadcast_in_dim3A_1132 = vector.shape_cast %reduce_min3A_1131 : vector<128xf32> to vector<128x1xf32>
    %slice3A_1133 = vector.extract_strided_slice %sub3A {offsets = [0, 14336], sizes = [128, 128], strides = [1, 1]} : vector<128x16384xf32> to vector<128x128xf32>
    %swap3A_1134 = arith.constant 112 : index
    %swap3A_1135 = arith.constant 0 : index
    %swap3A_1136 = arith.constant 0 : index
    %swap3A_1137 = vector.load %arg3[%swap3A_1134, %swap3A_1135, %swap3A_1136] : memref<128x128x128xf32, #tpu.memory_space<vmem>>, vector<1x128x128xf32>
    %swap3A_1138 = vector.shape_cast %swap3A_1137 : vector<1x128x128xf32> to vector<128x128xf32>
    %swap3A_1139 = vector.shape_cast %slice3A_1133 : vector<128x128xf32> to vector<1x128x128xf32>
    tpu.vector_store %arg3[%swap3A_1134, %swap3A_1135, %swap3A_1136], %swap3A_1139 {strides = array<i32>} : memref<128x128x128xf32, #tpu.memory_space<vmem>>, vector<1x128x128xf32>,
    %reduce_min3A_1140 = arith.constant dense<0x7F800000> : vector<128xf32>
    %reduce_min3A_1141 = vector.multi_reduction <minimumf>, %slice3A_1133, %reduce_min3A_1140 [1] : vector<128x128xf32> to vector<128xf32>
    %broadcast_in_dim3A_1142 = vector.shape_cast %reduce_min3A_1141 : vector<128xf32> to vector<128x1xf32>
    %slice3A_1143 = vector.extract_strided_slice %sub3A {offsets = [0, 14464], sizes = [128, 128], strides = [1, 1]} : vector<128x16384xf32> to vector<128x128xf32>
    %swap3A_1144 = arith.constant 113 : index
    %swap3A_1145 = arith.constant 0 : index
    %swap3A_1146 = arith.constant 0 : index
    %swap3A_1147 = vector.load %arg3[%swap3A_1144, %swap3A_1145, %swap3A_1146] : memref<128x128x128xf32, #tpu.memory_space<vmem>>, vector<1x128x128xf32>
    %swap3A_1148 = vector.shape_cast %swap3A_1147 : vector<1x128x128xf32> to vector<128x128xf32>
    %swap3A_1149 = vector.shape_cast %slice3A_1143 : vector<128x128xf32> to vector<1x128x128xf32>
    tpu.vector_store %arg3[%swap3A_1144, %swap3A_1145, %swap3A_1146], %swap3A_1149 {strides = array<i32>} : memref<128x128x128xf32, #tpu.memory_space<vmem>>, vector<1x128x128xf32>,
    %reduce_min3A_1150 = arith.constant dense<0x7F800000> : vector<128xf32>
    %reduce_min3A_1151 = vector.multi_reduction <minimumf>, %slice3A_1143, %reduce_min3A_1150 [1] : vector<128x128xf32> to vector<128xf32>
    %broadcast_in_dim3A_1152 = vector.shape_cast %reduce_min3A_1151 : vector<128xf32> to vector<128x1xf32>
    %slice3A_1153 = vector.extract_strided_slice %sub3A {offsets = [0, 14592], sizes = [128, 128], strides = [1, 1]} : vector<128x16384xf32> to vector<128x128xf32>
    %swap3A_1154 = arith.constant 114 : index
    %swap3A_1155 = arith.constant 0 : index
    %swap3A_1156 = arith.constant 0 : index
    %swap3A_1157 = vector.load %arg3[%swap3A_1154, %swap3A_1155, %swap3A_1156] : memref<128x128x128xf32, #tpu.memory_space<vmem>>, vector<1x128x128xf32>
    %swap3A_1158 = vector.shape_cast %swap3A_1157 : vector<1x128x128xf32> to vector<128x128xf32>
    %swap3A_1159 = vector.shape_cast %slice3A_1153 : vector<128x128xf32> to vector<1x128x128xf32>
    tpu.vector_store %arg3[%swap3A_1154, %swap3A_1155, %swap3A_1156], %swap3A_1159 {strides = array<i32>} : memref<128x128x128xf32, #tpu.memory_space<vmem>>, vector<1x128x128xf32>,
    %reduce_min3A_1160 = arith.constant dense<0x7F800000> : vector<128xf32>
    %reduce_min3A_1161 = vector.multi_reduction <minimumf>, %slice3A_1153, %reduce_min3A_1160 [1] : vector<128x128xf32> to vector<128xf32>
    %broadcast_in_dim3A_1162 = vector.shape_cast %reduce_min3A_1161 : vector<128xf32> to vector<128x1xf32>
    %slice3A_1163 = vector.extract_strided_slice %sub3A {offsets = [0, 14720], sizes = [128, 128], strides = [1, 1]} : vector<128x16384xf32> to vector<128x128xf32>
    %swap3A_1164 = arith.constant 115 : index
    %swap3A_1165 = arith.constant 0 : index
    %swap3A_1166 = arith.constant 0 : index
    %swap3A_1167 = vector.load %arg3[%swap3A_1164, %swap3A_1165, %swap3A_1166] : memref<128x128x128xf32, #tpu.memory_space<vmem>>, vector<1x128x128xf32>
    %swap3A_1168 = vector.shape_cast %swap3A_1167 : vector<1x128x128xf32> to vector<128x128xf32>
    %swap3A_1169 = vector.shape_cast %slice3A_1163 : vector<128x128xf32> to vector<1x128x128xf32>
    tpu.vector_store %arg3[%swap3A_1164, %swap3A_1165, %swap3A_1166], %swap3A_1169 {strides = array<i32>} : memref<128x128x128xf32, #tpu.memory_space<vmem>>, vector<1x128x128xf32>,
    %reduce_min3A_1170 = arith.constant dense<0x7F800000> : vector<128xf32>
    %reduce_min3A_1171 = vector.multi_reduction <minimumf>, %slice3A_1163, %reduce_min3A_1170 [1] : vector<128x128xf32> to vector<128xf32>
    %broadcast_in_dim3A_1172 = vector.shape_cast %reduce_min3A_1171 : vector<128xf32> to vector<128x1xf32>
    %slice3A_1173 = vector.extract_strided_slice %sub3A {offsets = [0, 14848], sizes = [128, 128], strides = [1, 1]} : vector<128x16384xf32> to vector<128x128xf32>
    %swap3A_1174 = arith.constant 116 : index
    %swap3A_1175 = arith.constant 0 : index
    %swap3A_1176 = arith.constant 0 : index
    %swap3A_1177 = vector.load %arg3[%swap3A_1174, %swap3A_1175, %swap3A_1176] : memref<128x128x128xf32, #tpu.memory_space<vmem>>, vector<1x128x128xf32>
    %swap3A_1178 = vector.shape_cast %swap3A_1177 : vector<1x128x128xf32> to vector<128x128xf32>
    %swap3A_1179 = vector.shape_cast %slice3A_1173 : vector<128x128xf32> to vector<1x128x128xf32>
    tpu.vector_store %arg3[%swap3A_1174, %swap3A_1175, %swap3A_1176], %swap3A_1179 {strides = array<i32>} : memref<128x128x128xf32, #tpu.memory_space<vmem>>, vector<1x128x128xf32>,
    %reduce_min3A_1180 = arith.constant dense<0x7F800000> : vector<128xf32>
    %reduce_min3A_1181 = vector.multi_reduction <minimumf>, %slice3A_1173, %reduce_min3A_1180 [1] : vector<128x128xf32> to vector<128xf32>
    %broadcast_in_dim3A_1182 = vector.shape_cast %reduce_min3A_1181 : vector<128xf32> to vector<128x1xf32>
    %slice3A_1183 = vector.extract_strided_slice %sub3A {offsets = [0, 14976], sizes = [128, 128], strides = [1, 1]} : vector<128x16384xf32> to vector<128x128xf32>
    %swap3A_1184 = arith.constant 117 : index
    %swap3A_1185 = arith.constant 0 : index
    %swap3A_1186 = arith.constant 0 : index
    %swap3A_1187 = vector.load %arg3[%swap3A_1184, %swap3A_1185, %swap3A_1186] : memref<128x128x128xf32, #tpu.memory_space<vmem>>, vector<1x128x128xf32>
    %swap3A_1188 = vector.shape_cast %swap3A_1187 : vector<1x128x128xf32> to vector<128x128xf32>
    %swap3A_1189 = vector.shape_cast %slice3A_1183 : vector<128x128xf32> to vector<1x128x128xf32>
    tpu.vector_store %arg3[%swap3A_1184, %swap3A_1185, %swap3A_1186], %swap3A_1189 {strides = array<i32>} : memref<128x128x128xf32, #tpu.memory_space<vmem>>, vector<1x128x128xf32>,
    %reduce_min3A_1190 = arith.constant dense<0x7F800000> : vector<128xf32>
    %reduce_min3A_1191 = vector.multi_reduction <minimumf>, %slice3A_1183, %reduce_min3A_1190 [1] : vector<128x128xf32> to vector<128xf32>
    %broadcast_in_dim3A_1192 = vector.shape_cast %reduce_min3A_1191 : vector<128xf32> to vector<128x1xf32>
    %slice3A_1193 = vector.extract_strided_slice %sub3A {offsets = [0, 15104], sizes = [128, 128], strides = [1, 1]} : vector<128x16384xf32> to vector<128x128xf32>
    %swap3A_1194 = arith.constant 118 : index
    %swap3A_1195 = arith.constant 0 : index
    %swap3A_1196 = arith.constant 0 : index
    %swap3A_1197 = vector.load %arg3[%swap3A_1194, %swap3A_1195, %swap3A_1196] : memref<128x128x128xf32, #tpu.memory_space<vmem>>, vector<1x128x128xf32>
    %swap3A_1198 = vector.shape_cast %swap3A_1197 : vector<1x128x128xf32> to vector<128x128xf32>
    %swap3A_1199 = vector.shape_cast %slice3A_1193 : vector<128x128xf32> to vector<1x128x128xf32>
    tpu.vector_store %arg3[%swap3A_1194, %swap3A_1195, %swap3A_1196], %swap3A_1199 {strides = array<i32>} : memref<128x128x128xf32, #tpu.memory_space<vmem>>, vector<1x128x128xf32>,
    %reduce_min3A_1200 = arith.constant dense<0x7F800000> : vector<128xf32>
    %reduce_min3A_1201 = vector.multi_reduction <minimumf>, %slice3A_1193, %reduce_min3A_1200 [1] : vector<128x128xf32> to vector<128xf32>
    %broadcast_in_dim3A_1202 = vector.shape_cast %reduce_min3A_1201 : vector<128xf32> to vector<128x1xf32>
    %slice3A_1203 = vector.extract_strided_slice %sub3A {offsets = [0, 15232], sizes = [128, 128], strides = [1, 1]} : vector<128x16384xf32> to vector<128x128xf32>
    %swap3A_1204 = arith.constant 119 : index
    %swap3A_1205 = arith.constant 0 : index
    %swap3A_1206 = arith.constant 0 : index
    %swap3A_1207 = vector.load %arg3[%swap3A_1204, %swap3A_1205, %swap3A_1206] : memref<128x128x128xf32, #tpu.memory_space<vmem>>, vector<1x128x128xf32>
    %swap3A_1208 = vector.shape_cast %swap3A_1207 : vector<1x128x128xf32> to vector<128x128xf32>
    %swap3A_1209 = vector.shape_cast %slice3A_1203 : vector<128x128xf32> to vector<1x128x128xf32>
    tpu.vector_store %arg3[%swap3A_1204, %swap3A_1205, %swap3A_1206], %swap3A_1209 {strides = array<i32>} : memref<128x128x128xf32, #tpu.memory_space<vmem>>, vector<1x128x128xf32>,
    %reduce_min3A_1210 = arith.constant dense<0x7F800000> : vector<128xf32>
    %reduce_min3A_1211 = vector.multi_reduction <minimumf>, %slice3A_1203, %reduce_min3A_1210 [1] : vector<128x128xf32> to vector<128xf32>
    %broadcast_in_dim3A_1212 = vector.shape_cast %reduce_min3A_1211 : vector<128xf32> to vector<128x1xf32>
    %slice3A_1213 = vector.extract_strided_slice %sub3A {offsets = [0, 15360], sizes = [128, 128], strides = [1, 1]} : vector<128x16384xf32> to vector<128x128xf32>
    %swap3A_1214 = arith.constant 120 : index
    %swap3A_1215 = arith.constant 0 : index
    %swap3A_1216 = arith.constant 0 : index
    %swap3A_1217 = vector.load %arg3[%swap3A_1214, %swap3A_1215, %swap3A_1216] : memref<128x128x128xf32, #tpu.memory_space<vmem>>, vector<1x128x128xf32>
    %swap3A_1218 = vector.shape_cast %swap3A_1217 : vector<1x128x128xf32> to vector<128x128xf32>
    %swap3A_1219 = vector.shape_cast %slice3A_1213 : vector<128x128xf32> to vector<1x128x128xf32>
    tpu.vector_store %arg3[%swap3A_1214, %swap3A_1215, %swap3A_1216], %swap3A_1219 {strides = array<i32>} : memref<128x128x128xf32, #tpu.memory_space<vmem>>, vector<1x128x128xf32>,
    %reduce_min3A_1220 = arith.constant dense<0x7F800000> : vector<128xf32>
    %reduce_min3A_1221 = vector.multi_reduction <minimumf>, %slice3A_1213, %reduce_min3A_1220 [1] : vector<128x128xf32> to vector<128xf32>
    %broadcast_in_dim3A_1222 = vector.shape_cast %reduce_min3A_1221 : vector<128xf32> to vector<128x1xf32>
    %slice3A_1223 = vector.extract_strided_slice %sub3A {offsets = [0, 15488], sizes = [128, 128], strides = [1, 1]} : vector<128x16384xf32> to vector<128x128xf32>
    %swap3A_1224 = arith.constant 121 : index
    %swap3A_1225 = arith.constant 0 : index
    %swap3A_1226 = arith.constant 0 : index
    %swap3A_1227 = vector.load %arg3[%swap3A_1224, %swap3A_1225, %swap3A_1226] : memref<128x128x128xf32, #tpu.memory_space<vmem>>, vector<1x128x128xf32>
    %swap3A_1228 = vector.shape_cast %swap3A_1227 : vector<1x128x128xf32> to vector<128x128xf32>
    %swap3A_1229 = vector.shape_cast %slice3A_1223 : vector<128x128xf32> to vector<1x128x128xf32>
    tpu.vector_store %arg3[%swap3A_1224, %swap3A_1225, %swap3A_1226], %swap3A_1229 {strides = array<i32>} : memref<128x128x128xf32, #tpu.memory_space<vmem>>, vector<1x128x128xf32>,
    %reduce_min3A_1230 = arith.constant dense<0x7F800000> : vector<128xf32>
    %reduce_min3A_1231 = vector.multi_reduction <minimumf>, %slice3A_1223, %reduce_min3A_1230 [1] : vector<128x128xf32> to vector<128xf32>
    %broadcast_in_dim3A_1232 = vector.shape_cast %reduce_min3A_1231 : vector<128xf32> to vector<128x1xf32>
    %slice3A_1233 = vector.extract_strided_slice %sub3A {offsets = [0, 15616], sizes = [128, 128], strides = [1, 1]} : vector<128x16384xf32> to vector<128x128xf32>
    %swap3A_1234 = arith.constant 122 : index
    %swap3A_1235 = arith.constant 0 : index
    %swap3A_1236 = arith.constant 0 : index
    %swap3A_1237 = vector.load %arg3[%swap3A_1234, %swap3A_1235, %swap3A_1236] : memref<128x128x128xf32, #tpu.memory_space<vmem>>, vector<1x128x128xf32>
    %swap3A_1238 = vector.shape_cast %swap3A_1237 : vector<1x128x128xf32> to vector<128x128xf32>
    %swap3A_1239 = vector.shape_cast %slice3A_1233 : vector<128x128xf32> to vector<1x128x128xf32>
    tpu.vector_store %arg3[%swap3A_1234, %swap3A_1235, %swap3A_1236], %swap3A_1239 {strides = array<i32>} : memref<128x128x128xf32, #tpu.memory_space<vmem>>, vector<1x128x128xf32>,
    %reduce_min3A_1240 = arith.constant dense<0x7F800000> : vector<128xf32>
    %reduce_min3A_1241 = vector.multi_reduction <minimumf>, %slice3A_1233, %reduce_min3A_1240 [1] : vector<128x128xf32> to vector<128xf32>
    %broadcast_in_dim3A_1242 = vector.shape_cast %reduce_min3A_1241 : vector<128xf32> to vector<128x1xf32>
    %slice3A_1243 = vector.extract_strided_slice %sub3A {offsets = [0, 15744], sizes = [128, 128], strides = [1, 1]} : vector<128x16384xf32> to vector<128x128xf32>
    %swap3A_1244 = arith.constant 123 : index
    %swap3A_1245 = arith.constant 0 : index
    %swap3A_1246 = arith.constant 0 : index
    %swap3A_1247 = vector.load %arg3[%swap3A_1244, %swap3A_1245, %swap3A_1246] : memref<128x128x128xf32, #tpu.memory_space<vmem>>, vector<1x128x128xf32>
    %swap3A_1248 = vector.shape_cast %swap3A_1247 : vector<1x128x128xf32> to vector<128x128xf32>
    %swap3A_1249 = vector.shape_cast %slice3A_1243 : vector<128x128xf32> to vector<1x128x128xf32>
    tpu.vector_store %arg3[%swap3A_1244, %swap3A_1245, %swap3A_1246], %swap3A_1249 {strides = array<i32>} : memref<128x128x128xf32, #tpu.memory_space<vmem>>, vector<1x128x128xf32>,
    %reduce_min3A_1250 = arith.constant dense<0x7F800000> : vector<128xf32>
    %reduce_min3A_1251 = vector.multi_reduction <minimumf>, %slice3A_1243, %reduce_min3A_1250 [1] : vector<128x128xf32> to vector<128xf32>
    %broadcast_in_dim3A_1252 = vector.shape_cast %reduce_min3A_1251 : vector<128xf32> to vector<128x1xf32>
    %slice3A_1253 = vector.extract_strided_slice %sub3A {offsets = [0, 15872], sizes = [128, 128], strides = [1, 1]} : vector<128x16384xf32> to vector<128x128xf32>
    %swap3A_1254 = arith.constant 124 : index
    %swap3A_1255 = arith.constant 0 : index
    %swap3A_1256 = arith.constant 0 : index
    %swap3A_1257 = vector.load %arg3[%swap3A_1254, %swap3A_1255, %swap3A_1256] : memref<128x128x128xf32, #tpu.memory_space<vmem>>, vector<1x128x128xf32>
    %swap3A_1258 = vector.shape_cast %swap3A_1257 : vector<1x128x128xf32> to vector<128x128xf32>
    %swap3A_1259 = vector.shape_cast %slice3A_1253 : vector<128x128xf32> to vector<1x128x128xf32>
    tpu.vector_store %arg3[%swap3A_1254, %swap3A_1255, %swap3A_1256], %swap3A_1259 {strides = array<i32>} : memref<128x128x128xf32, #tpu.memory_space<vmem>>, vector<1x128x128xf32>,
    %reduce_min3A_1260 = arith.constant dense<0x7F800000> : vector<128xf32>
    %reduce_min3A_1261 = vector.multi_reduction <minimumf>, %slice3A_1253, %reduce_min3A_1260 [1] : vector<128x128xf32> to vector<128xf32>
    %broadcast_in_dim3A_1262 = vector.shape_cast %reduce_min3A_1261 : vector<128xf32> to vector<128x1xf32>
    %slice3A_1263 = vector.extract_strided_slice %sub3A {offsets = [0, 16000], sizes = [128, 128], strides = [1, 1]} : vector<128x16384xf32> to vector<128x128xf32>
    %swap3A_1264 = arith.constant 125 : index
    %swap3A_1265 = arith.constant 0 : index
    %swap3A_1266 = arith.constant 0 : index
    %swap3A_1267 = vector.load %arg3[%swap3A_1264, %swap3A_1265, %swap3A_1266] : memref<128x128x128xf32, #tpu.memory_space<vmem>>, vector<1x128x128xf32>
    %swap3A_1268 = vector.shape_cast %swap3A_1267 : vector<1x128x128xf32> to vector<128x128xf32>
    %swap3A_1269 = vector.shape_cast %slice3A_1263 : vector<128x128xf32> to vector<1x128x128xf32>
    tpu.vector_store %arg3[%swap3A_1264, %swap3A_1265, %swap3A_1266], %swap3A_1269 {strides = array<i32>} : memref<128x128x128xf32, #tpu.memory_space<vmem>>, vector<1x128x128xf32>,
    %reduce_min3A_1270 = arith.constant dense<0x7F800000> : vector<128xf32>
    %reduce_min3A_1271 = vector.multi_reduction <minimumf>, %slice3A_1263, %reduce_min3A_1270 [1] : vector<128x128xf32> to vector<128xf32>
    %broadcast_in_dim3A_1272 = vector.shape_cast %reduce_min3A_1271 : vector<128xf32> to vector<128x1xf32>
    %slice3A_1273 = vector.extract_strided_slice %sub3A {offsets = [0, 16128], sizes = [128, 128], strides = [1, 1]} : vector<128x16384xf32> to vector<128x128xf32>
    %swap3A_1274 = arith.constant 126 : index
    %swap3A_1275 = arith.constant 0 : index
    %swap3A_1276 = arith.constant 0 : index
    %swap3A_1277 = vector.load %arg3[%swap3A_1274, %swap3A_1275, %swap3A_1276] : memref<128x128x128xf32, #tpu.memory_space<vmem>>, vector<1x128x128xf32>
    %swap3A_1278 = vector.shape_cast %swap3A_1277 : vector<1x128x128xf32> to vector<128x128xf32>
    %swap3A_1279 = vector.shape_cast %slice3A_1273 : vector<128x128xf32> to vector<1x128x128xf32>
    tpu.vector_store %arg3[%swap3A_1274, %swap3A_1275, %swap3A_1276], %swap3A_1279 {strides = array<i32>} : memref<128x128x128xf32, #tpu.memory_space<vmem>>, vector<1x128x128xf32>,
    %reduce_min3A_1280 = arith.constant dense<0x7F800000> : vector<128xf32>
    %reduce_min3A_1281 = vector.multi_reduction <minimumf>, %slice3A_1273, %reduce_min3A_1280 [1] : vector<128x128xf32> to vector<128xf32>
    %broadcast_in_dim3A_1282 = vector.shape_cast %reduce_min3A_1281 : vector<128xf32> to vector<128x1xf32>
    %slice3A_1283 = vector.extract_strided_slice %sub3A {offsets = [0, 16256], sizes = [128, 128], strides = [1, 1]} : vector<128x16384xf32> to vector<128x128xf32>
    %swap3A_1284 = arith.constant 127 : index
    %swap3A_1285 = arith.constant 0 : index
    %swap3A_1286 = arith.constant 0 : index
    %swap3A_1287 = vector.load %arg3[%swap3A_1284, %swap3A_1285, %swap3A_1286] : memref<128x128x128xf32, #tpu.memory_space<vmem>>, vector<1x128x128xf32>
    %swap3A_1288 = vector.shape_cast %swap3A_1287 : vector<1x128x128xf32> to vector<128x128xf32>
    %swap3A_1289 = vector.shape_cast %slice3A_1283 : vector<128x128xf32> to vector<1x128x128xf32>
    tpu.vector_store %arg3[%swap3A_1284, %swap3A_1285, %swap3A_1286], %swap3A_1289 {strides = array<i32>} : memref<128x128x128xf32, #tpu.memory_space<vmem>>, vector<1x128x128xf32>,
    %reduce_min3A_1290 = arith.constant dense<0x7F800000> : vector<128xf32>
    %reduce_min3A_1291 = vector.multi_reduction <minimumf>, %slice3A_1283, %reduce_min3A_1290 [1] : vector<128x128xf32> to vector<128xf32>
    %broadcast_in_dim3A_1292 = vector.shape_cast %reduce_min3A_1291 : vector<128xf32> to vector<128x1xf32>
    %concatenate3A = tpu.concatenate %broadcast_in_dim3A_22, %broadcast_in_dim3A_32, %broadcast_in_dim3A_42, %broadcast_in_dim3A_52, %broadcast_in_dim3A_62, %broadcast_in_dim3A_72, %broadcast_in_dim3A_82, %broadcast_in_dim3A_92, %broadcast_in_dim3A_102, %broadcast_in_dim3A_112, %broadcast_in_dim3A_122, %broadcast_in_dim3A_132, %broadcast_in_dim3A_142, %broadcast_in_dim3A_152, %broadcast_in_dim3A_162, %broadcast_in_dim3A_172, %broadcast_in_dim3A_182, %broadcast_in_dim3A_192, %broadcast_in_dim3A_202, %broadcast_in_dim3A_212, %broadcast_in_dim3A_222, %broadcast_in_dim3A_232, %broadcast_in_dim3A_242, %broadcast_in_dim3A_252, %broadcast_in_dim3A_262, %broadcast_in_dim3A_272, %broadcast_in_dim3A_282, %broadcast_in_dim3A_292, %broadcast_in_dim3A_302, %broadcast_in_dim3A_312, %broadcast_in_dim3A_322, %broadcast_in_dim3A_332, %broadcast_in_dim3A_342, %broadcast_in_dim3A_352, %broadcast_in_dim3A_362, %broadcast_in_dim3A_372, %broadcast_in_dim3A_382, %broadcast_in_dim3A_392, %broadcast_in_dim3A_402, %broadcast_in_dim3A_412, %broadcast_in_dim3A_422, %broadcast_in_dim3A_432, %broadcast_in_dim3A_442, %broadcast_in_dim3A_452, %broadcast_in_dim3A_462, %broadcast_in_dim3A_472, %broadcast_in_dim3A_482, %broadcast_in_dim3A_492, %broadcast_in_dim3A_502, %broadcast_in_dim3A_512, %broadcast_in_dim3A_522, %broadcast_in_dim3A_532, %broadcast_in_dim3A_542, %broadcast_in_dim3A_552, %broadcast_in_dim3A_562, %broadcast_in_dim3A_572, %broadcast_in_dim3A_582, %broadcast_in_dim3A_592, %broadcast_in_dim3A_602, %broadcast_in_dim3A_612, %broadcast_in_dim3A_622, %broadcast_in_dim3A_632, %broadcast_in_dim3A_642, %broadcast_in_dim3A_652, %broadcast_in_dim3A_662, %broadcast_in_dim3A_672, %broadcast_in_dim3A_682, %broadcast_in_dim3A_692, %broadcast_in_dim3A_702, %broadcast_in_dim3A_712, %broadcast_in_dim3A_722, %broadcast_in_dim3A_732, %broadcast_in_dim3A_742, %broadcast_in_dim3A_752, %broadcast_in_dim3A_762, %broadcast_in_dim3A_772, %broadcast_in_dim3A_782, %broadcast_in_dim3A_792, %broadcast_in_dim3A_802, %broadcast_in_dim3A_812, %broadcast_in_dim3A_822, %broadcast_in_dim3A_832, %broadcast_in_dim3A_842, %broadcast_in_dim3A_852, %broadcast_in_dim3A_862, %broadcast_in_dim3A_872, %broadcast_in_dim3A_882, %broadcast_in_dim3A_892, %broadcast_in_dim3A_902, %broadcast_in_dim3A_912, %broadcast_in_dim3A_922, %broadcast_in_dim3A_932, %broadcast_in_dim3A_942, %broadcast_in_dim3A_952, %broadcast_in_dim3A_962, %broadcast_in_dim3A_972, %broadcast_in_dim3A_982, %broadcast_in_dim3A_992, %broadcast_in_dim3A_1002, %broadcast_in_dim3A_1012, %broadcast_in_dim3A_1022, %broadcast_in_dim3A_1032, %broadcast_in_dim3A_1042, %broadcast_in_dim3A_1052, %broadcast_in_dim3A_1062, %broadcast_in_dim3A_1072, %broadcast_in_dim3A_1082, %broadcast_in_dim3A_1092, %broadcast_in_dim3A_1102, %broadcast_in_dim3A_1112, %broadcast_in_dim3A_1122, %broadcast_in_dim3A_1132, %broadcast_in_dim3A_1142, %broadcast_in_dim3A_1152, %broadcast_in_dim3A_1162, %broadcast_in_dim3A_1172, %broadcast_in_dim3A_1182, %broadcast_in_dim3A_1192, %broadcast_in_dim3A_1202, %broadcast_in_dim3A_1212, %broadcast_in_dim3A_1222, %broadcast_in_dim3A_1232, %broadcast_in_dim3A_1242, %broadcast_in_dim3A_1252, %broadcast_in_dim3A_1262, %broadcast_in_dim3A_1272, %broadcast_in_dim3A_1282, %broadcast_in_dim3A_1292 in 1 : vector<128x1xf32>, vector<128x1xf32>, vector<128x1xf32>, vector<128x1xf32>, vector<128x1xf32>, vector<128x1xf32>, vector<128x1xf32>, vector<128x1xf32>, vector<128x1xf32>, vector<128x1xf32>, vector<128x1xf32>, vector<128x1xf32>, vector<128x1xf32>, vector<128x1xf32>, vector<128x1xf32>, vector<128x1xf32>, vector<128x1xf32>, vector<128x1xf32>, vector<128x1xf32>, vector<128x1xf32>, vector<128x1xf32>, vector<128x1xf32>, vector<128x1xf32>, vector<128x1xf32>, vector<128x1xf32>, vector<128x1xf32>, vector<128x1xf32>, vector<128x1xf32>, vector<128x1xf32>, vector<128x1xf32>, vector<128x1xf32>, vector<128x1xf32>, vector<128x1xf32>, vector<128x1xf32>, vector<128x1xf32>, vector<128x1xf32>, vector<128x1xf32>, vector<128x1xf32>, vector<128x1xf32>, vector<128x1xf32>, vector<128x1xf32>, vector<128x1xf32>, vector<128x1xf32>, vector<128x1xf32>, vector<128x1xf32>, vector<128x1xf32>, vector<128x1xf32>, vector<128x1xf32>, vector<128x1xf32>, vector<128x1xf32>, vector<128x1xf32>, vector<128x1xf32>, vector<128x1xf32>, vector<128x1xf32>, vector<128x1xf32>, vector<128x1xf32>, vector<128x1xf32>, vector<128x1xf32>, vector<128x1xf32>, vector<128x1xf32>, vector<128x1xf32>, vector<128x1xf32>, vector<128x1xf32>, vector<128x1xf32>, vector<128x1xf32>, vector<128x1xf32>, vector<128x1xf32>, vector<128x1xf32>, vector<128x1xf32>, vector<128x1xf32>, vector<128x1xf32>, vector<128x1xf32>, vector<128x1xf32>, vector<128x1xf32>, vector<128x1xf32>, vector<128x1xf32>, vector<128x1xf32>, vector<128x1xf32>, vector<128x1xf32>, vector<128x1xf32>, vector<128x1xf32>, vector<128x1xf32>, vector<128x1xf32>, vector<128x1xf32>, vector<128x1xf32>, vector<128x1xf32>, vector<128x1xf32>, vector<128x1xf32>, vector<128x1xf32>, vector<128x1xf32>, vector<128x1xf32>, vector<128x1xf32>, vector<128x1xf32>, vector<128x1xf32>, vector<128x1xf32>, vector<128x1xf32>, vector<128x1xf32>, vector<128x1xf32>, vector<128x1xf32>, vector<128x1xf32>, vector<128x1xf32>, vector<128x1xf32>, vector<128x1xf32>, vector<128x1xf32>, vector<128x1xf32>, vector<128x1xf32>, vector<128x1xf32>, vector<128x1xf32>, vector<128x1xf32>, vector<128x1xf32>, vector<128x1xf32>, vector<128x1xf32>, vector<128x1xf32>, vector<128x1xf32>, vector<128x1xf32>, vector<128x1xf32>, vector<128x1xf32>, vector<128x1xf32>, vector<128x1xf32>, vector<128x1xf32>, vector<128x1xf32>, vector<128x1xf32>, vector<128x1xf32>, vector<128x1xf32>, vector<128x1xf32>, vector<128x1xf32>, vector<128x1xf32>, vector<128x1xf32> -> vector<128x128xf32>
    %iota3A = tpu.iota {dimensions = array<i32: 1>} : vector<128x128xi32>
    %convert_element_type3A = arith.sitofp %iota3A : vector<128x128xi32> to vector<128x128xf32>
    %reduce_min3A_1293 = arith.constant dense<0x7F800000> : vector<128xf32>
    %reduce_min3A_1294 = vector.multi_reduction <minimumf>, %concatenate3A, %reduce_min3A_1293 [1] : vector<128x128xf32> to vector<128xf32>
    %broadcast_in_dim3A_1295 = vector.shape_cast %reduce_min3A_1294 : vector<128xf32> to vector<128x1xf32>
    %le3A = vector.broadcast %broadcast_in_dim3A_1295 : vector<128x1xf32> to vector<128x128xf32>
    %le3A_1296 = arith.cmpf ole, %concatenate3A, %le3A : vector<128x128xf32>
    %jit3A = arith.constant 3.000000e+07 : f32
    %broadcast_in_dim3A_1297 = vector.broadcast %jit3A : f32 to vector<128x128xf32>
    %select_n3A = arith.select %le3A_1296, %convert_element_type3A, %broadcast_in_dim3A_1297 : vector<128x128xi1>, vector<128x128xf32>
    %reduce_min3A_1298 = arith.constant dense<0x7F800000> : vector<128xf32>
    %reduce_min3A_1299 = vector.multi_reduction <minimumf>, %select_n3A, %reduce_min3A_1298 [1] : vector<128x128xf32> to vector<128xf32>
    %broadcast_in_dim3A_1300 = vector.shape_cast %reduce_min3A_1299 : vector<128xf32> to vector<128x1xf32>
    %eq3A = vector.broadcast %broadcast_in_dim3A_1300 : vector<128x1xf32> to vector<128x128xf32>
    %eq3A_1301 = arith.cmpf oeq, %convert_element_type3A, %eq3A : vector<128x128xf32>
    %jit3A_1302 = arith.constant 1.000000e+30 : f32
    %broadcast_in_dim3A_1303 = vector.broadcast %jit3A_1302 : f32 to vector<128x128xf32>
    %select_n3A_1304 = arith.select %eq3A_1301, %broadcast_in_dim3A_1303, %concatenate3A : vector<128x128xi1>, vector<128x128xf32>
    %reduce_min3A_1305 = arith.constant dense<0x7F800000> : vector<128xf32>
    %reduce_min3A_1306 = vector.multi_reduction <minimumf>, %select_n3A_1304, %reduce_min3A_1305 [1] : vector<128x128xf32> to vector<128xf32>
    %broadcast_in_dim3A_1307 = vector.shape_cast %reduce_min3A_1306 : vector<128xf32> to vector<128x1xf32>
    %le3A_1308 = vector.broadcast %broadcast_in_dim3A_1307 : vector<128x1xf32> to vector<128x128xf32>
    %le3A_1309 = arith.cmpf ole, %select_n3A_1304, %le3A_1308 : vector<128x128xf32>
    %jit3A_1310 = arith.constant 3.000000e+07 : f32
    %broadcast_in_dim3A_1311 = vector.broadcast %jit3A_1310 : f32 to vector<128x128xf32>
    %select_n3A_1312 = arith.select %le3A_1309, %convert_element_type3A, %broadcast_in_dim3A_1311 : vector<128x128xi1>, vector<128x128xf32>
    %reduce_min3A_1313 = arith.constant dense<0x7F800000> : vector<128xf32>
    %reduce_min3A_1314 = vector.multi_reduction <minimumf>, %select_n3A_1312, %reduce_min3A_1313 [1] : vector<128x128xf32> to vector<128xf32>
    %broadcast_in_dim3A_1315 = vector.shape_cast %reduce_min3A_1314 : vector<128xf32> to vector<128x1xf32>
    %eq3A_1316 = vector.broadcast %broadcast_in_dim3A_1315 : vector<128x1xf32> to vector<128x128xf32>
    %eq3A_1317 = arith.cmpf oeq, %convert_element_type3A, %eq3A_1316 : vector<128x128xf32>
    %jit3A_1318 = arith.constant 1.000000e+30 : f32
    %broadcast_in_dim3A_1319 = vector.broadcast %jit3A_1318 : f32 to vector<128x128xf32>
    %select_n3A_1320 = arith.select %eq3A_1317, %broadcast_in_dim3A_1319, %select_n3A_1304 : vector<128x128xi1>, vector<128x128xf32>
    %reduce_min3A_1321 = arith.constant dense<0x7F800000> : vector<128xf32>
    %reduce_min3A_1322 = vector.multi_reduction <minimumf>, %select_n3A_1320, %reduce_min3A_1321 [1] : vector<128x128xf32> to vector<128xf32>
    %broadcast_in_dim3A_1323 = vector.shape_cast %reduce_min3A_1322 : vector<128xf32> to vector<128x1xf32>
    %le3A_1324 = vector.broadcast %broadcast_in_dim3A_1323 : vector<128x1xf32> to vector<128x128xf32>
    %le3A_1325 = arith.cmpf ole, %select_n3A_1320, %le3A_1324 : vector<128x128xf32>
    %jit3A_1326 = arith.constant 3.000000e+07 : f32
    %broadcast_in_dim3A_1327 = vector.broadcast %jit3A_1326 : f32 to vector<128x128xf32>
    %select_n3A_1328 = arith.select %le3A_1325, %convert_element_type3A, %broadcast_in_dim3A_1327 : vector<128x128xi1>, vector<128x128xf32>
    %reduce_min3A_1329 = arith.constant dense<0x7F800000> : vector<128xf32>
    %reduce_min3A_1330 = vector.multi_reduction <minimumf>, %select_n3A_1328, %reduce_min3A_1329 [1] : vector<128x128xf32> to vector<128xf32>
    %broadcast_in_dim3A_1331 = vector.shape_cast %reduce_min3A_1330 : vector<128xf32> to vector<128x1xf32>
    %eq3A_1332 = vector.broadcast %broadcast_in_dim3A_1331 : vector<128x1xf32> to vector<128x128xf32>
    %eq3A_1333 = arith.cmpf oeq, %convert_element_type3A, %eq3A_1332 : vector<128x128xf32>
    %jit3A_1334 = arith.constant 1.000000e+30 : f32
    %broadcast_in_dim3A_1335 = vector.broadcast %jit3A_1334 : f32 to vector<128x128xf32>
    %select_n3A_1336 = arith.select %eq3A_1333, %broadcast_in_dim3A_1335, %select_n3A_1320 : vector<128x128xi1>, vector<128x128xf32>
    %reduce_min3A_1337 = arith.constant dense<0x7F800000> : vector<128xf32>
    %reduce_min3A_1338 = vector.multi_reduction <minimumf>, %select_n3A_1336, %reduce_min3A_1337 [1] : vector<128x128xf32> to vector<128xf32>
    %broadcast_in_dim3A_1339 = vector.shape_cast %reduce_min3A_1338 : vector<128xf32> to vector<128x1xf32>
    %le3A_1340 = vector.broadcast %broadcast_in_dim3A_1339 : vector<128x1xf32> to vector<128x128xf32>
    %le3A_1341 = arith.cmpf ole, %select_n3A_1336, %le3A_1340 : vector<128x128xf32>
    %jit3A_1342 = arith.constant 3.000000e+07 : f32
    %broadcast_in_dim3A_1343 = vector.broadcast %jit3A_1342 : f32 to vector<128x128xf32>
    %select_n3A_1344 = arith.select %le3A_1341, %convert_element_type3A, %broadcast_in_dim3A_1343 : vector<128x128xi1>, vector<128x128xf32>
    %reduce_min3A_1345 = arith.constant dense<0x7F800000> : vector<128xf32>
    %reduce_min3A_1346 = vector.multi_reduction <minimumf>, %select_n3A_1344, %reduce_min3A_1345 [1] : vector<128x128xf32> to vector<128xf32>
    %broadcast_in_dim3A_1347 = vector.shape_cast %reduce_min3A_1346 : vector<128xf32> to vector<128x1xf32>
    %eq3A_1348 = vector.broadcast %broadcast_in_dim3A_1347 : vector<128x1xf32> to vector<128x128xf32>
    %eq3A_1349 = arith.cmpf oeq, %convert_element_type3A, %eq3A_1348 : vector<128x128xf32>
    %jit3A_1350 = arith.constant 1.000000e+30 : f32
    %broadcast_in_dim3A_1351 = vector.broadcast %jit3A_1350 : f32 to vector<128x128xf32>
    %select_n3A_1352 = arith.select %eq3A_1349, %broadcast_in_dim3A_1351, %select_n3A_1336 : vector<128x128xi1>, vector<128x128xf32>
    %reduce_min3A_1353 = arith.constant dense<0x7F800000> : vector<128xf32>
    %reduce_min3A_1354 = vector.multi_reduction <minimumf>, %select_n3A_1352, %reduce_min3A_1353 [1] : vector<128x128xf32> to vector<128xf32>
    %broadcast_in_dim3A_1355 = vector.shape_cast %reduce_min3A_1354 : vector<128xf32> to vector<128x1xf32>
    %le3A_1356 = vector.broadcast %broadcast_in_dim3A_1355 : vector<128x1xf32> to vector<128x128xf32>
    %le3A_1357 = arith.cmpf ole, %select_n3A_1352, %le3A_1356 : vector<128x128xf32>
    %jit3A_1358 = arith.constant 3.000000e+07 : f32
    %broadcast_in_dim3A_1359 = vector.broadcast %jit3A_1358 : f32 to vector<128x128xf32>
    %select_n3A_1360 = arith.select %le3A_1357, %convert_element_type3A, %broadcast_in_dim3A_1359 : vector<128x128xi1>, vector<128x128xf32>
    %reduce_min3A_1361 = arith.constant dense<0x7F800000> : vector<128xf32>
    %reduce_min3A_1362 = vector.multi_reduction <minimumf>, %select_n3A_1360, %reduce_min3A_1361 [1] : vector<128x128xf32> to vector<128xf32>
    %broadcast_in_dim3A_1363 = vector.shape_cast %reduce_min3A_1362 : vector<128xf32> to vector<128x1xf32>
    %eq3A_1364 = vector.broadcast %broadcast_in_dim3A_1363 : vector<128x1xf32> to vector<128x128xf32>
    %eq3A_1365 = arith.cmpf oeq, %convert_element_type3A, %eq3A_1364 : vector<128x128xf32>
    %jit3A_1366 = arith.constant 1.000000e+30 : f32
    %broadcast_in_dim3A_1367 = vector.broadcast %jit3A_1366 : f32 to vector<128x128xf32>
    %select_n3A_1368 = arith.select %eq3A_1365, %broadcast_in_dim3A_1367, %select_n3A_1352 : vector<128x128xi1>, vector<128x128xf32>
    %reduce_min3A_1369 = arith.constant dense<0x7F800000> : vector<128xf32>
    %reduce_min3A_1370 = vector.multi_reduction <minimumf>, %select_n3A_1368, %reduce_min3A_1369 [1] : vector<128x128xf32> to vector<128xf32>
    %broadcast_in_dim3A_1371 = vector.shape_cast %reduce_min3A_1370 : vector<128xf32> to vector<128x1xf32>
    %le3A_1372 = vector.broadcast %broadcast_in_dim3A_1371 : vector<128x1xf32> to vector<128x128xf32>
    %le3A_1373 = arith.cmpf ole, %select_n3A_1368, %le3A_1372 : vector<128x128xf32>
    %jit3A_1374 = arith.constant 3.000000e+07 : f32
    %broadcast_in_dim3A_1375 = vector.broadcast %jit3A_1374 : f32 to vector<128x128xf32>
    %select_n3A_1376 = arith.select %le3A_1373, %convert_element_type3A, %broadcast_in_dim3A_1375 : vector<128x128xi1>, vector<128x128xf32>
    %reduce_min3A_1377 = arith.constant dense<0x7F800000> : vector<128xf32>
    %reduce_min3A_1378 = vector.multi_reduction <minimumf>, %select_n3A_1376, %reduce_min3A_1377 [1] : vector<128x128xf32> to vector<128xf32>
    %broadcast_in_dim3A_1379 = vector.shape_cast %reduce_min3A_1378 : vector<128xf32> to vector<128x1xf32>
    %eq3A_1380 = vector.broadcast %broadcast_in_dim3A_1379 : vector<128x1xf32> to vector<128x128xf32>
    %eq3A_1381 = arith.cmpf oeq, %convert_element_type3A, %eq3A_1380 : vector<128x128xf32>
    %jit3A_1382 = arith.constant 1.000000e+30 : f32
    %broadcast_in_dim3A_1383 = vector.broadcast %jit3A_1382 : f32 to vector<128x128xf32>
    %select_n3A_1384 = arith.select %eq3A_1381, %broadcast_in_dim3A_1383, %select_n3A_1368 : vector<128x128xi1>, vector<128x128xf32>
    %reduce_min3A_1385 = arith.constant dense<0x7F800000> : vector<128xf32>
    %reduce_min3A_1386 = vector.multi_reduction <minimumf>, %select_n3A_1384, %reduce_min3A_1385 [1] : vector<128x128xf32> to vector<128xf32>
    %broadcast_in_dim3A_1387 = vector.shape_cast %reduce_min3A_1386 : vector<128xf32> to vector<128x1xf32>
    %le3A_1388 = vector.broadcast %broadcast_in_dim3A_1387 : vector<128x1xf32> to vector<128x128xf32>
    %le3A_1389 = arith.cmpf ole, %select_n3A_1384, %le3A_1388 : vector<128x128xf32>
    %jit3A_1390 = arith.constant 3.000000e+07 : f32
    %broadcast_in_dim3A_1391 = vector.broadcast %jit3A_1390 : f32 to vector<128x128xf32>
    %select_n3A_1392 = arith.select %le3A_1389, %convert_element_type3A, %broadcast_in_dim3A_1391 : vector<128x128xi1>, vector<128x128xf32>
    %reduce_min3A_1393 = arith.constant dense<0x7F800000> : vector<128xf32>
    %reduce_min3A_1394 = vector.multi_reduction <minimumf>, %select_n3A_1392, %reduce_min3A_1393 [1] : vector<128x128xf32> to vector<128xf32>
    %broadcast_in_dim3A_1395 = vector.shape_cast %reduce_min3A_1394 : vector<128xf32> to vector<128x1xf32>
    %eq3A_1396 = vector.broadcast %broadcast_in_dim3A_1395 : vector<128x1xf32> to vector<128x128xf32>
    %eq3A_1397 = arith.cmpf oeq, %convert_element_type3A, %eq3A_1396 : vector<128x128xf32>
    %jit3A_1398 = arith.constant 1.000000e+30 : f32
    %broadcast_in_dim3A_1399 = vector.broadcast %jit3A_1398 : f32 to vector<128x128xf32>
    %select_n3A_1400 = arith.select %eq3A_1397, %broadcast_in_dim3A_1399, %select_n3A_1384 : vector<128x128xi1>, vector<128x128xf32>
    %reduce_min3A_1401 = arith.constant dense<0x7F800000> : vector<128xf32>
    %reduce_min3A_1402 = vector.multi_reduction <minimumf>, %select_n3A_1400, %reduce_min3A_1401 [1] : vector<128x128xf32> to vector<128xf32>
    %broadcast_in_dim3A_1403 = vector.shape_cast %reduce_min3A_1402 : vector<128xf32> to vector<128x1xf32>
    %le3A_1404 = vector.broadcast %broadcast_in_dim3A_1403 : vector<128x1xf32> to vector<128x128xf32>
    %le3A_1405 = arith.cmpf ole, %select_n3A_1400, %le3A_1404 : vector<128x128xf32>
    %jit3A_1406 = arith.constant 3.000000e+07 : f32
    %broadcast_in_dim3A_1407 = vector.broadcast %jit3A_1406 : f32 to vector<128x128xf32>
    %select_n3A_1408 = arith.select %le3A_1405, %convert_element_type3A, %broadcast_in_dim3A_1407 : vector<128x128xi1>, vector<128x128xf32>
    %reduce_min3A_1409 = arith.constant dense<0x7F800000> : vector<128xf32>
    %reduce_min3A_1410 = vector.multi_reduction <minimumf>, %select_n3A_1408, %reduce_min3A_1409 [1] : vector<128x128xf32> to vector<128xf32>
    %broadcast_in_dim3A_1411 = vector.shape_cast %reduce_min3A_1410 : vector<128xf32> to vector<128x1xf32>
    %concatenate3A_1412 = tpu.concatenate %broadcast_in_dim3A_1300, %broadcast_in_dim3A_1315, %broadcast_in_dim3A_1331, %broadcast_in_dim3A_1347, %broadcast_in_dim3A_1363, %broadcast_in_dim3A_1379, %broadcast_in_dim3A_1395, %broadcast_in_dim3A_1411 in 1 : vector<128x1xf32>, vector<128x1xf32>, vector<128x1xf32>, vector<128x1xf32>, vector<128x1xf32>, vector<128x1xf32>, vector<128x1xf32>, vector<128x1xf32> -> vector<128x8xf32>
    %convert_element_type3A_1413 = arith.fptosi %concatenate3A_1412 : vector<128x8xf32> to vector<128x8xi32>
    %swap3A_1414 = arith.constant 0 : index
    %swap3A_1415 = arith.constant 0 : index
    %swap3A_1416 = vector.load %arg4[%swap3A_1414, %swap3A_1415] : memref<128x8xi32, #tpu.memory_space<vmem>>, vector<128x8xi32>
    tpu.vector_store %arg4[%swap3A_1414, %swap3A_1415], %convert_element_type3A_1413 {strides = array<i32>} : memref<128x8xi32, #tpu.memory_space<vmem>>, vector<128x8xi32>,
    return
  }
  func.func @transform_0(%arg0: i32) -> (i32, i32) {
    %c0_i32 = arith.constant 0 : i32
    %c0_i32_0 = arith.constant 0 : i32
    return %arg0, %c0_i32 : i32, i32
  }
  func.func @transform_1(%arg0: i32) -> (i32, i32) {
    %c0_i32 = arith.constant 0 : i32
    %c0_i32_0 = arith.constant 0 : i32
    %c0_i32_1 = arith.constant 0 : i32
    return %c0_i32, %c0_i32_0 : i32, i32
  }
  func.func @transform_2(%arg0: i32) -> (i32, i32, i32) {
    %c0_i32 = arith.constant 0 : i32
    %c0_i32_0 = arith.constant 0 : i32
    %c0_i32_1 = arith.constant 0 : i32
    return %c0_i32, %arg0, %c0_i32_0 : i32, i32, i32
  }
  func.func @transform_3(%arg0: i32) -> (i32, i32) {
    %c0_i32 = arith.constant 0 : i32
    %c0_i32_0 = arith.constant 0 : i32
    return %arg0, %c0_i32 : i32, i32
  }
}

module attributes {stable_mosaic.version = 14 : i64} {
  func.func @_knn_a2_body(%arg0: i32, %arg1: memref<128x8x128xf32, #tpu.memory_space<vmem>>, %arg2: memref<128x8xi32, #tpu.memory_space<vmem>>, %arg3: memref<128x8xi32, #tpu.memory_space<vmem>>, %arg4: memref<128x8xf32, #tpu.memory_space<vmem>>) attributes {dimension_semantics = [#tpu.dimension_semantics<arbitrary>], iteration_bounds = array<i64: 32>, scalar_prefetch = 0 : i64, scratch_operands = 0 : i64, tpu.core_type = #tpu.core_type<tc>, window_params = [{transform_indices = @transform_0, window_bounds = array<i64: 128, 8, 128>}, {transform_indices = @transform_1, window_bounds = array<i64: 128, 8>}, {transform_indices = @transform_2, window_bounds = array<i64: 128, 8>}, {transform_indices = @transform_3, window_bounds = array<i64: 128, 8>}]} {
    %get3A = arith.constant 0 : index
    %get3A_0 = arith.constant 0 : index
    %get3A_1 = arith.constant 0 : index
    %get3A_2 = vector.load %arg1[%get3A, %get3A_0, %get3A_1] : memref<128x8x128xf32, #tpu.memory_space<vmem>>, vector<128x8x128xf32>
    %reshape3A = vector.shape_cast %get3A_2 : vector<128x8x128xf32> to vector<128x1024xf32>
    %get3A_3 = arith.constant 0 : index
    %get3A_4 = arith.constant 0 : index
    %get3A_5 = vector.load %arg2[%get3A_3, %get3A_4] : memref<128x8xi32, #tpu.memory_space<vmem>>, vector<128x8xi32>
    %convert_element_type3A = arith.sitofp %get3A_5 : vector<128x8xi32> to vector<128x8xf32>
    %broadcast_in_dim3A = vector.shape_cast %convert_element_type3A : vector<128x8xf32> to vector<128x8x1xf32>
    %broadcast_in_dim3A_6 = vector.shape_cast %broadcast_in_dim3A : vector<128x8x1xf32> to vector<128x8x1xf32>
    %broadcast_in_dim3A_7 = vector.broadcast %broadcast_in_dim3A_6 : vector<128x8x1xf32> to vector<128x8x128xf32>
    %reshape3A_8 = vector.shape_cast %broadcast_in_dim3A_7 : vector<128x8x128xf32> to vector<128x1024xf32>
    %iota3A = tpu.iota {dimensions = array<i32: 1>} : vector<128x1024xi32>
    %and3A = arith.constant 127 : i32
    %and3A_9 = vector.broadcast %and3A : i32 to vector<128x1024xi32>
    %and3A_10 = arith.andi %iota3A, %and3A_9 : vector<128x1024xi32>
    %convert_element_type3A_11 = arith.sitofp %and3A_10 : vector<128x1024xi32> to vector<128x1024xf32>
    %mul3A = arith.constant 1.280000e+02 : f32
    %mul3A_12 = vector.broadcast %mul3A : f32 to vector<128x1024xf32>
    %mul3A_13 = arith.mulf %reshape3A_8, %mul3A_12 : vector<128x1024xf32>
    %add3A = arith.addf %mul3A_13, %convert_element_type3A_11 : vector<128x1024xf32>
    %reduce_min3A = arith.constant dense<0x7F800000> : vector<128xf32>
    %reduce_min3A_14 = vector.multi_reduction <minimumf>, %reshape3A, %reduce_min3A [1] : vector<128x1024xf32> to vector<128xf32>
    %broadcast_in_dim3A_15 = vector.shape_cast %reduce_min3A_14 : vector<128xf32> to vector<128x1xf32>
    %le3A = vector.broadcast %broadcast_in_dim3A_15 : vector<128x1xf32> to vector<128x1024xf32>
    %le3A_16 = arith.cmpf ole, %reshape3A, %le3A : vector<128x1024xf32>
    %jit3A = arith.constant 3.000000e+07 : f32
    %broadcast_in_dim3A_17 = vector.broadcast %jit3A : f32 to vector<128x1024xf32>
    %select_n3A = arith.select %le3A_16, %add3A, %broadcast_in_dim3A_17 : vector<128x1024xi1>, vector<128x1024xf32>
    %reduce_min3A_18 = arith.constant dense<0x7F800000> : vector<128xf32>
    %reduce_min3A_19 = vector.multi_reduction <minimumf>, %select_n3A, %reduce_min3A_18 [1] : vector<128x1024xf32> to vector<128xf32>
    %broadcast_in_dim3A_20 = vector.shape_cast %reduce_min3A_19 : vector<128xf32> to vector<128x1xf32>
    %eq3A = vector.broadcast %broadcast_in_dim3A_20 : vector<128x1xf32> to vector<128x1024xf32>
    %eq3A_21 = arith.cmpf oeq, %add3A, %eq3A : vector<128x1024xf32>
    %jit3A_22 = arith.constant 1.000000e+30 : f32
    %broadcast_in_dim3A_23 = vector.broadcast %jit3A_22 : f32 to vector<128x1024xf32>
    %select_n3A_24 = arith.select %eq3A_21, %broadcast_in_dim3A_23, %reshape3A : vector<128x1024xi1>, vector<128x1024xf32>
    %reduce_min3A_25 = arith.constant dense<0x7F800000> : vector<128xf32>
    %reduce_min3A_26 = vector.multi_reduction <minimumf>, %select_n3A_24, %reduce_min3A_25 [1] : vector<128x1024xf32> to vector<128xf32>
    %broadcast_in_dim3A_27 = vector.shape_cast %reduce_min3A_26 : vector<128xf32> to vector<128x1xf32>
    %le3A_28 = vector.broadcast %broadcast_in_dim3A_27 : vector<128x1xf32> to vector<128x1024xf32>
    %le3A_29 = arith.cmpf ole, %select_n3A_24, %le3A_28 : vector<128x1024xf32>
    %jit3A_30 = arith.constant 3.000000e+07 : f32
    %broadcast_in_dim3A_31 = vector.broadcast %jit3A_30 : f32 to vector<128x1024xf32>
    %select_n3A_32 = arith.select %le3A_29, %add3A, %broadcast_in_dim3A_31 : vector<128x1024xi1>, vector<128x1024xf32>
    %reduce_min3A_33 = arith.constant dense<0x7F800000> : vector<128xf32>
    %reduce_min3A_34 = vector.multi_reduction <minimumf>, %select_n3A_32, %reduce_min3A_33 [1] : vector<128x1024xf32> to vector<128xf32>
    %broadcast_in_dim3A_35 = vector.shape_cast %reduce_min3A_34 : vector<128xf32> to vector<128x1xf32>
    %eq3A_36 = vector.broadcast %broadcast_in_dim3A_35 : vector<128x1xf32> to vector<128x1024xf32>
    %eq3A_37 = arith.cmpf oeq, %add3A, %eq3A_36 : vector<128x1024xf32>
    %jit3A_38 = arith.constant 1.000000e+30 : f32
    %broadcast_in_dim3A_39 = vector.broadcast %jit3A_38 : f32 to vector<128x1024xf32>
    %select_n3A_40 = arith.select %eq3A_37, %broadcast_in_dim3A_39, %select_n3A_24 : vector<128x1024xi1>, vector<128x1024xf32>
    %reduce_min3A_41 = arith.constant dense<0x7F800000> : vector<128xf32>
    %reduce_min3A_42 = vector.multi_reduction <minimumf>, %select_n3A_40, %reduce_min3A_41 [1] : vector<128x1024xf32> to vector<128xf32>
    %broadcast_in_dim3A_43 = vector.shape_cast %reduce_min3A_42 : vector<128xf32> to vector<128x1xf32>
    %le3A_44 = vector.broadcast %broadcast_in_dim3A_43 : vector<128x1xf32> to vector<128x1024xf32>
    %le3A_45 = arith.cmpf ole, %select_n3A_40, %le3A_44 : vector<128x1024xf32>
    %jit3A_46 = arith.constant 3.000000e+07 : f32
    %broadcast_in_dim3A_47 = vector.broadcast %jit3A_46 : f32 to vector<128x1024xf32>
    %select_n3A_48 = arith.select %le3A_45, %add3A, %broadcast_in_dim3A_47 : vector<128x1024xi1>, vector<128x1024xf32>
    %reduce_min3A_49 = arith.constant dense<0x7F800000> : vector<128xf32>
    %reduce_min3A_50 = vector.multi_reduction <minimumf>, %select_n3A_48, %reduce_min3A_49 [1] : vector<128x1024xf32> to vector<128xf32>
    %broadcast_in_dim3A_51 = vector.shape_cast %reduce_min3A_50 : vector<128xf32> to vector<128x1xf32>
    %eq3A_52 = vector.broadcast %broadcast_in_dim3A_51 : vector<128x1xf32> to vector<128x1024xf32>
    %eq3A_53 = arith.cmpf oeq, %add3A, %eq3A_52 : vector<128x1024xf32>
    %jit3A_54 = arith.constant 1.000000e+30 : f32
    %broadcast_in_dim3A_55 = vector.broadcast %jit3A_54 : f32 to vector<128x1024xf32>
    %select_n3A_56 = arith.select %eq3A_53, %broadcast_in_dim3A_55, %select_n3A_40 : vector<128x1024xi1>, vector<128x1024xf32>
    %reduce_min3A_57 = arith.constant dense<0x7F800000> : vector<128xf32>
    %reduce_min3A_58 = vector.multi_reduction <minimumf>, %select_n3A_56, %reduce_min3A_57 [1] : vector<128x1024xf32> to vector<128xf32>
    %broadcast_in_dim3A_59 = vector.shape_cast %reduce_min3A_58 : vector<128xf32> to vector<128x1xf32>
    %le3A_60 = vector.broadcast %broadcast_in_dim3A_59 : vector<128x1xf32> to vector<128x1024xf32>
    %le3A_61 = arith.cmpf ole, %select_n3A_56, %le3A_60 : vector<128x1024xf32>
    %jit3A_62 = arith.constant 3.000000e+07 : f32
    %broadcast_in_dim3A_63 = vector.broadcast %jit3A_62 : f32 to vector<128x1024xf32>
    %select_n3A_64 = arith.select %le3A_61, %add3A, %broadcast_in_dim3A_63 : vector<128x1024xi1>, vector<128x1024xf32>
    %reduce_min3A_65 = arith.constant dense<0x7F800000> : vector<128xf32>
    %reduce_min3A_66 = vector.multi_reduction <minimumf>, %select_n3A_64, %reduce_min3A_65 [1] : vector<128x1024xf32> to vector<128xf32>
    %broadcast_in_dim3A_67 = vector.shape_cast %reduce_min3A_66 : vector<128xf32> to vector<128x1xf32>
    %eq3A_68 = vector.broadcast %broadcast_in_dim3A_67 : vector<128x1xf32> to vector<128x1024xf32>
    %eq3A_69 = arith.cmpf oeq, %add3A, %eq3A_68 : vector<128x1024xf32>
    %jit3A_70 = arith.constant 1.000000e+30 : f32
    %broadcast_in_dim3A_71 = vector.broadcast %jit3A_70 : f32 to vector<128x1024xf32>
    %select_n3A_72 = arith.select %eq3A_69, %broadcast_in_dim3A_71, %select_n3A_56 : vector<128x1024xi1>, vector<128x1024xf32>
    %reduce_min3A_73 = arith.constant dense<0x7F800000> : vector<128xf32>
    %reduce_min3A_74 = vector.multi_reduction <minimumf>, %select_n3A_72, %reduce_min3A_73 [1] : vector<128x1024xf32> to vector<128xf32>
    %broadcast_in_dim3A_75 = vector.shape_cast %reduce_min3A_74 : vector<128xf32> to vector<128x1xf32>
    %le3A_76 = vector.broadcast %broadcast_in_dim3A_75 : vector<128x1xf32> to vector<128x1024xf32>
    %le3A_77 = arith.cmpf ole, %select_n3A_72, %le3A_76 : vector<128x1024xf32>
    %jit3A_78 = arith.constant 3.000000e+07 : f32
    %broadcast_in_dim3A_79 = vector.broadcast %jit3A_78 : f32 to vector<128x1024xf32>
    %select_n3A_80 = arith.select %le3A_77, %add3A, %broadcast_in_dim3A_79 : vector<128x1024xi1>, vector<128x1024xf32>
    %reduce_min3A_81 = arith.constant dense<0x7F800000> : vector<128xf32>
    %reduce_min3A_82 = vector.multi_reduction <minimumf>, %select_n3A_80, %reduce_min3A_81 [1] : vector<128x1024xf32> to vector<128xf32>
    %broadcast_in_dim3A_83 = vector.shape_cast %reduce_min3A_82 : vector<128xf32> to vector<128x1xf32>
    %eq3A_84 = vector.broadcast %broadcast_in_dim3A_83 : vector<128x1xf32> to vector<128x1024xf32>
    %eq3A_85 = arith.cmpf oeq, %add3A, %eq3A_84 : vector<128x1024xf32>
    %jit3A_86 = arith.constant 1.000000e+30 : f32
    %broadcast_in_dim3A_87 = vector.broadcast %jit3A_86 : f32 to vector<128x1024xf32>
    %select_n3A_88 = arith.select %eq3A_85, %broadcast_in_dim3A_87, %select_n3A_72 : vector<128x1024xi1>, vector<128x1024xf32>
    %reduce_min3A_89 = arith.constant dense<0x7F800000> : vector<128xf32>
    %reduce_min3A_90 = vector.multi_reduction <minimumf>, %select_n3A_88, %reduce_min3A_89 [1] : vector<128x1024xf32> to vector<128xf32>
    %broadcast_in_dim3A_91 = vector.shape_cast %reduce_min3A_90 : vector<128xf32> to vector<128x1xf32>
    %le3A_92 = vector.broadcast %broadcast_in_dim3A_91 : vector<128x1xf32> to vector<128x1024xf32>
    %le3A_93 = arith.cmpf ole, %select_n3A_88, %le3A_92 : vector<128x1024xf32>
    %jit3A_94 = arith.constant 3.000000e+07 : f32
    %broadcast_in_dim3A_95 = vector.broadcast %jit3A_94 : f32 to vector<128x1024xf32>
    %select_n3A_96 = arith.select %le3A_93, %add3A, %broadcast_in_dim3A_95 : vector<128x1024xi1>, vector<128x1024xf32>
    %reduce_min3A_97 = arith.constant dense<0x7F800000> : vector<128xf32>
    %reduce_min3A_98 = vector.multi_reduction <minimumf>, %select_n3A_96, %reduce_min3A_97 [1] : vector<128x1024xf32> to vector<128xf32>
    %broadcast_in_dim3A_99 = vector.shape_cast %reduce_min3A_98 : vector<128xf32> to vector<128x1xf32>
    %eq3A_100 = vector.broadcast %broadcast_in_dim3A_99 : vector<128x1xf32> to vector<128x1024xf32>
    %eq3A_101 = arith.cmpf oeq, %add3A, %eq3A_100 : vector<128x1024xf32>
    %jit3A_102 = arith.constant 1.000000e+30 : f32
    %broadcast_in_dim3A_103 = vector.broadcast %jit3A_102 : f32 to vector<128x1024xf32>
    %select_n3A_104 = arith.select %eq3A_101, %broadcast_in_dim3A_103, %select_n3A_88 : vector<128x1024xi1>, vector<128x1024xf32>
    %reduce_min3A_105 = arith.constant dense<0x7F800000> : vector<128xf32>
    %reduce_min3A_106 = vector.multi_reduction <minimumf>, %select_n3A_104, %reduce_min3A_105 [1] : vector<128x1024xf32> to vector<128xf32>
    %broadcast_in_dim3A_107 = vector.shape_cast %reduce_min3A_106 : vector<128xf32> to vector<128x1xf32>
    %le3A_108 = vector.broadcast %broadcast_in_dim3A_107 : vector<128x1xf32> to vector<128x1024xf32>
    %le3A_109 = arith.cmpf ole, %select_n3A_104, %le3A_108 : vector<128x1024xf32>
    %jit3A_110 = arith.constant 3.000000e+07 : f32
    %broadcast_in_dim3A_111 = vector.broadcast %jit3A_110 : f32 to vector<128x1024xf32>
    %select_n3A_112 = arith.select %le3A_109, %add3A, %broadcast_in_dim3A_111 : vector<128x1024xi1>, vector<128x1024xf32>
    %reduce_min3A_113 = arith.constant dense<0x7F800000> : vector<128xf32>
    %reduce_min3A_114 = vector.multi_reduction <minimumf>, %select_n3A_112, %reduce_min3A_113 [1] : vector<128x1024xf32> to vector<128xf32>
    %broadcast_in_dim3A_115 = vector.shape_cast %reduce_min3A_114 : vector<128xf32> to vector<128x1xf32>
    %eq3A_116 = vector.broadcast %broadcast_in_dim3A_115 : vector<128x1xf32> to vector<128x1024xf32>
    %eq3A_117 = arith.cmpf oeq, %add3A, %eq3A_116 : vector<128x1024xf32>
    %jit3A_118 = arith.constant 1.000000e+30 : f32
    %broadcast_in_dim3A_119 = vector.broadcast %jit3A_118 : f32 to vector<128x1024xf32>
    %select_n3A_120 = arith.select %eq3A_117, %broadcast_in_dim3A_119, %select_n3A_104 : vector<128x1024xi1>, vector<128x1024xf32>
    %reduce_min3A_121 = arith.constant dense<0x7F800000> : vector<128xf32>
    %reduce_min3A_122 = vector.multi_reduction <minimumf>, %select_n3A_120, %reduce_min3A_121 [1] : vector<128x1024xf32> to vector<128xf32>
    %broadcast_in_dim3A_123 = vector.shape_cast %reduce_min3A_122 : vector<128xf32> to vector<128x1xf32>
    %le3A_124 = vector.broadcast %broadcast_in_dim3A_123 : vector<128x1xf32> to vector<128x1024xf32>
    %le3A_125 = arith.cmpf ole, %select_n3A_120, %le3A_124 : vector<128x1024xf32>
    %jit3A_126 = arith.constant 3.000000e+07 : f32
    %broadcast_in_dim3A_127 = vector.broadcast %jit3A_126 : f32 to vector<128x1024xf32>
    %select_n3A_128 = arith.select %le3A_125, %add3A, %broadcast_in_dim3A_127 : vector<128x1024xi1>, vector<128x1024xf32>
    %reduce_min3A_129 = arith.constant dense<0x7F800000> : vector<128xf32>
    %reduce_min3A_130 = vector.multi_reduction <minimumf>, %select_n3A_128, %reduce_min3A_129 [1] : vector<128x1024xf32> to vector<128xf32>
    %broadcast_in_dim3A_131 = vector.shape_cast %reduce_min3A_130 : vector<128xf32> to vector<128x1xf32>
    %concatenate3A = tpu.concatenate %broadcast_in_dim3A_15, %broadcast_in_dim3A_27, %broadcast_in_dim3A_43, %broadcast_in_dim3A_59, %broadcast_in_dim3A_75, %broadcast_in_dim3A_91, %broadcast_in_dim3A_107, %broadcast_in_dim3A_123 in 1 : vector<128x1xf32>, vector<128x1xf32>, vector<128x1xf32>, vector<128x1xf32>, vector<128x1xf32>, vector<128x1xf32>, vector<128x1xf32>, vector<128x1xf32> -> vector<128x8xf32>
    %concatenate3A_132 = tpu.concatenate %broadcast_in_dim3A_20, %broadcast_in_dim3A_35, %broadcast_in_dim3A_51, %broadcast_in_dim3A_67, %broadcast_in_dim3A_83, %broadcast_in_dim3A_99, %broadcast_in_dim3A_115, %broadcast_in_dim3A_131 in 1 : vector<128x1xf32>, vector<128x1xf32>, vector<128x1xf32>, vector<128x1xf32>, vector<128x1xf32>, vector<128x1xf32>, vector<128x1xf32>, vector<128x1xf32> -> vector<128x8xf32>
    %convert_element_type3A_133 = arith.fptosi %concatenate3A_132 : vector<128x8xf32> to vector<128x8xi32>
    %max3A = arith.constant 9.99999996E-13 : f32
    %max3A_134 = vector.broadcast %max3A : f32 to vector<128x8xf32>
    %max3A_135 = arith.maximumf %concatenate3A, %max3A_134 : vector<128x8xf32>
    %sqrt3A = math.sqrt %max3A_135 : vector<128x8xf32>
    %lt3A = arith.constant 1.000000e-01 : f32
    %lt3A_136 = vector.broadcast %lt3A : f32 to vector<128x8xf32>
    %lt3A_137 = arith.cmpf olt, %sqrt3A, %lt3A_136 : vector<128x8xf32>
    %convert_element_type3A_138 = arith.extui %lt3A_137 : vector<128x8xi1> to vector<128x8xi32>
    %convert_element_type3A_139 = arith.sitofp %convert_element_type3A_138 : vector<128x8xi32> to vector<128x8xf32>
    %add3A_140 = arith.constant 9.99999993E-9 : f32
    %add3A_141 = vector.broadcast %add3A_140 : f32 to vector<128x8xf32>
    %add3A_142 = arith.addf %sqrt3A, %add3A_141 : vector<128x8xf32>
    %div3A = arith.divf %convert_element_type3A_139, %add3A_142 : vector<128x8xf32>
    %reduce_sum3A = arith.constant dense<0.000000e+00> : vector<128xf32>
    %reduce_sum3A_143 = vector.multi_reduction <add>, %div3A, %reduce_sum3A [1] : vector<128x8xf32> to vector<128xf32>
    %broadcast_in_dim3A_144 = vector.shape_cast %reduce_sum3A_143 : vector<128xf32> to vector<128x1xf32>
    %add3A_145 = arith.constant 9.99999993E-9 : f32
    %add3A_146 = vector.broadcast %add3A_145 : f32 to vector<128x1xf32>
    %add3A_147 = arith.addf %broadcast_in_dim3A_144, %add3A_146 : vector<128x1xf32>
    %div3A_148 = vector.broadcast %add3A_147 : vector<128x1xf32> to vector<128x8xf32>
    %div3A_149 = arith.divf %div3A, %div3A_148 : vector<128x8xf32>
    %swap3A = arith.constant 0 : index
    %swap3A_150 = arith.constant 0 : index
    %swap3A_151 = vector.load %arg3[%swap3A, %swap3A_150] : memref<128x8xi32, #tpu.memory_space<vmem>>, vector<128x8xi32>
    tpu.vector_store %arg3[%swap3A, %swap3A_150], %convert_element_type3A_133 {strides = array<i32>} : memref<128x8xi32, #tpu.memory_space<vmem>>, vector<128x8xi32>,
    %swap3A_152 = arith.constant 0 : index
    %swap3A_153 = arith.constant 0 : index
    %swap3A_154 = vector.load %arg4[%swap3A_152, %swap3A_153] : memref<128x8xf32, #tpu.memory_space<vmem>>, vector<128x8xf32>
    tpu.vector_store %arg4[%swap3A_152, %swap3A_153], %div3A_149 {strides = array<i32>} : memref<128x8xf32, #tpu.memory_space<vmem>>, vector<128x8xf32>,
    return
  }
  func.func @transform_0(%arg0: i32) -> (i32, i32, i32) {
    %c0_i32 = arith.constant 0 : i32
    %c0_i32_0 = arith.constant 0 : i32
    %c0_i32_1 = arith.constant 0 : i32
    return %arg0, %c0_i32, %c0_i32_0 : i32, i32, i32
  }
  func.func @transform_1(%arg0: i32) -> (i32, i32) {
    %c0_i32 = arith.constant 0 : i32
    %c0_i32_0 = arith.constant 0 : i32
    return %arg0, %c0_i32 : i32, i32
  }
  func.func @transform_2(%arg0: i32) -> (i32, i32) {
    %c0_i32 = arith.constant 0 : i32
    %c0_i32_0 = arith.constant 0 : i32
    return %arg0, %c0_i32 : i32, i32
  }
  func.func @transform_3(%arg0: i32) -> (i32, i32) {
    %c0_i32 = arith.constant 0 : i32
    %c0_i32_0 = arith.constant 0 : i32
    return %arg0, %c0_i32 : i32, i32
  }
}

module attributes {stable_mosaic.version = 14 : i64} {
  func.func @_mlp_body(%arg0: i32, %arg1: memref<128x8x128xf32, #tpu.memory_space<vmem>>, %arg2: memref<128x16xf32, #tpu.memory_space<vmem>>, %arg3: memref<128x8xf32, #tpu.memory_space<vmem>>, %arg4: memref<64x64xf32, #tpu.memory_space<vmem>>, %arg5: memref<16x64xf32, #tpu.memory_space<vmem>>, %arg6: memref<1x64xf32, #tpu.memory_space<vmem>>, %arg7: memref<64x64xf32, #tpu.memory_space<vmem>>, %arg8: memref<1x64xf32, #tpu.memory_space<vmem>>, %arg9: memref<1x64xf32, #tpu.memory_space<vmem>>, %arg10: memref<1x1xf32, #tpu.memory_space<vmem>>, %arg11: memref<64x64xf32, #tpu.memory_space<vmem>>, %arg12: memref<1x64xf32, #tpu.memory_space<vmem>>, %arg13: memref<128x64xf32, #tpu.memory_space<vmem>>) attributes {dimension_semantics = [#tpu.dimension_semantics<arbitrary>], iteration_bounds = array<i64: 32>, scalar_prefetch = 0 : i64, scratch_operands = 0 : i64, tpu.core_type = #tpu.core_type<tc>, window_params = [{transform_indices = @transform_0, window_bounds = array<i64: 128, 8, 128>}, {transform_indices = @transform_1, window_bounds = array<i64: 128, 16>}, {transform_indices = @transform_2, window_bounds = array<i64: 128, 8>}, {pipeline_mode = #tpu.pipeline_mode<synchronous>, transform_indices = @transform_3, window_bounds = array<i64: 64, 64>}, {pipeline_mode = #tpu.pipeline_mode<synchronous>, transform_indices = @transform_4, window_bounds = array<i64: 16, 64>}, {pipeline_mode = #tpu.pipeline_mode<synchronous>, transform_indices = @transform_5, window_bounds = array<i64: 1, 64>}, {pipeline_mode = #tpu.pipeline_mode<synchronous>, transform_indices = @transform_6, window_bounds = array<i64: 64, 64>}, {pipeline_mode = #tpu.pipeline_mode<synchronous>, transform_indices = @transform_7, window_bounds = array<i64: 1, 64>}, {pipeline_mode = #tpu.pipeline_mode<synchronous>, transform_indices = @transform_8, window_bounds = array<i64: 1, 64>}, {pipeline_mode = #tpu.pipeline_mode<synchronous>, transform_indices = @transform_9, window_bounds = array<i64: 1, 1>}, {pipeline_mode = #tpu.pipeline_mode<synchronous>, transform_indices = @transform_10, window_bounds = array<i64: 64, 64>}, {pipeline_mode = #tpu.pipeline_mode<synchronous>, transform_indices = @transform_11, window_bounds = array<i64: 1, 64>}, {transform_indices = @transform_12, window_bounds = array<i64: 128, 64>}]} {
    %get3A = arith.constant 0 : index
    %get3A_0 = arith.constant 0 : index
    %get3A_1 = arith.constant 0 : index
    %get3A_2 = vector.load %arg1[%get3A, %get3A_0, %get3A_1] : memref<128x8x128xf32, #tpu.memory_space<vmem>>, vector<128x8x128xf32>
    %reshape3A = vector.shape_cast %get3A_2 : vector<128x8x128xf32> to vector<1024x128xf32>
    %slice3A = vector.extract_strided_slice %reshape3A {offsets = [0, 0], sizes = [1024, 64], strides = [1, 1]} : vector<1024x128xf32> to vector<1024x64xf32>
    %slice3A_3 = vector.extract_strided_slice %reshape3A {offsets = [0, 64], sizes = [1024, 16], strides = [1, 1]} : vector<1024x128xf32> to vector<1024x16xf32>
    %get3A_4 = arith.constant 0 : index
    %get3A_5 = arith.constant 0 : index
    %get3A_6 = vector.load %arg2[%get3A_4, %get3A_5] : memref<128x16xf32, #tpu.memory_space<vmem>>, vector<128x16xf32>
    %broadcast_in_dim3A = vector.shape_cast %get3A_6 : vector<128x16xf32> to vector<128x1x16xf32>
    %broadcast_in_dim3A_7 = vector.shape_cast %broadcast_in_dim3A : vector<128x1x16xf32> to vector<128x1x16xf32>
    %broadcast_in_dim3A_8 = vector.broadcast %broadcast_in_dim3A_7 : vector<128x1x16xf32> to vector<128x8x16xf32>
    %reshape3A_9 = vector.shape_cast %broadcast_in_dim3A_8 : vector<128x8x16xf32> to vector<1024x16xf32>
    %sub3A = arith.subf %reshape3A_9, %slice3A_3 : vector<1024x16xf32>
    %get3A_10 = arith.constant 0 : index
    %get3A_11 = arith.constant 0 : index
    %get3A_12 = vector.load %arg4[%get3A_10, %get3A_11] : memref<64x64xf32, #tpu.memory_space<vmem>>, vector<64x64xf32>
    %dot_general3A = arith.constant dense<0.000000e+00> : vector<1024x64xf32>
    %dot_general3A_13 = tpu.matmul %slice3A, %get3A_12, %dot_general3A {dimension_numbers = #tpu.dot_dimension_numbers<[1], [0], [0], [1], [0, 0, 1, 1], [], []>, transpose_lhs_hint = false} : vector<1024x64xf32>, vector<64x64xf32>, vector<1024x64xf32> -> vector<1024x64xf32>
    %get3A_14 = arith.constant 0 : index
    %get3A_15 = arith.constant 0 : index
    %get3A_16 = vector.load %arg5[%get3A_14, %get3A_15] : memref<16x64xf32, #tpu.memory_space<vmem>>, vector<16x64xf32>
    %dot_general3A_17 = arith.constant dense<0.000000e+00> : vector<1024x64xf32>
    %dot_general3A_18 = tpu.matmul %sub3A, %get3A_16, %dot_general3A_17 {dimension_numbers = #tpu.dot_dimension_numbers<[1], [0], [0], [1], [0, 0, 1, 1], [], []>, transpose_lhs_hint = false} : vector<1024x16xf32>, vector<16x64xf32>, vector<1024x64xf32> -> vector<1024x64xf32>
    %add3A = arith.addf %dot_general3A_13, %dot_general3A_18 : vector<1024x64xf32>
    %get3A_19 = arith.constant 0 : index
    %get3A_20 = arith.constant 0 : index
    %get3A_21 = vector.load %arg6[%get3A_19, %get3A_20] : memref<1x64xf32, #tpu.memory_space<vmem>>, vector<1x64xf32>
    %add3A_22 = vector.broadcast %get3A_21 : vector<1x64xf32> to vector<1024x64xf32>
    %add3A_23 = arith.addf %add3A, %add3A_22 : vector<1024x64xf32>
    %max3A = arith.constant 0.000000e+00 : f32
    %max3A_24 = vector.broadcast %max3A : f32 to vector<1024x64xf32>
    %max3A_25 = arith.maximumf %add3A_23, %max3A_24 : vector<1024x64xf32>
    %get3A_26 = arith.constant 0 : index
    %get3A_27 = arith.constant 0 : index
    %get3A_28 = vector.load %arg7[%get3A_26, %get3A_27] : memref<64x64xf32, #tpu.memory_space<vmem>>, vector<64x64xf32>
    %dot_general3A_29 = arith.constant dense<0.000000e+00> : vector<1024x64xf32>
    %dot_general3A_30 = tpu.matmul %max3A_25, %get3A_28, %dot_general3A_29 {dimension_numbers = #tpu.dot_dimension_numbers<[1], [0], [0], [1], [0, 0, 1, 1], [], []>, transpose_lhs_hint = false} : vector<1024x64xf32>, vector<64x64xf32>, vector<1024x64xf32> -> vector<1024x64xf32>
    %get3A_31 = arith.constant 0 : index
    %get3A_32 = arith.constant 0 : index
    %get3A_33 = vector.load %arg8[%get3A_31, %get3A_32] : memref<1x64xf32, #tpu.memory_space<vmem>>, vector<1x64xf32>
    %add3A_34 = vector.broadcast %get3A_33 : vector<1x64xf32> to vector<1024x64xf32>
    %add3A_35 = arith.addf %dot_general3A_30, %add3A_34 : vector<1024x64xf32>
    %max3A_36 = arith.constant 0.000000e+00 : f32
    %max3A_37 = vector.broadcast %max3A_36 : f32 to vector<1024x64xf32>
    %max3A_38 = arith.maximumf %add3A_35, %max3A_37 : vector<1024x64xf32>
    %get3A_39 = arith.constant 0 : index
    %get3A_40 = arith.constant 0 : index
    %get3A_41 = vector.load %arg9[%get3A_39, %get3A_40] : memref<1x64xf32, #tpu.memory_space<vmem>>, vector<1x64xf32>
    %mul3A = vector.broadcast %get3A_41 : vector<1x64xf32> to vector<1024x64xf32>
    %mul3A_42 = arith.mulf %max3A_38, %mul3A : vector<1024x64xf32>
    %reduce_sum3A = arith.constant dense<0.000000e+00> : vector<1024xf32>
    %reduce_sum3A_43 = vector.multi_reduction <add>, %mul3A_42, %reduce_sum3A [1] : vector<1024x64xf32> to vector<1024xf32>
    %broadcast_in_dim3A_44 = vector.shape_cast %reduce_sum3A_43 : vector<1024xf32> to vector<1024x1xf32>
    %get3A_45 = arith.constant 0 : index
    %get3A_46 = arith.constant 0 : index
    %get3A_47 = vector.load %arg10[%get3A_45, %get3A_46] : memref<1x1xf32, #tpu.memory_space<vmem>>, vector<1x1xf32>
    %add3A_48 = vector.broadcast %get3A_47 : vector<1x1xf32> to vector<1024x1xf32>
    %add3A_49 = arith.addf %broadcast_in_dim3A_44, %add3A_48 : vector<1024x1xf32>
    %logistic3A = arith.negf %add3A_49 : vector<1024x1xf32>
    %logistic3A_50 = math.exp %logistic3A : vector<1024x1xf32>
    %logistic3A_51 = arith.constant 1.000000e+00 : f32
    %logistic3A_52 = vector.broadcast %logistic3A_51 : f32 to vector<1024x1xf32>
    %logistic3A_53 = arith.addf %logistic3A_52, %logistic3A_50 : vector<1024x1xf32>
    %logistic3A_54 = arith.divf %logistic3A_52, %logistic3A_53 : vector<1024x1xf32>
    %get3A_55 = arith.constant 0 : index
    %get3A_56 = arith.constant 0 : index
    %get3A_57 = vector.load %arg11[%get3A_55, %get3A_56] : memref<64x64xf32, #tpu.memory_space<vmem>>, vector<64x64xf32>
    %dot_general3A_58 = arith.constant dense<0.000000e+00> : vector<1024x64xf32>
    %dot_general3A_59 = tpu.matmul %max3A_38, %get3A_57, %dot_general3A_58 {dimension_numbers = #tpu.dot_dimension_numbers<[1], [0], [0], [1], [0, 0, 1, 1], [], []>, transpose_lhs_hint = false} : vector<1024x64xf32>, vector<64x64xf32>, vector<1024x64xf32> -> vector<1024x64xf32>
    %get3A_60 = arith.constant 0 : index
    %get3A_61 = arith.constant 0 : index
    %get3A_62 = vector.load %arg12[%get3A_60, %get3A_61] : memref<1x64xf32, #tpu.memory_space<vmem>>, vector<1x64xf32>
    %add3A_63 = vector.broadcast %get3A_62 : vector<1x64xf32> to vector<1024x64xf32>
    %add3A_64 = arith.addf %dot_general3A_59, %add3A_63 : vector<1024x64xf32>
    %reshape3A_65 = vector.shape_cast %logistic3A_54 : vector<1024x1xf32> to vector<128x8x1xf32>
    %get3A_66 = arith.constant 0 : index
    %get3A_67 = arith.constant 0 : index
    %get3A_68 = vector.load %arg3[%get3A_66, %get3A_67] : memref<128x8xf32, #tpu.memory_space<vmem>>, vector<128x8xf32>
    %broadcast_in_dim3A_69 = vector.shape_cast %get3A_68 : vector<128x8xf32> to vector<128x8x1xf32>
    %mul3A_70 = arith.mulf %reshape3A_65, %broadcast_in_dim3A_69 : vector<128x8x1xf32>
    %reshape3A_71 = vector.shape_cast %add3A_64 : vector<1024x64xf32> to vector<128x8x64xf32>
    %mul3A_72 = vector.broadcast %mul3A_70 : vector<128x8x1xf32> to vector<128x8x64xf32>
    %mul3A_73 = arith.mulf %reshape3A_71, %mul3A_72 : vector<128x8x64xf32>
    %reduce_sum3A_74 = arith.constant dense<0.000000e+00> : vector<128x64xf32>
    %reduce_sum3A_75 = vector.multi_reduction <add>, %mul3A_73, %reduce_sum3A_74 [1] : vector<128x8x64xf32> to vector<128x64xf32>
    %swap3A = arith.constant 0 : index
    %swap3A_76 = arith.constant 0 : index
    %swap3A_77 = vector.load %arg13[%swap3A, %swap3A_76] : memref<128x64xf32, #tpu.memory_space<vmem>>, vector<128x64xf32>
    tpu.vector_store %arg13[%swap3A, %swap3A_76], %reduce_sum3A_75 {strides = array<i32>} : memref<128x64xf32, #tpu.memory_space<vmem>>, vector<128x64xf32>,
    return
  }
  func.func @transform_0(%arg0: i32) -> (i32, i32, i32) {
    %c0_i32 = arith.constant 0 : i32
    %c0_i32_0 = arith.constant 0 : i32
    %c0_i32_1 = arith.constant 0 : i32
    return %arg0, %c0_i32, %c0_i32_0 : i32, i32, i32
  }
  func.func @transform_1(%arg0: i32) -> (i32, i32) {
    %c0_i32 = arith.constant 0 : i32
    %c0_i32_0 = arith.constant 0 : i32
    return %arg0, %c0_i32 : i32, i32
  }
  func.func @transform_2(%arg0: i32) -> (i32, i32) {
    %c0_i32 = arith.constant 0 : i32
    %c0_i32_0 = arith.constant 0 : i32
    return %arg0, %c0_i32 : i32, i32
  }
  func.func @transform_3(%arg0: i32) -> (i32, i32) {
    %c0_i32 = arith.constant 0 : i32
    %c0_i32_0 = arith.constant 0 : i32
    %c0_i32_1 = arith.constant 0 : i32
    return %c0_i32, %c0_i32_0 : i32, i32
  }
  func.func @transform_4(%arg0: i32) -> (i32, i32) {
    %c0_i32 = arith.constant 0 : i32
    %c0_i32_0 = arith.constant 0 : i32
    %c0_i32_1 = arith.constant 0 : i32
    return %c0_i32, %c0_i32_0 : i32, i32
  }
  func.func @transform_5(%arg0: i32) -> (i32, i32) {
    %c0_i32 = arith.constant 0 : i32
    %c0_i32_0 = arith.constant 0 : i32
    %c0_i32_1 = arith.constant 0 : i32
    return %c0_i32, %c0_i32_0 : i32, i32
  }
  func.func @transform_6(%arg0: i32) -> (i32, i32) {
    %c0_i32 = arith.constant 0 : i32
    %c0_i32_0 = arith.constant 0 : i32
    %c0_i32_1 = arith.constant 0 : i32
    return %c0_i32, %c0_i32_0 : i32, i32
  }
  func.func @transform_7(%arg0: i32) -> (i32, i32) {
    %c0_i32 = arith.constant 0 : i32
    %c0_i32_0 = arith.constant 0 : i32
    %c0_i32_1 = arith.constant 0 : i32
    return %c0_i32, %c0_i32_0 : i32, i32
  }
  func.func @transform_8(%arg0: i32) -> (i32, i32) {
    %c0_i32 = arith.constant 0 : i32
    %c0_i32_0 = arith.constant 0 : i32
    %c0_i32_1 = arith.constant 0 : i32
    return %c0_i32, %c0_i32_0 : i32, i32
  }
  func.func @transform_9(%arg0: i32) -> (i32, i32) {
    %c0_i32 = arith.constant 0 : i32
    %c0_i32_0 = arith.constant 0 : i32
    %c0_i32_1 = arith.constant 0 : i32
    return %c0_i32, %c0_i32_0 : i32, i32
  }
  func.func @transform_10(%arg0: i32) -> (i32, i32) {
    %c0_i32 = arith.constant 0 : i32
    %c0_i32_0 = arith.constant 0 : i32
    %c0_i32_1 = arith.constant 0 : i32
    return %c0_i32, %c0_i32_0 : i32, i32
  }
  func.func @transform_11(%arg0: i32) -> (i32, i32) {
    %c0_i32 = arith.constant 0 : i32
    %c0_i32_0 = arith.constant 0 : i32
    %c0_i32_1 = arith.constant 0 : i32
    return %c0_i32, %c0_i32_0 : i32, i32
  }
  func.func @transform_12(%arg0: i32) -> (i32, i32) {
    %c0_i32 = arith.constant 0 : i32
    %c0_i32_0 = arith.constant 0 : i32
    return %arg0, %c0_i32 : i32, i32
  }
}

</mosaic_0001>

<sc_bundles>
// kernel: kernel.10.cloned.1.call-start
scs
__scs_entry_jumppad:
0x0: {  	(pc) =	sbr.rel $0x88, $3  }
0x1: {  	(tag) =	ssettag $0x0;
	lr =	simm.s32 $0x1  }
0x2: {  	[smem:$0x3F96] =	sst lr;
	_ =	strace $0xD0000000  }
0x3: {  	_ = 	snop  }
0x4: {  	_ = 	snop  }
0x5: {  	_ = 	snop  }
0x6: {  	_ = 	snop  }
0x7: {  	_ = 	snop  }
__scs_overlays_trampoline_lowered:
0x8: {  	[smem:$0x3FA5] =	sst s0  }
0x9: {  	[smem:$0x3FA6] =	sst s1  }
0xa: {  	[smem:$0x3FA7] =	sst s2  }
0xb: {  	[smem:$0x3FA8] =	sst s3  }
0xc: {  	[smem:$0x3FA9] =	sst s4  }
0xd: {  	[smem:$0x3FAA] =	sst s5  }
0xe: {  	[smem:$0x3FAB] =	sst s6  }
0xf: {  	[smem:$0x3FAC] =	sst s7  }
0x10: {  	[smem:$0x3FAD] =	sst s8  }
0x11: {  	[smem:$0x3FAE] =	sst s9;
	s0 =	simm.s32 @!p0 $0x0  }
0x12: {  	s1 =	sld [smem:$0x3F94];
	s0 =	simm.s32 @p0 $0x1  }
0x13: {  	[smem:$0x3FAF] =	sst s0;
	s0 =	simm.s32 @!p1 $0x0  }
0x14: {  	s2 =	sld [smem:$0x3F93];
	s0 =	simm.s32 @p1 $0x1  }
0x15: {  	[smem:$0x3FB0] =	sst s0;
	s0 =	simm.s32 @!p2 $0x0  }
0x16: {  	s3 =	sld [smem:$0x3FDB];
	s0 =	simm.s32 @p2 $0x1  }
0x17: {  	s4 =	simm.s32 $0x1BF5;
	[smem:$0x3FB2] =	sst s0  }
0x18: {  	s0 =	sld [smem:$0x3F95];
	_ =	swait.ge [sflag:s4], $0x0  }
0x19: {  	s7 =	sld [smem:$0x3F96]  }
0x1a: {  	s8 =	sadd.s32 $0xFFFFE003, lr  }
0x1b: {  	s9 =	sadd.s32 $0xFFFFFEF7, lr;
	s5 =	simm.s32 $0xFFFFFFFF;
	p2 =	slt.u32 s8, $0xFFFFF086  }
0x1c: {  	p1 =	slt.u32 s9, $0xF7A;
	s5 =	simm.s32 @!p2 $0x0  }
0x1d: {  	s5 =	simm.s32 @p1 $0x1;
	p0 =	seq.s32 s7, s2  }
0x1e: {  	s7 =	smul.u32 @!p0 $0xF7A, s2;
	p2 =	seq.s32 @!p0 s5, $0x0  }
0x1f: {  	s9 =	smul.u32 $0xF7A, s1;
	s8 =	simm.s32 @!p0 $0x1BF5;
	p2 =	por !p2, p0  }
0x20: {  	[sflag:s8] =	ssyncset.s32 @!p0 $0xFFFFF086;
	s6 =	sadd.s32 @!p0 s3, s7;
	s7 =	simm.s32 @!p0 $0x108  }
0x21: {  	s3 =	sadd.s32 s3, s9;
	s6 =	sadd.s32 @!p0 $0x88, s6;
	s7 =	simm.s32 @p2 $0x1082  }
0x22: {  	[simem:s7], [sflag:s8] =	dma.local @!p0 [hbm:s6], $0xF7A  }
0x23: {  	s9 =	sor.u32 $0xD0000000, s2;
	s6 =	simm.s32 $0x108;
	_ =	swait.ge @!p0 [sflag:s8], $0x0  }
0x24: {  	s3 =	sadd.s32 $0x88, s3;
	s6 =	simm.s32 @!p1 $0x1082;
	[sflag:s4] =	ssyncset.s32 $0xFFFFF086  }
0x25: {  	[simem:s6], [sflag:s4] =	dma.local [hbm:s3], $0xF7A  }
0x26: {  	[smem:$0x3F96] =	sst s1;
	(tag) =	ssettag s2;
	_ =	strace s9  }
0x27: {  	s1 =	sld [smem:$0x3FA6]  }
0x28: {  	s2 =	sld [smem:$0x3FA7]  }
0x29: {  	s4 =	sld [smem:$0x3FA9]  }
0x2a: {  	p0 =	seq.s32 s5, $0x0;
	s5 =	sld [smem:$0x3FAA]  }
0x2b: {  	s6 =	sld [smem:$0x3FAB]  }
0x2c: {  	s7 =	sld [smem:$0x3FAC]  }
0x2d: {  	s3 =	simm.s32 $0x108;
	s8 =	sld [smem:$0x3FAD]  }
0x2e: {  	s3 =	simm.s32 @!p0 $0x1082;
	s9 =	sld [smem:$0x3FAE]  }
0x2f: {  	lr =	sadd.s32 s0, s3;
	s0 =	sld [smem:$0x3FA5]  }
0x30: {  	s3 =	sld [smem:$0x3FA8]  }
0x31: {  	[smem:$0x3FB1] =	sst s10  }
0x32: {  	s10 =	sld [smem:$0x3FAF];
	_ =	sdelay $0x3  }
0x33: {  	p0 =	seq.s32 s10, $0x1;
	s10 =	sld [smem:$0x3FB1];
	_ =	sdelay $0x3  }
0x34: {  	[smem:$0x3FB1] =	sst s10  }
0x35: {  	s10 =	sld [smem:$0x3FB0];
	_ =	sdelay $0x3  }
0x36: {  	p1 =	seq.s32 s10, $0x1;
	s10 =	sld [smem:$0x3FB1];
	_ =	sdelay $0x3  }
0x37: {  	[smem:$0x3FB1] =	sst s10  }
0x38: {  	s10 =	sld [smem:$0x3FB2]  }
0x39: {  	_ = 	snop;
	(pc) =	sbr.ind lr, $3  }
0x3a: {  	_ = 	snop  }
0x3b: {  	_ = 	snop  }
0x3c: {  	p2 =	seq.s32 s10, $0x1;
	s10 =	sld [smem:$0x3FB1]  }
0x3d: {  	_ =	shalt  }
0x3e: {  	_ =	shalt  }
0x3f: {  	_ =	shalt  }
0x40: {  	_ =	shalt  }
0x41: {  	_ =	shalt  }
0x42: {  	_ =	shalt  }
0x43: {  	_ =	shalt  }
0x44: {  	_ =	shalt  }
0x45: {  	_ =	shalt  }
0x46: {  	_ =	shalt  }
0x47: {  	_ =	shalt  }
0x48: {  	_ =	shalt  }
0x49: {  	_ =	shalt  }
0x4a: {  	_ =	shalt  }
0x4b: {  	_ =	shalt  }
0x4c: {  	_ =	shalt  }
0x4d: {  	_ =	shalt  }
0x4e: {  	_ =	shalt  }
0x4f: {  	_ =	shalt  }
0x50: {  	_ =	shalt  }
0x51: {  	_ =	shalt  }
0x52: {  	_ =	shalt  }
0x53: {  	_ =	shalt  }
0x54: {  	_ =	shalt  }
0x55: {  	_ =	shalt  }
0x56: {  	_ =	shalt  }
0x57: {  	_ =	shalt  }
0x58: {  	_ =	shalt  }
0x59: {  	_ =	shalt  }
0x5a: {  	_ =	shalt  }
0x5b: {  	_ =	shalt  }
0x5c: {  	_ =	shalt  }
0x5d: {  	_ =	shalt  }
0x5e: {  	_ =	shalt  }
0x5f: {  	_ =	shalt  }
0x60: {  	_ =	shalt  }
0x61: {  	_ =	shalt  }
0x62: {  	_ =	shalt  }
0x63: {  	_ =	shalt  }
0x64: {  	_ =	shalt  }
0x65: {  	_ =	shalt  }
0x66: {  	_ =	shalt  }
0x67: {  	_ =	shalt  }
0x68: {  	_ =	shalt  }
0x69: {  	_ =	shalt  }
0x6a: {  	_ =	shalt  }
0x6b: {  	_ =	shalt  }
0x6c: {  	_ =	shalt  }
0x6d: {  	_ =	shalt  }
0x6e: {  	_ =	shalt  }
0x6f: {  	_ =	shalt  }
0x70: {  	_ =	shalt  }
0x71: {  	_ =	shalt  }
0x72: {  	_ =	shalt  }
0x73: {  	_ =	shalt  }
0x74: {  	_ =	shalt  }
0x75: {  	_ =	shalt  }
0x76: {  	_ =	shalt  }
0x77: {  	_ =	shalt  }
0x78: {  	_ =	shalt  }
0x79: {  	_ =	shalt  }
0x7a: {  	_ =	shalt  }
0x7b: {  	_ =	shalt  }
0x7c: {  	_ =	shalt  }
0x7d: {  	_ =	shalt  }
0x7e: {  	_ =	shalt  }
0x7f: {  	_ =	shalt  }
0x80: {  	_ =	shalt  }
0x81: {  	_ =	shalt  }
0x82: {  	_ =	shalt  }
0x83: {  	_ =	shalt  }
0x84: {  	_ =	shalt  }
0x85: {  	_ =	shalt  }
0x86: {  	_ =	shalt  }
0x87: {  	_ =	shalt  }
.Lfunc_end0:
.L_simem_size_0:
called_computation.1_lowered:
.L_overlay_start_0:
0x88: {  	s2 =	sld [smem:$0x3FD9]  }
0x89: {  	s3 =	sld [smem:$0x3FFE];
	_ =	sdelay $0x1  }
0x8a: {  	s1 =	srdreg.scid  }
0x8b: {  	s0 =	sand.u32 $0x1, s1  }
0x8c: {  	s17 =	sshll.u32 s0, $0xA;
	s2 =	sadd.s32 s3, s2  }
0x8d: {  	s2 =	sadd.s32 s2, s17  }
0x8e: {  	[smem:$0x3FBD] =	sst s2  }
0x8f: {  	_ = 	snop  }
0x90: {  	s2 =	sld [smem:$0x3FD0];
	(tm) =	ssettm $0x1  }
0x91: {  	s18 =	sld [smem:$0x3FFB];
	_ =	sdelay $0x3  }
0x92: {  	_ =	strace s18  }
0x93: {  	s3 =	sld [smem:$0x3FFC];
	_ =	sdelay $0x3  }
0x94: {  	_ =	strace s3  }
0x95: {  	s3 =	sld [smem:$0x3FFD];
	_ =	sdelay $0x3  }
0x96: {  	_ =	strace s3  }
0x97: {  	_ =	strace $0x8FFFFFFF  }
0x98: {  	s19 =	sld [smem:$0x3FDB];
	_ =	sdelay $0x1  }
0x99: {  	s4 =	simm.s32 $_scs_section_size  }
0x9a: {  	s5 =	simm.s32 $_size__tile_overlayer_lowered;
	s6 =	simm.s32 $_tile_overlayer_lowered  }
0x9b: {  	s22 =	simm.s32 $0x1BFF;
	s21 =	sshll.u32 s6, $0x1;
	s3 =	sadd.s32 s4, s19  }
0x9c: {  	s7 =	simm.s32 $0x0;
	s20 =	sshll.u32 s5, $0x1;
	s5 =	sadd.s32 s21, s3  }
0x9d: {  	[timem:s7], [sflag:s22] =	dma.local [hbm:s5], s20  }
0x9e: {  	_ =	swait.ge [sflag:s22], s20  }
0x9f: {  	s4 =	ssub.s32 $0x0, s20;
	[sflag:s22] =	ssyncset.done $0x0  }
0xa0: {  	[sflag:s22] =	ssyncadd.s32 s4;
	_ =	sdelay $0x1  }
0xa1: {  	s23 =	simm.s32 $0x1B8B  }
0xa2: {  	_ =	swait.ge [sflag:s23], $0x1  }
0xa3: {  	[sflag:s23] =	ssyncset.done $0x0  }
0xa4: {  	s25 =	simm.s32 $0x1B8E;
	s24 =	sld [smem:$0x3FFE];
	[sflag:s23] =	ssyncadd.s32 $0xFFFFFFFF  }
0xa5: {  	s26 =	simm.s32 $execute0_lowered;
	[smem:$0x3FD2] =	sst s25  }
0xa6: {  	s5 =	sshll.u32 s26, $0x1;
	_ =	strace $0x80000049;
	[dreg:$0x1] =	wrdreg $0xFFFFFFFF  }
0xa7: {  	s28 =	simm.s32 $_size_execute0_lowered;
	s3 =	sadd.s32 s3, s5;
	[dreg:$0x0] =	wrdreg $0x0  }
0xa8: {  	s5 =	sshll.u32 s28, $0x1;
	[dreg:$0x2] =	wrdreg s3  }
0xa9: {  	[dreg:$0x3] =	wrdreg s5  }
0xaa: {  	[dreg:$0x4] =	wrdreg $0xC0  }
0xab: {  	_ =	task [dreg:s7], $0x5FFFF  }
0xac: {  	[dreg:$0x1] =	wrdreg $0xFFFFFFFF  }
0xad: {  	[dreg:$0x0] =	wrdreg $0x60  }
0xae: {  	[dreg:$0x2] =	wrdreg s2  }
0xaf: {  	[dreg:$0x3] =	wrdreg s24  }
0xb0: {  	[dreg:$0x4] =	wrdreg $0x9  }
0xb1: {  	_ =	task.clear_ibuf [dreg:s7], $0x5FFFF;
	_ =	strace $0x90000049  }
0xb2: {  	s29 =	simm.s32 $0x9;
	_ =	strace $0x8000004B  }
0xb3: {  	_ =	swait.ge [sflag:s29], $0x1  }
0xb4: {  	[sflag:s29] =	ssyncadd.s32 $0xFFFFFFFF  }
0xb5: {  	_ =	strace $0x9000004B  }
0xb6: {  	_ =	sfence  }
0xb7: {  	s30 =	sld [smem:$0x0];
	_ =	sdelay $0x2  }
0xb8: {  	s31 =	sshll.u32 s1, $0xD;
	s1 =	sshrl.u32 s1, $0x2  }
0xb9: {  	s3 =	sand.u32 $0x4000, s31;
	s1 =	sadd.s32 s1, s30  }
0xba: {  	s0 =	sor.u32 s3, s0;
	s1 =	sshll.u32 s1, $0x11  }
0xbb: {  	s0 =	sor.u32 s1, s0  }
0xbc: {  	s0 =	sadd.s32 $0x8F2B, s0  }
0xbd: {  	[sflag:s0] =	ssyncadd.remote.s32 $0x1  }
0xbe: {  	_ =	sfence.sel $0xFFFF  }
0xbf: {  	[dreg:$0x0] =	wrdreg $0xFFFFFFFF;
	(pc) =	sbr.abs _section_cstart, $3  }
0xc0: {  	[dreg:$0x1] =	wrdreg $0xFFFFFFFF  }
0xc1: {  	_ =	task.clear_ibuf [dreg:s7], $0x2FFFF;
	_ =	strace $0x9FFFFFFF  }
0xc2: {  	(tm) =	ssettm $0x7FFFFFFF  }
0xc3: {  	_ =	shalt  }
tec
execute0_lowered:
.L_overlay_start_1:
0x0: {  	(tag) =	ssettag $0x1  }
0x1: {  	s3 =	rddreg [dreg:$0x0]  }
0x2: {  	s1 =	srdreg.scid;
	s0 =	stileid.u32  }
0x3: {  	s14 =	rddreg [dreg:$0x1];
	s19 =	sand.u32 $0x1, s1;
	s4 =	sshll.u32 s0, $0x1  }
0x4: {  	s2 =	simm.s32 $0x0;
	s1 =	rddreg [dreg:$0x2];
	s15 =	sor.u32 s19, s4  }
0x5: {  	[smem:$0x7FF] =	sst s2;
	s4 =	sshll.u32 s15, $0x7  }
0x6: {  	_ =	strace $0x8000004A;
	s4 =	sadd.s32 s3, s4;
	s3 =	simm.s32 $0x2  }
0x7: {  	[tilespmem:s2], [sflag:$0x2] =	stream.linear.gather [hbm4b:s4+s2], $0x400, $0x38;
	[tilespmem:$0x10400] =	vst v63  }
0x8: {  	_ =	swait.ge [sflag:s3], $0x400  }
0x9: {  	s6 =	simm.s32 $0x80;
	[sflag:s3] =	ssyncset.done $0x0  }
0xa: {  	s7 =	simm.s32 $0x400;
	s5 =	sadd.s32 $0x8A2600, s14;
	[sflag:s3] =	ssyncadd.s32 $0xFFFFFC00  }
0xb: {  	[tilespmem:s7], [sflag:$0x1] =	stream.indirect.gather [hbm4b:s5+s6], $0x80, s2, s6, $0xb8;
	[tilespmem:$0x10400] =	vst v63  }
0xc: {  	s8 =	simm.s32 $0x4400  }
0xd: {  	[tilespmem:s8], [sflag:$0x1] =	stream.indirect.gather [hbm4b:s5+s6], $0x80, s6, s6, $0xb8;
	[tilespmem:$0x10400] =	vst v63  }
0xe: {  	s9 =	simm.s32 $0x100;
	s10 =	simm.s32 $0x8400  }
0xf: {  	[tilespmem:s10], [sflag:$0x1] =	stream.indirect.gather [hbm4b:s5+s6], $0x80, s9, s6, $0xb8;
	[tilespmem:$0x10400] =	vst v63  }
0x10: {  	s11 =	simm.s32 $0x180;
	s12 =	simm.s32 $0xC400;
	s13 =	simm.s32 $0x1  }
0x11: {  	[tilespmem:s12], [sflag:$0x1] =	stream.indirect.gather [hbm4b:s5+s6], $0x80, s11, s6, $0xb8;
	[tilespmem:$0x10400] =	vst v63  }
0x12: {  	_ =	swait.ge [sflag:s13], $0x4000  }
0x13: {  	[sflag:s13] =	ssyncset.done $0x0  }
0x14: {  	[sflag:s13] =	ssyncadd.s32 $0xFFFFC000  }
0x15: {  	_ =	swait.ge [sflag:s13], $0x4000  }
0x16: {  	[sflag:s13] =	ssyncset.done $0x0  }
0x17: {  	[sflag:s13] =	ssyncadd.s32 $0xFFFFC000  }
0x18: {  	_ =	swait.ge [sflag:s13], $0x4000  }
0x19: {  	[sflag:s13] =	ssyncset.done $0x0  }
0x1a: {  	[sflag:s13] =	ssyncadd.s32 $0xFFFFC000  }
0x1b: {  	s15 =	sshll.u32 s15, $0xE;
	_ =	swait.ge [sflag:s13], $0x4000  }
0x1c: {  	s20 =	sadd.s32 s15, s14;
	[sflag:s13] =	ssyncset.done $0x0  }
0x1d: {  	s14 =	sadd.s32 $0x12600, s20;
	[sflag:s13] =	ssyncadd.s32 $0xFFFFC000  }
0x1e: {  	[hbm4b:s14+s2] =	stream.linear.scatter [tilespmem:s7], [sflag:$0x2], $0x10000, $0x38;
	[tilespmem:$0x10400] =	vst v63  }
0x1f: {  	_ =	swait.ge [sflag:s3], $0x10000  }
0x20: {  	[sflag:s3] =	ssyncset.done $0x0  }
0x21: {  	s15 =	simm.s32 $0x200;
	[sflag:s3] =	ssyncadd.s32 $0xFFFF0000  }
0x22: {  	[tilespmem:s7], [sflag:$0x1] =	stream.indirect.gather [hbm4b:s5+s6], $0x80, s15, s6, $0xb8;
	[tilespmem:$0x10400] =	vst v63  }
0x23: {  	s16 =	simm.s32 $0x280  }
0x24: {  	[tilespmem:s8], [sflag:$0x1] =	stream.indirect.gather [hbm4b:s5+s6], $0x80, s16, s6, $0xb8;
	[tilespmem:$0x10400] =	vst v63  }
0x25: {  	s17 =	simm.s32 $0x300  }
0x26: {  	[tilespmem:s10], [sflag:$0x1] =	stream.indirect.gather [hbm4b:s5+s6], $0x80, s17, s6, $0xb8;
	[tilespmem:$0x10400] =	vst v63  }
0x27: {  	s18 =	simm.s32 $0x380  }
0x28: {  	[tilespmem:s12], [sflag:$0x1] =	stream.indirect.gather [hbm4b:s5+s6], $0x80, s18, s6, $0xb8;
	[tilespmem:$0x10400] =	vst v63  }
0x29: {  	_ =	swait.ge [sflag:s13], $0x4000  }
0x2a: {  	[sflag:s13] =	ssyncset.done $0x0  }
0x2b: {  	[sflag:s13] =	ssyncadd.s32 $0xFFFFC000  }
0x2c: {  	_ =	swait.ge [sflag:s13], $0x4000  }
0x2d: {  	[sflag:s13] =	ssyncset.done $0x0  }
0x2e: {  	s19 =	ssub.s32 $0x2, s19;
	[sflag:s13] =	ssyncadd.s32 $0xFFFFC000  }
0x2f: {  	s21 =	sshrl.u32 s19, $0x1;
	_ =	swait.ge [sflag:s13], $0x4000  }
0x30: {  	s21 =	ssub.s32 s19, s21;
	[sflag:s13] =	ssyncset.done $0x0  }
0x31: {  	s31 =	smax.u32 s21, $0x1;
	[sflag:s13] =	ssyncadd.s32 $0xFFFFC000  }
0x32: {  	p0 =	sne.s32 s31, $0x1;
	_ =	swait.ge [sflag:s13], $0x4000  }
.Ltmp0:
0x33: {  	[sflag:s13] =	ssyncset.done $0x0;
	(pc) =	sbr.rel @!p0 .LBB2_2-.Ltmp0, $4  }
0x34: {  	s19 =	sadd.s32 $0x14600, s20;
	[sflag:s13] =	ssyncadd.s32 $0xFFFFC000  }
0x35: {  	[hbm4b:s19+s2] =	stream.linear.scatter [tilespmem:s7], [sflag:$0x2], $0x10000, $0x38;
	[tilespmem:$0x10400] =	vst v63  }
0x36: {  	_ =	swait.ge [sflag:s3], $0x10000  }
0x37: {  	s20 =	sadd.s32 $0xFFFFFFFF, s31;
	[sflag:s3] =	ssyncset.done $0x0  }
.LBB2_1:
0x38: {  	p0 =	sne.s32 s20, $0x1;
	s20 =	sadd.s32 $0xFFFFFFFF, s20;
	[sflag:s3] =	ssyncadd.s32 $0xFFFF0000  }
0x39: {  	[tilespmem:s2], [sflag:$0x2] =	stream.linear.gather [hbm4b:s4+s2], $0x400, $0x38;
	[tilespmem:$0x10400] =	vst v63  }
0x3a: {  	_ =	swait.ge [sflag:s3], $0x400  }
0x3b: {  	[sflag:s3] =	ssyncset.done $0x0  }
0x3c: {  	[sflag:s3] =	ssyncadd.s32 $0xFFFFFC00  }
0x3d: {  	[tilespmem:s7], [sflag:$0x1] =	stream.indirect.gather [hbm4b:s5+s6], $0x80, s2, s6, $0xb8;
	[tilespmem:$0x10400] =	vst v63  }
0x3e: {  	_ = 	snop  }
0x3f: {  	[tilespmem:s8], [sflag:$0x1] =	stream.indirect.gather [hbm4b:s5+s6], $0x80, s6, s6, $0xb8;
	[tilespmem:$0x10400] =	vst v63  }
0x40: {  	_ = 	snop  }
0x41: {  	[tilespmem:s10], [sflag:$0x1] =	stream.indirect.gather [hbm4b:s5+s6], $0x80, s9, s6, $0xb8;
	[tilespmem:$0x10400] =	vst v63  }
0x42: {  	_ = 	snop  }
0x43: {  	[tilespmem:s12], [sflag:$0x1] =	stream.indirect.gather [hbm4b:s5+s6], $0x80, s11, s6, $0xb8;
	[tilespmem:$0x10400] =	vst v63  }
0x44: {  	_ =	swait.ge [sflag:s13], $0x4000  }
0x45: {  	[sflag:s13] =	ssyncset.done $0x0  }
0x46: {  	[sflag:s13] =	ssyncadd.s32 $0xFFFFC000  }
0x47: {  	_ =	swait.ge [sflag:s13], $0x4000  }
0x48: {  	[sflag:s13] =	ssyncset.done $0x0  }
0x49: {  	[sflag:s13] =	ssyncadd.s32 $0xFFFFC000  }
0x4a: {  	_ =	swait.ge [sflag:s13], $0x4000  }
0x4b: {  	[sflag:s13] =	ssyncset.done $0x0  }
0x4c: {  	[sflag:s13] =	ssyncadd.s32 $0xFFFFC000  }
0x4d: {  	_ =	swait.ge [sflag:s13], $0x4000  }
0x4e: {  	[sflag:s13] =	ssyncset.done $0x0  }
0x4f: {  	[sflag:s13] =	ssyncadd.s32 $0xFFFFC000  }
0x50: {  	[hbm4b:s14+s2] =	stream.linear.scatter [tilespmem:s7], [sflag:$0x2], $0x10000, $0x38;
	[tilespmem:$0x10400] =	vst v63  }
0x51: {  	_ =	swait.ge [sflag:s3], $0x10000  }
0x52: {  	[sflag:s3] =	ssyncset.done $0x0  }
0x53: {  	[sflag:s3] =	ssyncadd.s32 $0xFFFF0000  }
0x54: {  	[tilespmem:s7], [sflag:$0x1] =	stream.indirect.gather [hbm4b:s5+s6], $0x80, s15, s6, $0xb8;
	[tilespmem:$0x10400] =	vst v63  }
0x55: {  	_ = 	snop  }
0x56: {  	[tilespmem:s8], [sflag:$0x1] =	stream.indirect.gather [hbm4b:s5+s6], $0x80, s16, s6, $0xb8;
	[tilespmem:$0x10400] =	vst v63  }
0x57: {  	_ = 	snop  }
0x58: {  	[tilespmem:s10], [sflag:$0x1] =	stream.indirect.gather [hbm4b:s5+s6], $0x80, s17, s6, $0xb8;
	[tilespmem:$0x10400] =	vst v63  }
0x59: {  	_ = 	snop  }
0x5a: {  	[tilespmem:s12], [sflag:$0x1] =	stream.indirect.gather [hbm4b:s5+s6], $0x80, s18, s6, $0xb8;
	[tilespmem:$0x10400] =	vst v63  }
0x5b: {  	_ =	swait.ge [sflag:s13], $0x4000  }
0x5c: {  	[sflag:s13] =	ssyncset.done $0x0  }
0x5d: {  	[sflag:s13] =	ssyncadd.s32 $0xFFFFC000  }
0x5e: {  	_ =	swait.ge [sflag:s13], $0x4000  }
0x5f: {  	[sflag:s13] =	ssyncset.done $0x0  }
0x60: {  	[sflag:s13] =	ssyncadd.s32 $0xFFFFC000  }
0x61: {  	_ =	swait.ge [sflag:s13], $0x4000  }
0x62: {  	[sflag:s13] =	ssyncset.done $0x0  }
0x63: {  	[sflag:s13] =	ssyncadd.s32 $0xFFFFC000  }
0x64: {  	_ =	swait.ge [sflag:s13], $0x4000  }
.Ltmp1:
0x65: {  	[sflag:s13] =	ssyncset.done $0x0;
	(pc) =	sbr.rel @p0 .LBB2_1-.Ltmp1, $4  }
0x66: {  	[sflag:s13] =	ssyncadd.s32 $0xFFFFC000  }
0x67: {  	[hbm4b:s19+s2] =	stream.linear.scatter [tilespmem:s7], [sflag:$0x2], $0x10000, $0x38;
	[tilespmem:$0x10400] =	vst v63  }
0x68: {  	_ =	swait.ge [sflag:s3], $0x10000  }
0x69: {  	[sflag:s3] =	ssyncset.done $0x0  }
.LBB2_2:
0x6a: {  	[sflag:s3] =	ssyncadd.s32 $0xFFFF0000  }
0x6b: {  	_ =	sfence.sel $0x180000  }
0x6c: {  	[bflag:$0x0] =	sbarrier.arrive $0xFFFF  }
0x6d: {  	p0 =	sne.s32 s0, $0x0;
	_ =	strace $0x9000004A  }
0x6e: {  	s0 =	sadd.s32 @!p0 $0x100000, s1;
	[bflag:$0x2] =	sbarrier.arrive $0xFFFF  }
0x6f: {  	[sflag:s0] =	ssyncadd.tile.s32 @!p0 $0x1;
	_ =	shalt  }
.Lfunc_end2:
_tile_overlayer_lowered:
.L_overlay_start_2:
0x70: {  	(tag) =	ssettag $0x2  }
0x71: {  	s0 =	rddreg [dreg:$0x0];
	s2 =	stileid.u32  }
0x72: {  	s1 =	rddreg [dreg:$0x1];
	p0 =	sne.s32 s2, $0x0  }
0x73: {  	s3 =	rddreg [dreg:$0x2];
	[bflag:$0x3] =	sbarrier.arrive $0xFFFF;
	s2 =	simm.s32 @!p0 $0x1C02  }
0x74: {  	[timem:s3], [sflag:s2] =	dma.local @!p0 [hbm:s0], s1  }
0x75: {  	s0 =	simm.s32 @!p0 $0x2  }
0x76: {  	_ =	swait.ge @!p0 [sflag:s0], s1  }
0x77: {  	s1 =	ssub.s32 @!p0 $0x0, s1;
	[sflag:s0] =	ssyncset.done @!p0 $0x0  }
0x78: {  	[sflag:s0] =	ssyncadd.s32 @!p0 s1  }
0x79: {  	[bflag:$0x3] =	sbarrier.arrive $0xFFFF  }
0x7a: {  	_ =	shalt  }

// kernel: kernel.7.cloned.1.call-start
scs
__scs_entry_jumppad:
0x0: {  	(pc) =	sbr.rel $0x88, $3  }
0x1: {  	(tag) =	ssettag $0x0;
	lr =	simm.s32 $0x1  }
0x2: {  	[smem:$0x3F96] =	sst lr;
	_ =	strace $0xD0000000  }
0x3: {  	_ = 	snop  }
0x4: {  	_ = 	snop  }
0x5: {  	_ = 	snop  }
0x6: {  	_ = 	snop  }
0x7: {  	_ = 	snop  }
__scs_overlays_trampoline_lowered:
0x8: {  	[smem:$0x3FA5] =	sst s0  }
0x9: {  	[smem:$0x3FA6] =	sst s1  }
0xa: {  	[smem:$0x3FA7] =	sst s2  }
0xb: {  	[smem:$0x3FA8] =	sst s3  }
0xc: {  	[smem:$0x3FA9] =	sst s4  }
0xd: {  	[smem:$0x3FAA] =	sst s5  }
0xe: {  	[smem:$0x3FAB] =	sst s6  }
0xf: {  	[smem:$0x3FAC] =	sst s7  }
0x10: {  	[smem:$0x3FAD] =	sst s8  }
0x11: {  	[smem:$0x3FAE] =	sst s9;
	s0 =	simm.s32 @!p0 $0x0  }
0x12: {  	s1 =	sld [smem:$0x3F94];
	s0 =	simm.s32 @p0 $0x1  }
0x13: {  	[smem:$0x3FAF] =	sst s0;
	s0 =	simm.s32 @!p1 $0x0  }
0x14: {  	s2 =	sld [smem:$0x3F93];
	s0 =	simm.s32 @p1 $0x1  }
0x15: {  	[smem:$0x3FB0] =	sst s0;
	s0 =	simm.s32 @!p2 $0x0  }
0x16: {  	s3 =	sld [smem:$0x3FDB];
	s0 =	simm.s32 @p2 $0x1  }
0x17: {  	s4 =	simm.s32 $0x1BF5;
	[smem:$0x3FB2] =	sst s0  }
0x18: {  	s0 =	sld [smem:$0x3F95];
	_ =	swait.ge [sflag:s4], $0x0  }
0x19: {  	s7 =	sld [smem:$0x3F96]  }
0x1a: {  	s8 =	sadd.s32 $0xFFFFE003, lr  }
0x1b: {  	s9 =	sadd.s32 $0xFFFFFEF7, lr;
	s5 =	simm.s32 $0xFFFFFFFF;
	p2 =	slt.u32 s8, $0xFFFFF086  }
0x1c: {  	p1 =	slt.u32 s9, $0xF7A;
	s5 =	simm.s32 @!p2 $0x0  }
0x1d: {  	s5 =	simm.s32 @p1 $0x1;
	p0 =	seq.s32 s7, s2  }
0x1e: {  	s7 =	smul.u32 @!p0 $0xF7A, s2;
	p2 =	seq.s32 @!p0 s5, $0x0  }
0x1f: {  	s9 =	smul.u32 $0xF7A, s1;
	s8 =	simm.s32 @!p0 $0x1BF5;
	p2 =	por !p2, p0  }
0x20: {  	[sflag:s8] =	ssyncset.s32 @!p0 $0xFFFFF086;
	s6 =	sadd.s32 @!p0 s3, s7;
	s7 =	simm.s32 @!p0 $0x108  }
0x21: {  	s3 =	sadd.s32 s3, s9;
	s6 =	sadd.s32 @!p0 $0x88, s6;
	s7 =	simm.s32 @p2 $0x1082  }
0x22: {  	[simem:s7], [sflag:s8] =	dma.local @!p0 [hbm:s6], $0xF7A  }
0x23: {  	s9 =	sor.u32 $0xD0000000, s2;
	s6 =	simm.s32 $0x108;
	_ =	swait.ge @!p0 [sflag:s8], $0x0  }
0x24: {  	s3 =	sadd.s32 $0x88, s3;
	s6 =	simm.s32 @!p1 $0x1082;
	[sflag:s4] =	ssyncset.s32 $0xFFFFF086  }
0x25: {  	[simem:s6], [sflag:s4] =	dma.local [hbm:s3], $0xF7A  }
0x26: {  	[smem:$0x3F96] =	sst s1;
	(tag) =	ssettag s2;
	_ =	strace s9  }
0x27: {  	s1 =	sld [smem:$0x3FA6]  }
0x28: {  	s2 =	sld [smem:$0x3FA7]  }
0x29: {  	s4 =	sld [smem:$0x3FA9]  }
0x2a: {  	p0 =	seq.s32 s5, $0x0;
	s5 =	sld [smem:$0x3FAA]  }
0x2b: {  	s6 =	sld [smem:$0x3FAB]  }
0x2c: {  	s7 =	sld [smem:$0x3FAC]  }
0x2d: {  	s3 =	simm.s32 $0x108;
	s8 =	sld [smem:$0x3FAD]  }
0x2e: {  	s3 =	simm.s32 @!p0 $0x1082;
	s9 =	sld [smem:$0x3FAE]  }
0x2f: {  	lr =	sadd.s32 s0, s3;
	s0 =	sld [smem:$0x3FA5]  }
0x30: {  	s3 =	sld [smem:$0x3FA8]  }
0x31: {  	[smem:$0x3FB1] =	sst s10  }
0x32: {  	s10 =	sld [smem:$0x3FAF];
	_ =	sdelay $0x3  }
0x33: {  	p0 =	seq.s32 s10, $0x1;
	s10 =	sld [smem:$0x3FB1];
	_ =	sdelay $0x3  }
0x34: {  	[smem:$0x3FB1] =	sst s10  }
0x35: {  	s10 =	sld [smem:$0x3FB0];
	_ =	sdelay $0x3  }
0x36: {  	p1 =	seq.s32 s10, $0x1;
	s10 =	sld [smem:$0x3FB1];
	_ =	sdelay $0x3  }
0x37: {  	[smem:$0x3FB1] =	sst s10  }
0x38: {  	s10 =	sld [smem:$0x3FB2]  }
0x39: {  	_ = 	snop;
	(pc) =	sbr.ind lr, $3  }
0x3a: {  	_ = 	snop  }
0x3b: {  	_ = 	snop  }
0x3c: {  	p2 =	seq.s32 s10, $0x1;
	s10 =	sld [smem:$0x3FB1]  }
0x3d: {  	_ =	shalt  }
0x3e: {  	_ =	shalt  }
0x3f: {  	_ =	shalt  }
0x40: {  	_ =	shalt  }
0x41: {  	_ =	shalt  }
0x42: {  	_ =	shalt  }
0x43: {  	_ =	shalt  }
0x44: {  	_ =	shalt  }
0x45: {  	_ =	shalt  }
0x46: {  	_ =	shalt  }
0x47: {  	_ =	shalt  }
0x48: {  	_ =	shalt  }
0x49: {  	_ =	shalt  }
0x4a: {  	_ =	shalt  }
0x4b: {  	_ =	shalt  }
0x4c: {  	_ =	shalt  }
0x4d: {  	_ =	shalt  }
0x4e: {  	_ =	shalt  }
0x4f: {  	_ =	shalt  }
0x50: {  	_ =	shalt  }
0x51: {  	_ =	shalt  }
0x52: {  	_ =	shalt  }
0x53: {  	_ =	shalt  }
0x54: {  	_ =	shalt  }
0x55: {  	_ =	shalt  }
0x56: {  	_ =	shalt  }
0x57: {  	_ =	shalt  }
0x58: {  	_ =	shalt  }
0x59: {  	_ =	shalt  }
0x5a: {  	_ =	shalt  }
0x5b: {  	_ =	shalt  }
0x5c: {  	_ =	shalt  }
0x5d: {  	_ =	shalt  }
0x5e: {  	_ =	shalt  }
0x5f: {  	_ =	shalt  }
0x60: {  	_ =	shalt  }
0x61: {  	_ =	shalt  }
0x62: {  	_ =	shalt  }
0x63: {  	_ =	shalt  }
0x64: {  	_ =	shalt  }
0x65: {  	_ =	shalt  }
0x66: {  	_ =	shalt  }
0x67: {  	_ =	shalt  }
0x68: {  	_ =	shalt  }
0x69: {  	_ =	shalt  }
0x6a: {  	_ =	shalt  }
0x6b: {  	_ =	shalt  }
0x6c: {  	_ =	shalt  }
0x6d: {  	_ =	shalt  }
0x6e: {  	_ =	shalt  }
0x6f: {  	_ =	shalt  }
0x70: {  	_ =	shalt  }
0x71: {  	_ =	shalt  }
0x72: {  	_ =	shalt  }
0x73: {  	_ =	shalt  }
0x74: {  	_ =	shalt  }
0x75: {  	_ =	shalt  }
0x76: {  	_ =	shalt  }
0x77: {  	_ =	shalt  }
0x78: {  	_ =	shalt  }
0x79: {  	_ =	shalt  }
0x7a: {  	_ =	shalt  }
0x7b: {  	_ =	shalt  }
0x7c: {  	_ =	shalt  }
0x7d: {  	_ =	shalt  }
0x7e: {  	_ =	shalt  }
0x7f: {  	_ =	shalt  }
0x80: {  	_ =	shalt  }
0x81: {  	_ =	shalt  }
0x82: {  	_ =	shalt  }
0x83: {  	_ =	shalt  }
0x84: {  	_ =	shalt  }
0x85: {  	_ =	shalt  }
0x86: {  	_ =	shalt  }
0x87: {  	_ =	shalt  }
.Lfunc_end0:
.L_simem_size_0:
called_computation_lowered:
.L_overlay_start_0:
0x88: {  	s2 =	sld [smem:$0x3FD9]  }
0x89: {  	s3 =	sld [smem:$0x3FFE];
	_ =	sdelay $0x1  }
0x8a: {  	s1 =	srdreg.scid  }
0x8b: {  	s0 =	sand.u32 $0x1, s1  }
0x8c: {  	s17 =	sshll.u32 s0, $0xA;
	s2 =	sadd.s32 s3, s2  }
0x8d: {  	s2 =	sadd.s32 s2, s17  }
0x8e: {  	[smem:$0x3FBD] =	sst s2  }
0x8f: {  	_ = 	snop  }
0x90: {  	s2 =	sld [smem:$0x3FD0];
	(tm) =	ssettm $0x1  }
0x91: {  	s18 =	sld [smem:$0x3FFB];
	_ =	sdelay $0x3  }
0x92: {  	_ =	strace s18  }
0x93: {  	s3 =	sld [smem:$0x3FFC];
	_ =	sdelay $0x3  }
0x94: {  	_ =	strace s3  }
0x95: {  	s3 =	sld [smem:$0x3FFD];
	_ =	sdelay $0x3  }
0x96: {  	_ =	strace s3  }
0x97: {  	_ =	strace $0x8FFFFFFF  }
0x98: {  	s19 =	sld [smem:$0x3FDB];
	_ =	sdelay $0x1  }
0x99: {  	s4 =	simm.s32 $_scs_section_size  }
0x9a: {  	s5 =	simm.s32 $_size__tile_overlayer_lowered;
	s6 =	simm.s32 $_tile_overlayer_lowered  }
0x9b: {  	s22 =	simm.s32 $0x1BFF;
	s21 =	sshll.u32 s6, $0x1;
	s3 =	sadd.s32 s4, s19  }
0x9c: {  	s7 =	simm.s32 $0x0;
	s20 =	sshll.u32 s5, $0x1;
	s5 =	sadd.s32 s21, s3  }
0x9d: {  	[timem:s7], [sflag:s22] =	dma.local [hbm:s5], s20  }
0x9e: {  	_ =	swait.ge [sflag:s22], s20  }
0x9f: {  	s4 =	ssub.s32 $0x0, s20;
	[sflag:s22] =	ssyncset.done $0x0  }
0xa0: {  	[sflag:s22] =	ssyncadd.s32 s4;
	_ =	sdelay $0x1  }
0xa1: {  	s23 =	simm.s32 $0x1B8B  }
0xa2: {  	_ =	swait.ge [sflag:s23], $0x1  }
0xa3: {  	[sflag:s23] =	ssyncset.done $0x0  }
0xa4: {  	s25 =	simm.s32 $0x1B8E;
	s24 =	sld [smem:$0x3FFE];
	[sflag:s23] =	ssyncadd.s32 $0xFFFFFFFF  }
0xa5: {  	s26 =	simm.s32 $execute0_lowered;
	[smem:$0x3FD2] =	sst s25  }
0xa6: {  	s5 =	sshll.u32 s26, $0x1;
	_ =	strace $0x80000046;
	[dreg:$0x1] =	wrdreg $0xFFFFFFFF  }
0xa7: {  	s28 =	simm.s32 $_size_execute0_lowered;
	s3 =	sadd.s32 s3, s5;
	[dreg:$0x0] =	wrdreg $0x0  }
0xa8: {  	s5 =	sshll.u32 s28, $0x1;
	[dreg:$0x2] =	wrdreg s3  }
0xa9: {  	[dreg:$0x3] =	wrdreg s5  }
0xaa: {  	[dreg:$0x4] =	wrdreg $0xC0  }
0xab: {  	_ =	task [dreg:s7], $0x5FFFF  }
0xac: {  	[dreg:$0x1] =	wrdreg $0xFFFFFFFF  }
0xad: {  	[dreg:$0x0] =	wrdreg $0x60  }
0xae: {  	[dreg:$0x2] =	wrdreg s2  }
0xaf: {  	[dreg:$0x3] =	wrdreg s24  }
0xb0: {  	[dreg:$0x4] =	wrdreg $0x9  }
0xb1: {  	_ =	task.clear_ibuf [dreg:s7], $0x5FFFF;
	_ =	strace $0x90000046  }
0xb2: {  	s29 =	simm.s32 $0x9;
	_ =	strace $0x80000048  }
0xb3: {  	_ =	swait.ge [sflag:s29], $0x1  }
0xb4: {  	[sflag:s29] =	ssyncadd.s32 $0xFFFFFFFF  }
0xb5: {  	_ =	strace $0x90000048  }
0xb6: {  	_ =	sfence  }
0xb7: {  	s30 =	sld [smem:$0x0];
	_ =	sdelay $0x2  }
0xb8: {  	s31 =	sshll.u32 s1, $0xD;
	s1 =	sshrl.u32 s1, $0x2  }
0xb9: {  	s3 =	sand.u32 $0x4000, s31;
	s1 =	sadd.s32 s1, s30  }
0xba: {  	s0 =	sor.u32 s3, s0;
	s1 =	sshll.u32 s1, $0x11  }
0xbb: {  	s0 =	sor.u32 s1, s0  }
0xbc: {  	s0 =	sadd.s32 $0x8F2B, s0  }
0xbd: {  	[sflag:s0] =	ssyncadd.remote.s32 $0x1  }
0xbe: {  	_ =	sfence.sel $0xFFFF  }
0xbf: {  	[dreg:$0x0] =	wrdreg $0xFFFFFFFF;
	(pc) =	sbr.abs _section_cstart, $3  }
0xc0: {  	[dreg:$0x1] =	wrdreg $0xFFFFFFFF  }
0xc1: {  	_ =	task.clear_ibuf [dreg:s7], $0x2FFFF;
	_ =	strace $0x9FFFFFFF  }
0xc2: {  	(tm) =	ssettm $0x7FFFFFFF  }
0xc3: {  	_ =	shalt  }
tec
execute0_lowered:
.L_overlay_start_1:
0x0: {  	(tag) =	ssettag $0x1  }
0x1: {  	s3 =	rddreg [dreg:$0x0]  }
0x2: {  	s1 =	srdreg.scid;
	s0 =	stileid.u32  }
0x3: {  	s14 =	rddreg [dreg:$0x1];
	s19 =	sand.u32 $0x1, s1;
	s4 =	sshll.u32 s0, $0x1  }
0x4: {  	s2 =	simm.s32 $0x0;
	s1 =	rddreg [dreg:$0x2];
	s15 =	sor.u32 s19, s4  }
0x5: {  	[smem:$0x7FF] =	sst s2;
	s4 =	sshll.u32 s15, $0x7  }
0x6: {  	_ =	strace $0x80000047;
	s4 =	sadd.s32 s3, s4;
	s3 =	simm.s32 $0x2  }
0x7: {  	[tilespmem:s2], [sflag:$0x2] =	stream.linear.gather [hbm4b:s4+s2], $0x400, $0x38;
	[tilespmem:$0x10400] =	vst v63  }
0x8: {  	_ =	swait.ge [sflag:s3], $0x400  }
0x9: {  	s6 =	simm.s32 $0x80;
	[sflag:s3] =	ssyncset.done $0x0  }
0xa: {  	s7 =	simm.s32 $0x400;
	s5 =	sadd.s32 $0x12600, s14;
	[sflag:s3] =	ssyncadd.s32 $0xFFFFFC00  }
0xb: {  	[tilespmem:s7], [sflag:$0x1] =	stream.indirect.gather [hbm4b:s5+s6], $0x80, s2, s6, $0xb8;
	[tilespmem:$0x10400] =	vst v63  }
0xc: {  	s8 =	simm.s32 $0x4400  }
0xd: {  	[tilespmem:s8], [sflag:$0x1] =	stream.indirect.gather [hbm4b:s5+s6], $0x80, s6, s6, $0xb8;
	[tilespmem:$0x10400] =	vst v63  }
0xe: {  	s9 =	simm.s32 $0x100;
	s10 =	simm.s32 $0x8400  }
0xf: {  	[tilespmem:s10], [sflag:$0x1] =	stream.indirect.gather [hbm4b:s5+s6], $0x80, s9, s6, $0xb8;
	[tilespmem:$0x10400] =	vst v63  }
0x10: {  	s11 =	simm.s32 $0x180;
	s12 =	simm.s32 $0xC400;
	s13 =	simm.s32 $0x1  }
0x11: {  	[tilespmem:s12], [sflag:$0x1] =	stream.indirect.gather [hbm4b:s5+s6], $0x80, s11, s6, $0xb8;
	[tilespmem:$0x10400] =	vst v63  }
0x12: {  	_ =	swait.ge [sflag:s13], $0x4000  }
0x13: {  	[sflag:s13] =	ssyncset.done $0x0  }
0x14: {  	[sflag:s13] =	ssyncadd.s32 $0xFFFFC000  }
0x15: {  	_ =	swait.ge [sflag:s13], $0x4000  }
0x16: {  	[sflag:s13] =	ssyncset.done $0x0  }
0x17: {  	[sflag:s13] =	ssyncadd.s32 $0xFFFFC000  }
0x18: {  	_ =	swait.ge [sflag:s13], $0x4000  }
0x19: {  	[sflag:s13] =	ssyncset.done $0x0  }
0x1a: {  	[sflag:s13] =	ssyncadd.s32 $0xFFFFC000  }
0x1b: {  	s15 =	sshll.u32 s15, $0xE;
	_ =	swait.ge [sflag:s13], $0x4000  }
0x1c: {  	s20 =	sadd.s32 s15, s14;
	[sflag:s13] =	ssyncset.done $0x0  }
0x1d: {  	s14 =	sadd.s32 $0x822600, s20;
	[sflag:s13] =	ssyncadd.s32 $0xFFFFC000  }
0x1e: {  	[hbm4b:s14+s2] =	stream.linear.scatter [tilespmem:s7], [sflag:$0x2], $0x10000, $0x38;
	[tilespmem:$0x10400] =	vst v63  }
0x1f: {  	_ =	swait.ge [sflag:s3], $0x10000  }
0x20: {  	[sflag:s3] =	ssyncset.done $0x0  }
0x21: {  	s15 =	simm.s32 $0x200;
	[sflag:s3] =	ssyncadd.s32 $0xFFFF0000  }
0x22: {  	[tilespmem:s7], [sflag:$0x1] =	stream.indirect.gather [hbm4b:s5+s6], $0x80, s15, s6, $0xb8;
	[tilespmem:$0x10400] =	vst v63  }
0x23: {  	s16 =	simm.s32 $0x280  }
0x24: {  	[tilespmem:s8], [sflag:$0x1] =	stream.indirect.gather [hbm4b:s5+s6], $0x80, s16, s6, $0xb8;
	[tilespmem:$0x10400] =	vst v63  }
0x25: {  	s17 =	simm.s32 $0x300  }
0x26: {  	[tilespmem:s10], [sflag:$0x1] =	stream.indirect.gather [hbm4b:s5+s6], $0x80, s17, s6, $0xb8;
	[tilespmem:$0x10400] =	vst v63  }
0x27: {  	s18 =	simm.s32 $0x380  }
0x28: {  	[tilespmem:s12], [sflag:$0x1] =	stream.indirect.gather [hbm4b:s5+s6], $0x80, s18, s6, $0xb8;
	[tilespmem:$0x10400] =	vst v63  }
0x29: {  	_ =	swait.ge [sflag:s13], $0x4000  }
0x2a: {  	[sflag:s13] =	ssyncset.done $0x0  }
0x2b: {  	[sflag:s13] =	ssyncadd.s32 $0xFFFFC000  }
0x2c: {  	_ =	swait.ge [sflag:s13], $0x4000  }
0x2d: {  	[sflag:s13] =	ssyncset.done $0x0  }
0x2e: {  	s19 =	ssub.s32 $0x2, s19;
	[sflag:s13] =	ssyncadd.s32 $0xFFFFC000  }
0x2f: {  	s21 =	sshrl.u32 s19, $0x1;
	_ =	swait.ge [sflag:s13], $0x4000  }
0x30: {  	s21 =	ssub.s32 s19, s21;
	[sflag:s13] =	ssyncset.done $0x0  }
0x31: {  	s31 =	smax.u32 s21, $0x1;
	[sflag:s13] =	ssyncadd.s32 $0xFFFFC000  }
0x32: {  	p0 =	sne.s32 s31, $0x1;
	_ =	swait.ge [sflag:s13], $0x4000  }
.Ltmp0:
0x33: {  	[sflag:s13] =	ssyncset.done $0x0;
	(pc) =	sbr.rel @!p0 .LBB2_2-.Ltmp0, $4  }
0x34: {  	s19 =	sadd.s32 $0x824600, s20;
	[sflag:s13] =	ssyncadd.s32 $0xFFFFC000  }
0x35: {  	[hbm4b:s19+s2] =	stream.linear.scatter [tilespmem:s7], [sflag:$0x2], $0x10000, $0x38;
	[tilespmem:$0x10400] =	vst v63  }
0x36: {  	_ =	swait.ge [sflag:s3], $0x10000  }
0x37: {  	s20 =	sadd.s32 $0xFFFFFFFF, s31;
	[sflag:s3] =	ssyncset.done $0x0  }
.LBB2_1:
0x38: {  	p0 =	sne.s32 s20, $0x1;
	s20 =	sadd.s32 $0xFFFFFFFF, s20;
	[sflag:s3] =	ssyncadd.s32 $0xFFFF0000  }
0x39: {  	[tilespmem:s2], [sflag:$0x2] =	stream.linear.gather [hbm4b:s4+s2], $0x400, $0x38;
	[tilespmem:$0x10400] =	vst v63  }
0x3a: {  	_ =	swait.ge [sflag:s3], $0x400  }
0x3b: {  	[sflag:s3] =	ssyncset.done $0x0  }
0x3c: {  	[sflag:s3] =	ssyncadd.s32 $0xFFFFFC00  }
0x3d: {  	[tilespmem:s7], [sflag:$0x1] =	stream.indirect.gather [hbm4b:s5+s6], $0x80, s2, s6, $0xb8;
	[tilespmem:$0x10400] =	vst v63  }
0x3e: {  	_ = 	snop  }
0x3f: {  	[tilespmem:s8], [sflag:$0x1] =	stream.indirect.gather [hbm4b:s5+s6], $0x80, s6, s6, $0xb8;
	[tilespmem:$0x10400] =	vst v63  }
0x40: {  	_ = 	snop  }
0x41: {  	[tilespmem:s10], [sflag:$0x1] =	stream.indirect.gather [hbm4b:s5+s6], $0x80, s9, s6, $0xb8;
	[tilespmem:$0x10400] =	vst v63  }
0x42: {  	_ = 	snop  }
0x43: {  	[tilespmem:s12], [sflag:$0x1] =	stream.indirect.gather [hbm4b:s5+s6], $0x80, s11, s6, $0xb8;
	[tilespmem:$0x10400] =	vst v63  }
0x44: {  	_ =	swait.ge [sflag:s13], $0x4000  }
0x45: {  	[sflag:s13] =	ssyncset.done $0x0  }
0x46: {  	[sflag:s13] =	ssyncadd.s32 $0xFFFFC000  }
0x47: {  	_ =	swait.ge [sflag:s13], $0x4000  }
0x48: {  	[sflag:s13] =	ssyncset.done $0x0  }
0x49: {  	[sflag:s13] =	ssyncadd.s32 $0xFFFFC000  }
0x4a: {  	_ =	swait.ge [sflag:s13], $0x4000  }
0x4b: {  	[sflag:s13] =	ssyncset.done $0x0  }
0x4c: {  	[sflag:s13] =	ssyncadd.s32 $0xFFFFC000  }
0x4d: {  	_ =	swait.ge [sflag:s13], $0x4000  }
0x4e: {  	[sflag:s13] =	ssyncset.done $0x0  }
0x4f: {  	[sflag:s13] =	ssyncadd.s32 $0xFFFFC000  }
0x50: {  	[hbm4b:s14+s2] =	stream.linear.scatter [tilespmem:s7], [sflag:$0x2], $0x10000, $0x38;
	[tilespmem:$0x10400] =	vst v63  }
0x51: {  	_ =	swait.ge [sflag:s3], $0x10000  }
0x52: {  	[sflag:s3] =	ssyncset.done $0x0  }
0x53: {  	[sflag:s3] =	ssyncadd.s32 $0xFFFF0000  }
0x54: {  	[tilespmem:s7], [sflag:$0x1] =	stream.indirect.gather [hbm4b:s5+s6], $0x80, s15, s6, $0xb8;
	[tilespmem:$0x10400] =	vst v63  }
0x55: {  	_ = 	snop  }
0x56: {  	[tilespmem:s8], [sflag:$0x1] =	stream.indirect.gather [hbm4b:s5+s6], $0x80, s16, s6, $0xb8;
	[tilespmem:$0x10400] =	vst v63  }
0x57: {  	_ = 	snop  }
0x58: {  	[tilespmem:s10], [sflag:$0x1] =	stream.indirect.gather [hbm4b:s5+s6], $0x80, s17, s6, $0xb8;
	[tilespmem:$0x10400] =	vst v63  }
0x59: {  	_ = 	snop  }
0x5a: {  	[tilespmem:s12], [sflag:$0x1] =	stream.indirect.gather [hbm4b:s5+s6], $0x80, s18, s6, $0xb8;
	[tilespmem:$0x10400] =	vst v63  }
0x5b: {  	_ =	swait.ge [sflag:s13], $0x4000  }
0x5c: {  	[sflag:s13] =	ssyncset.done $0x0  }
0x5d: {  	[sflag:s13] =	ssyncadd.s32 $0xFFFFC000  }
0x5e: {  	_ =	swait.ge [sflag:s13], $0x4000  }
0x5f: {  	[sflag:s13] =	ssyncset.done $0x0  }
0x60: {  	[sflag:s13] =	ssyncadd.s32 $0xFFFFC000  }
0x61: {  	_ =	swait.ge [sflag:s13], $0x4000  }
0x62: {  	[sflag:s13] =	ssyncset.done $0x0  }
0x63: {  	[sflag:s13] =	ssyncadd.s32 $0xFFFFC000  }
0x64: {  	_ =	swait.ge [sflag:s13], $0x4000  }
.Ltmp1:
0x65: {  	[sflag:s13] =	ssyncset.done $0x0;
	(pc) =	sbr.rel @p0 .LBB2_1-.Ltmp1, $4  }
0x66: {  	[sflag:s13] =	ssyncadd.s32 $0xFFFFC000  }
0x67: {  	[hbm4b:s19+s2] =	stream.linear.scatter [tilespmem:s7], [sflag:$0x2], $0x10000, $0x38;
	[tilespmem:$0x10400] =	vst v63  }
0x68: {  	_ =	swait.ge [sflag:s3], $0x10000  }
0x69: {  	[sflag:s3] =	ssyncset.done $0x0  }
.LBB2_2:
0x6a: {  	[sflag:s3] =	ssyncadd.s32 $0xFFFF0000  }
0x6b: {  	_ =	sfence.sel $0x180000  }
0x6c: {  	[bflag:$0x0] =	sbarrier.arrive $0xFFFF  }
0x6d: {  	p0 =	sne.s32 s0, $0x0;
	_ =	strace $0x90000047  }
0x6e: {  	s0 =	sadd.s32 @!p0 $0x100000, s1;
	[bflag:$0x2] =	sbarrier.arrive $0xFFFF  }
0x6f: {  	[sflag:s0] =	ssyncadd.tile.s32 @!p0 $0x1;
	_ =	shalt  }
.Lfunc_end2:
_tile_overlayer_lowered:
.L_overlay_start_2:
0x70: {  	(tag) =	ssettag $0x2  }
0x71: {  	s0 =	rddreg [dreg:$0x0];
	s2 =	stileid.u32  }
0x72: {  	s1 =	rddreg [dreg:$0x1];
	p0 =	sne.s32 s2, $0x0  }
0x73: {  	s3 =	rddreg [dreg:$0x2];
	[bflag:$0x3] =	sbarrier.arrive $0xFFFF;
	s2 =	simm.s32 @!p0 $0x1C02  }
0x74: {  	[timem:s3], [sflag:s2] =	dma.local @!p0 [hbm:s0], s1  }
0x75: {  	s0 =	simm.s32 @!p0 $0x2  }
0x76: {  	_ =	swait.ge @!p0 [sflag:s0], s1  }
0x77: {  	s1 =	ssub.s32 @!p0 $0x0, s1;
	[sflag:s0] =	ssyncset.done @!p0 $0x0  }
0x78: {  	[sflag:s0] =	ssyncadd.s32 @!p0 s1  }
0x79: {  	[bflag:$0x3] =	sbarrier.arrive $0xFFFF  }
0x7a: {  	_ =	shalt  }

</sc_bundles>
